<compile_context>
chip_gen: v7x
topology: tpu7x:2x2x1
jax: 0.10.2.dev20260603
libtpu: 0.0.44.dev20260713+nightly
codegen_flags: <defaults>
</compile_context>

<pallas_src>
import functools

import jax
import jax.numpy as jnp
from jax import lax
from jax.experimental import pallas as pl
from jax.experimental.pallas import tpu as pltpu
from jax.experimental.pallas import tpu_sc as plsc

VOCAB = 1000000
D = 64
OUT = 1000
B = 4096
SEQ = 200

NC = 2
NS = 16
NW = NC * NS
B_PER_W = B // NW
HALF = SEQ // 2
HALVES_PER_W = 2 * B_PER_W

S = 8192
HS = S // 2
NF = VOCAB // S
TAILC = VOCAB - NF * S
HT = TAILC // 2
TB = NF * S


def _tc_pack(embT):

    G = 15
    REST = NF - 8 * G

    def body(in_hbm, o_hbm, sl0, sl1, sl2, sl3, sl4, sl5, sl6, sl7,
             ob0, ob1, tbuf, sin0, sin1, sin2, sin3, sin4, sin5, sin6,
             sin7, sout0, sout1, stail):
        g = pl.program_id(0)
        slabs = (sl0, sl1, sl2, sl3, sl4, sl5, sl6, sl7)
        sins = (sin0, sin1, sin2, sin3, sin4, sin5, sin6, sin7)
        obs = (ob0, ob1)
        souts = (sout0, sout1)

        def in_start(chunk, k):
            pltpu.make_async_copy(
                in_hbm.at[:, pl.ds(chunk * S, HS)],
                slabs[k].at[pl.ds(0, D)], sins[k]).start()
            pltpu.make_async_copy(
                in_hbm.at[:, pl.ds(chunk * S + HS, HS)],
                slabs[k].at[pl.ds(D, D)], sins[k]).start()

        def in_wait(k):
            pltpu.make_async_copy(
                in_hbm.at[:, pl.ds(0, HS)],
                slabs[k].at[pl.ds(0, D)], sins[k]).wait()
            pltpu.make_async_copy(
                in_hbm.at[:, pl.ds(0, HS)],
                slabs[k].at[pl.ds(D, D)], sins[k]).wait()

        def out_wait(m):
            pltpu.make_async_copy(
                obs[m], o_hbm.at[pl.ds(0, HS)], souts[m]).wait()

        def emit(k, chunk):
            m = k % 2
            obs[m][...] = jnp.swapaxes(slabs[k][...], 0, 1)
            pltpu.make_async_copy(
                obs[m], o_hbm.at[pl.ds(chunk * HS, HS)], souts[m]).start()

        @pl.when(g == 0)
        def _():
            for c in range(7):
                in_start(c, c)

        for k in range(8):
            c = 8 * g + k
            in_wait(k)
            if k == 0:
                in_start(c + 7, 7)
            else:
                @pl.when(g + 1 < G)
                def _():
                    in_start(c + 7, (k + 7) % 8)
            if k < 2:
                @pl.when(g > 0)
                def _():
                    out_wait(k % 2)
            else:
                out_wait(k % 2)
            emit(k, c)

        @pl.when(g == G - 1)
        def _():
            in_start(8 * G, 0)
            in_start(8 * G + 1, 1)
            in_wait(0)
            out_wait(0)
            emit(0, 8 * G)
            in_wait(1)
            out_wait(1)
            emit(1, 8 * G + 1)

            out_wait(0)
            t1 = pltpu.make_async_copy(
                in_hbm.at[:, pl.ds(TB, 512)], tbuf.at[:, pl.ds(0, 512)],
                stail)
            t1.start()
            t2 = pltpu.make_async_copy(
                in_hbm.at[:, pl.ds(TB + 512, TAILC - 512)],
                tbuf.at[:, pl.ds(512, TAILC - 512)], stail)
            t2.start()
            t1.wait()
            t2.wait()
            ob0[pl.ds(0, HT), pl.ds(0, D)] = (
                jnp.swapaxes(tbuf[:, pl.ds(0, HT)], 0, 1))
            ob0[pl.ds(0, HT), pl.ds(D, D)] = (
                jnp.swapaxes(tbuf[:, pl.ds(HT, HT)], 0, 1))
            to = pltpu.make_async_copy(
                ob0.at[pl.ds(0, HT)], o_hbm.at[pl.ds(NF * HS, HT)], stail)
            to.start()
            to.wait()
            out_wait(1)

    assert REST == 2
    return pl.pallas_call(
        body,
        grid=(G,),
        in_specs=[pl.BlockSpec(memory_space=pl.ANY)],
        out_specs=pl.BlockSpec(memory_space=pl.ANY),
        out_shape=jax.ShapeDtypeStruct((VOCAB // 2, 2 * D), jnp.float32),
        scratch_shapes=(
            [pltpu.VMEM((2 * D, HS), jnp.float32)] * 8
            + [pltpu.VMEM((HS, 2 * D), jnp.float32)] * 2
            + [pltpu.VMEM((D, TAILC), jnp.float32)]
            + [pltpu.SemaphoreType.DMA] * 11
        ),
    )(embT)


def _tc_xform(x2):

    def body(x_ref, o_ref):
        v = x_ref[...]
        t = jnp.bitwise_and(v, S - 1)
        h = (t >= HS).astype(jnp.int32)
        q_main = v + t - (S - 1) * h
        t2 = v - TB
        h2 = (t2 >= HT).astype(jnp.int32)
        q_tail = v + t2 - (TAILC - 1) * h2
        o_ref[...] = jnp.where(v >= TB, q_tail, q_main)

    return pl.pallas_call(
        body,
        grid=(8,),
        in_specs=[pl.BlockSpec((2 * B // 8, HALF), lambda i: (i, 0))],
        out_specs=pl.BlockSpec((2 * B // 8, HALF), lambda i: (i, 0)),
        out_shape=jax.ShapeDtypeStruct((2 * B, HALF), jnp.int32),
    )(x2)


def _sc_pool(x2, emb):
    mesh = plsc.VectorSubcoreMesh(core_axis_name="c", subcore_axis_name="s")

    @functools.partial(
        pl.kernel,
        out_type=jax.ShapeDtypeStruct((B, D), jnp.float32),
        mesh=mesh,
        compiler_params=pltpu.CompilerParams(use_tc_tiling_on_sc=False),
        scratch_types=(
            [pltpu.VMEM((HALVES_PER_W, HALF), jnp.int32)]
            + [pltpu.VMEM((HALF, D), jnp.float32)] * 8
            + [pltpu.VMEM((B_PER_W, D), jnp.float32)]
            + [pltpu.SemaphoreType.DMA] * 8
        ),
    )
    def k(x_hbm, emb_hbm, out_hbm, idx_v, r0, r1, r2, r3, r4, r5, r6, r7,
          pooled_v, s0, s1, s2, s3, s4, s5, s6, s7):
        wid = lax.axis_index("s") * NC + lax.axis_index("c")
        base_half = wid * HALVES_PER_W
        pltpu.sync_copy(x_hbm.at[pl.ds(base_half, HALVES_PER_W)], idx_v)

        bufs = (r0, r1, r2, r3, r4, r5, r6, r7)
        sems = (s0, s1, s2, s3, s4, s5, s6, s7)

        def fire(h, k):
            pltpu.async_copy(emb_hbm.at[idx_v.at[h]], bufs[k], sems[k])

        def wait(h, k):
            pltpu.make_async_copy(
                emb_hbm.at[idx_v.at[h]], bufs[k], sems[k]).wait()

        def accumulate(rows_ref, accs):
            def seq_body(s, accs):
                a0, a1, a2, a3 = accs
                return (a0 + rows_ref[s, pl.ds(0, 16)],
                        a1 + rows_ref[s, pl.ds(16, 16)],
                        a2 + rows_ref[s, pl.ds(32, 16)],
                        a3 + rows_ref[s, pl.ds(48, 16)])
            return lax.fori_loop(0, HALF, seq_body, accs, unroll=4)

        def store_row(i, accs):
            a0, a1, a2, a3 = accs
            pooled_v[i, pl.ds(0, 16)] = a0
            pooled_v[i, pl.ds(16, 16)] = a1
            pooled_v[i, pl.ds(32, 16)] = a2
            pooled_v[i, pl.ds(48, 16)] = a3

        for c in range(7):
            fire(c, c)

        def quad_body(j, _):
            base = 8 * j
            z = jnp.zeros((16,), jnp.float32)

            def step(c, k):
                wait(c, k)

                @pl.when(c + 7 < HALVES_PER_W)
                def _():
                    fire(c + 7, (k + 7) % 8)

            for r in range(4):
                c = base + 2 * r
                k0, k1 = 2 * r, 2 * r + 1
                step(c, k0)
                accs = accumulate(bufs[k0], (z, z, z, z))
                step(c + 1, k1)
                store_row(4 * j + r, accumulate(bufs[k1], accs))
            return 0

        lax.fori_loop(0, B_PER_W // 4, quad_body, 0)
        pltpu.sync_copy(pooled_v, out_hbm.at[pl.ds(wid * B_PER_W, B_PER_W)])

    return k(x2, emb)


def _tc_head(sums, wt, bcol):
    BLK = 512

    def body(p_ref, wt_ref, b_ref, o_ref):
        lt = lax.dot_general(
            wt_ref[...], p_ref[...], (((0,), (1,)), ((), ())),
            preferred_element_type=jnp.float32) + b_ref[...]
        m = jnp.max(lt, axis=0, keepdims=True)
        e = jnp.exp(lt - m)
        o_ref[...] = e / jnp.sum(e, axis=0, keepdims=True)

    return pl.pallas_call(
        body,
        grid=(B // BLK,),
        in_specs=[
            pl.BlockSpec((BLK, D), lambda i: (i, 0)),
            pl.BlockSpec((D, OUT), lambda i: (0, 0)),
            pl.BlockSpec((OUT, 1), lambda i: (0, 0)),
        ],
        out_specs=pl.BlockSpec((OUT, BLK), lambda i: (0, i)),
        out_shape=jax.ShapeDtypeStruct((OUT, B), jnp.float32),
    )(sums, wt, bcol)


def kernel(x, emb, W, b):
    xq = _tc_xform(x.reshape(2 * B, HALF).astype(jnp.int32))
    emb_lin = _tc_pack(emb.T).reshape(VOCAB, D)
    sums = _sc_pool(xq, emb_lin)
    wt = W.T * (1.0 / SEQ)
    return _tc_head(sums, wt, b.reshape(OUT, 1)).T

# --- scband reference (transcript-rebuilt; emitter-appended) ---
"""Pipeline reference for scband-fast-text-model-58274116272417 (READ-ONLY COPY).

The authoritative reference and input builder live on the scoring server;
editing this copy changes nothing except your own understanding.
"""

import jax, jax.numpy as jnp
import numpy as np

VOCAB = 1000000
EMBED_DIM = 64
OUTPUT_SIZE = 1000
BATCH = 4096
SEQ = 200


def setup_inputs(seed: int = 0) -> dict:
    key = jax.random.key(seed)
    k1, k2, k3, k4 = jax.random.split(key, 4)
    x = jax.random.randint(k1, (BATCH, SEQ), 0, VOCAB)
    emb = jax.random.normal(k2, (VOCAB, EMBED_DIM), dtype=jnp.float32) * 0.02
    W = jax.random.normal(k3, (OUTPUT_SIZE, EMBED_DIM), dtype=jnp.float32) * 0.02
    b = jnp.zeros((OUTPUT_SIZE,), dtype=jnp.float32)
    return {"x": x, "emb": emb, "W": W, "b": b}


def reference(x, emb, W, b):
    # nn.Embedding lookup: gather rows of the table
    embedded = jnp.take(emb, x, axis=0)          # [B, L, D]
    # torch.mean(embedded, dim=1)
    averaged = jnp.mean(embedded, axis=1)        # [B, D]
    # nn.Linear
    output = averaged @ W.T + b                  # [B, OUTPUT_SIZE]
    # nn.Softmax(dim=1)
    return jax.nn.softmax(output, axis=1)

if __name__ == "__main__":
    import jax
    _d = setup_inputs()
    print(jax.jit(kernel)(*tuple(_d.values())))

</pallas_src>

<mosaic_0001>
#map = affine_map<(d0, d1) -> (0, 0)>
module attributes {stable_mosaic.version = 14 : i64} {
  func.func @k(%arg0: i32, %arg1: i32, %arg2: memref<8192x100xi32, #tpu.memory_space<hbm>>, %arg3: memref<1000000x64xf32, #tpu.memory_space<hbm>>, %arg4: memref<4096x64xf32, #tpu.memory_space<hbm>>, %arg5: memref<256x100xi32, #tpu.memory_space<vmem>>, %arg6: memref<100x64xf32, #tpu.memory_space<vmem>>, %arg7: memref<100x64xf32, #tpu.memory_space<vmem>>, %arg8: memref<100x64xf32, #tpu.memory_space<vmem>>, %arg9: memref<100x64xf32, #tpu.memory_space<vmem>>, %arg10: memref<100x64xf32, #tpu.memory_space<vmem>>, %arg11: memref<100x64xf32, #tpu.memory_space<vmem>>, %arg12: memref<100x64xf32, #tpu.memory_space<vmem>>, %arg13: memref<100x64xf32, #tpu.memory_space<vmem>>, %arg14: memref<128x64xf32, #tpu.memory_space<vmem>>, %arg15: memref<!tpu.dma_semaphore, #tpu.memory_space<semaphore_mem>>, %arg16: memref<!tpu.dma_semaphore, #tpu.memory_space<semaphore_mem>>, %arg17: memref<!tpu.dma_semaphore, #tpu.memory_space<semaphore_mem>>, %arg18: memref<!tpu.dma_semaphore, #tpu.memory_space<semaphore_mem>>, %arg19: memref<!tpu.dma_semaphore, #tpu.memory_space<semaphore_mem>>, %arg20: memref<!tpu.dma_semaphore, #tpu.memory_space<semaphore_mem>>, %arg21: memref<!tpu.dma_semaphore, #tpu.memory_space<semaphore_mem>>, %arg22: memref<!tpu.dma_semaphore, #tpu.memory_space<semaphore_mem>>) attributes {dimension_semantics = [#tpu.dimension_semantics<core_parallel>, #tpu.dimension_semantics<subcore_parallel>], iteration_bounds = array<i64: 2, 16>, scalar_prefetch = 0 : i64, scratch_operands = 18 : i64, tpu.core_type = #tpu.core_type<sc_vector_subcore>, window_params = [{transform_indices = #map}, {transform_indices = #map}, {transform_indices = #map}]} {
    %mul3A = arith.constant 2 : i32
    %mul3A_0 = arith.muli %arg1, %mul3A : i32
    %add3A = arith.addi %mul3A_0, %arg0 : i32
    %mul3A_1 = arith.constant 256 : i32
    %mul3A_2 = arith.muli %add3A, %mul3A_1 : i32
    "tpu.region"() ({
      %run_scoped3A = tpu.sem_alloc : memref<!tpu.dma_semaphore, #tpu.memory_space<semaphore_mem>>
      %dma_start3A_59 = arith.constant 0 : i32
      %dma_start3A_60 = tpu.memref_slice %arg2[%mul3A_2, %dma_start3A_59] : memref<8192x100xi32, #tpu.memory_space<hbm>> -> memref<256x100xi32, #tpu.memory_space<hbm>>
      %dma_start3A_61 = arith.constant 0 : i32
      %dma_start3A_62 = tpu.memref_slice %arg2[%mul3A_2, %dma_start3A_61] : memref<8192x100xi32, #tpu.memory_space<hbm>> -> memref<256x100xi32, #tpu.memory_space<hbm>>
      tpu.enqueue_dma source(%dma_start3A_62 : memref<256x100xi32, #tpu.memory_space<hbm>>) target(%arg5 : memref<256x100xi32, #tpu.memory_space<vmem>>) target_semaphore(%run_scoped3A : memref<!tpu.dma_semaphore, #tpu.memory_space<semaphore_mem>>)
      %dma_wait3A = arith.constant 0 : i32
      %dma_wait3A_63 = tpu.memref_slice %arg2[%mul3A_2, %dma_wait3A] : memref<8192x100xi32, #tpu.memory_space<hbm>> -> memref<256x100xi32, #tpu.memory_space<hbm>>
      %dma_wait3A_64 = arith.constant 0 : i32
      %dma_wait3A_65 = tpu.memref_slice %arg2[%mul3A_2, %dma_wait3A_64] : memref<8192x100xi32, #tpu.memory_space<hbm>> -> memref<256x100xi32, #tpu.memory_space<hbm>>
      tpu.wait_dma2 semaphore(%run_scoped3A : memref<!tpu.dma_semaphore, #tpu.memory_space<semaphore_mem>>) src(%dma_wait3A_65 : memref<256x100xi32, #tpu.memory_space<hbm>>) dst(%arg5 : memref<256x100xi32, #tpu.memory_space<vmem>>)
      tpu.yield
    }) : () -> ()
    %dma_start3A = arith.constant 0 : i32
    %dma_start3A_3 = arith.constant 0 : i32
    %dma_start3A_4 = tpu.memref_slice %arg5[%dma_start3A, %dma_start3A_3] : memref<256x100xi32, #tpu.memory_space<vmem>> -> memref<1x100xi32, #tpu.memory_space<vmem>>
    %dma_start3A_5 = tpu.memref_squeeze %dma_start3A_4 : memref<1x100xi32, #tpu.memory_space<vmem>> -> memref<100xi32, #tpu.memory_space<vmem>>
    %dma_start3A_6 = arith.constant 0 : i32
    %dma_start3A_7 = arith.constant 0 : i32
    %dma_start3A_8 = tpu.memref_slice %arg3[%dma_start3A_6, %dma_start3A_7] : memref<1000000x64xf32, #tpu.memory_space<hbm>> -> memref<1000000x64xf32, #tpu.memory_space<hbm>>
    tpu.enqueue_indirect_dma source(%dma_start3A_8 : memref<1000000x64xf32, #tpu.memory_space<hbm>>) target(%arg6 : memref<100x64xf32, #tpu.memory_space<vmem>>) offsets(%dma_start3A_5 : memref<100xi32, #tpu.memory_space<vmem>>) semaphore(%arg15 : memref<!tpu.dma_semaphore, #tpu.memory_space<semaphore_mem>>)
    %dma_start3A_9 = arith.constant 1 : i32
    %dma_start3A_10 = arith.constant 0 : i32
    %dma_start3A_11 = tpu.memref_slice %arg5[%dma_start3A_9, %dma_start3A_10] : memref<256x100xi32, #tpu.memory_space<vmem>> -> memref<1x100xi32, #tpu.memory_space<vmem>>
    %dma_start3A_12 = tpu.memref_squeeze %dma_start3A_11 : memref<1x100xi32, #tpu.memory_space<vmem>> -> memref<100xi32, #tpu.memory_space<vmem>>
    %dma_start3A_13 = arith.constant 0 : i32
    %dma_start3A_14 = arith.constant 0 : i32
    %dma_start3A_15 = tpu.memref_slice %arg3[%dma_start3A_13, %dma_start3A_14] : memref<1000000x64xf32, #tpu.memory_space<hbm>> -> memref<1000000x64xf32, #tpu.memory_space<hbm>>
    tpu.enqueue_indirect_dma source(%dma_start3A_15 : memref<1000000x64xf32, #tpu.memory_space<hbm>>) target(%arg7 : memref<100x64xf32, #tpu.memory_space<vmem>>) offsets(%dma_start3A_12 : memref<100xi32, #tpu.memory_space<vmem>>) semaphore(%arg16 : memref<!tpu.dma_semaphore, #tpu.memory_space<semaphore_mem>>)
    %dma_start3A_16 = arith.constant 2 : i32
    %dma_start3A_17 = arith.constant 0 : i32
    %dma_start3A_18 = tpu.memref_slice %arg5[%dma_start3A_16, %dma_start3A_17] : memref<256x100xi32, #tpu.memory_space<vmem>> -> memref<1x100xi32, #tpu.memory_space<vmem>>
    %dma_start3A_19 = tpu.memref_squeeze %dma_start3A_18 : memref<1x100xi32, #tpu.memory_space<vmem>> -> memref<100xi32, #tpu.memory_space<vmem>>
    %dma_start3A_20 = arith.constant 0 : i32
    %dma_start3A_21 = arith.constant 0 : i32
    %dma_start3A_22 = tpu.memref_slice %arg3[%dma_start3A_20, %dma_start3A_21] : memref<1000000x64xf32, #tpu.memory_space<hbm>> -> memref<1000000x64xf32, #tpu.memory_space<hbm>>
    tpu.enqueue_indirect_dma source(%dma_start3A_22 : memref<1000000x64xf32, #tpu.memory_space<hbm>>) target(%arg8 : memref<100x64xf32, #tpu.memory_space<vmem>>) offsets(%dma_start3A_19 : memref<100xi32, #tpu.memory_space<vmem>>) semaphore(%arg17 : memref<!tpu.dma_semaphore, #tpu.memory_space<semaphore_mem>>)
    %dma_start3A_23 = arith.constant 3 : i32
    %dma_start3A_24 = arith.constant 0 : i32
    %dma_start3A_25 = tpu.memref_slice %arg5[%dma_start3A_23, %dma_start3A_24] : memref<256x100xi32, #tpu.memory_space<vmem>> -> memref<1x100xi32, #tpu.memory_space<vmem>>
    %dma_start3A_26 = tpu.memref_squeeze %dma_start3A_25 : memref<1x100xi32, #tpu.memory_space<vmem>> -> memref<100xi32, #tpu.memory_space<vmem>>
    %dma_start3A_27 = arith.constant 0 : i32
    %dma_start3A_28 = arith.constant 0 : i32
    %dma_start3A_29 = tpu.memref_slice %arg3[%dma_start3A_27, %dma_start3A_28] : memref<1000000x64xf32, #tpu.memory_space<hbm>> -> memref<1000000x64xf32, #tpu.memory_space<hbm>>
    tpu.enqueue_indirect_dma source(%dma_start3A_29 : memref<1000000x64xf32, #tpu.memory_space<hbm>>) target(%arg9 : memref<100x64xf32, #tpu.memory_space<vmem>>) offsets(%dma_start3A_26 : memref<100xi32, #tpu.memory_space<vmem>>) semaphore(%arg18 : memref<!tpu.dma_semaphore, #tpu.memory_space<semaphore_mem>>)
    %dma_start3A_30 = arith.constant 4 : i32
    %dma_start3A_31 = arith.constant 0 : i32
    %dma_start3A_32 = tpu.memref_slice %arg5[%dma_start3A_30, %dma_start3A_31] : memref<256x100xi32, #tpu.memory_space<vmem>> -> memref<1x100xi32, #tpu.memory_space<vmem>>
    %dma_start3A_33 = tpu.memref_squeeze %dma_start3A_32 : memref<1x100xi32, #tpu.memory_space<vmem>> -> memref<100xi32, #tpu.memory_space<vmem>>
    %dma_start3A_34 = arith.constant 0 : i32
    %dma_start3A_35 = arith.constant 0 : i32
    %dma_start3A_36 = tpu.memref_slice %arg3[%dma_start3A_34, %dma_start3A_35] : memref<1000000x64xf32, #tpu.memory_space<hbm>> -> memref<1000000x64xf32, #tpu.memory_space<hbm>>
    tpu.enqueue_indirect_dma source(%dma_start3A_36 : memref<1000000x64xf32, #tpu.memory_space<hbm>>) target(%arg10 : memref<100x64xf32, #tpu.memory_space<vmem>>) offsets(%dma_start3A_33 : memref<100xi32, #tpu.memory_space<vmem>>) semaphore(%arg19 : memref<!tpu.dma_semaphore, #tpu.memory_space<semaphore_mem>>)
    %dma_start3A_37 = arith.constant 5 : i32
    %dma_start3A_38 = arith.constant 0 : i32
    %dma_start3A_39 = tpu.memref_slice %arg5[%dma_start3A_37, %dma_start3A_38] : memref<256x100xi32, #tpu.memory_space<vmem>> -> memref<1x100xi32, #tpu.memory_space<vmem>>
    %dma_start3A_40 = tpu.memref_squeeze %dma_start3A_39 : memref<1x100xi32, #tpu.memory_space<vmem>> -> memref<100xi32, #tpu.memory_space<vmem>>
    %dma_start3A_41 = arith.constant 0 : i32
    %dma_start3A_42 = arith.constant 0 : i32
    %dma_start3A_43 = tpu.memref_slice %arg3[%dma_start3A_41, %dma_start3A_42] : memref<1000000x64xf32, #tpu.memory_space<hbm>> -> memref<1000000x64xf32, #tpu.memory_space<hbm>>
    tpu.enqueue_indirect_dma source(%dma_start3A_43 : memref<1000000x64xf32, #tpu.memory_space<hbm>>) target(%arg11 : memref<100x64xf32, #tpu.memory_space<vmem>>) offsets(%dma_start3A_40 : memref<100xi32, #tpu.memory_space<vmem>>) semaphore(%arg20 : memref<!tpu.dma_semaphore, #tpu.memory_space<semaphore_mem>>)
    %dma_start3A_44 = arith.constant 6 : i32
    %dma_start3A_45 = arith.constant 0 : i32
    %dma_start3A_46 = tpu.memref_slice %arg5[%dma_start3A_44, %dma_start3A_45] : memref<256x100xi32, #tpu.memory_space<vmem>> -> memref<1x100xi32, #tpu.memory_space<vmem>>
    %dma_start3A_47 = tpu.memref_squeeze %dma_start3A_46 : memref<1x100xi32, #tpu.memory_space<vmem>> -> memref<100xi32, #tpu.memory_space<vmem>>
    %dma_start3A_48 = arith.constant 0 : i32
    %dma_start3A_49 = arith.constant 0 : i32
    %dma_start3A_50 = tpu.memref_slice %arg3[%dma_start3A_48, %dma_start3A_49] : memref<1000000x64xf32, #tpu.memory_space<hbm>> -> memref<1000000x64xf32, #tpu.memory_space<hbm>>
    tpu.enqueue_indirect_dma source(%dma_start3A_50 : memref<1000000x64xf32, #tpu.memory_space<hbm>>) target(%arg12 : memref<100x64xf32, #tpu.memory_space<vmem>>) offsets(%dma_start3A_47 : memref<100xi32, #tpu.memory_space<vmem>>) semaphore(%arg21 : memref<!tpu.dma_semaphore, #tpu.memory_space<semaphore_mem>>)
    %scan3A = arith.constant 0 : i32
    %scan3A_51 = arith.constant 0 : i32
    %scan3A_52 = arith.constant 32 : i32
    %scan3A_53 = arith.addi %scan3A_51, %scan3A_52 : i32
    %scan3A_54 = arith.constant 1 : i32
    %scan3A_55 = scf.for %scan3A_59 = %scan3A_51 to %scan3A_53 step %scan3A_54 iter_args(%scan3A_60 = %scan3A) -> (i32)  : i32 {
      %mul3A_61 = arith.constant 8 : i32
      %mul3A_62 = arith.muli %mul3A_61, %scan3A_59 : i32
      %broadcast_in_dim3A = arith.constant 0.000000e+00 : f32
      %broadcast_in_dim3A_63 = vector.broadcast %broadcast_in_dim3A : f32 to vector<16xf32>
      %add3A_64 = arith.constant 0 : i32
      %add3A_65 = arith.addi %mul3A_62, %add3A_64 : i32
      %dma_wait3A = arith.constant 0 : i32
      %dma_wait3A_66 = tpu.memref_slice %arg5[%add3A_65, %dma_wait3A] : memref<256x100xi32, #tpu.memory_space<vmem>> -> memref<1x100xi32, #tpu.memory_space<vmem>>
      %dma_wait3A_67 = tpu.memref_squeeze %dma_wait3A_66 : memref<1x100xi32, #tpu.memory_space<vmem>> -> memref<100xi32, #tpu.memory_space<vmem>>
      %dma_wait3A_68 = arith.constant 0 : i32
      %dma_wait3A_69 = arith.constant 0 : i32
      %dma_wait3A_70 = tpu.memref_slice %arg3[%dma_wait3A_68, %dma_wait3A_69] : memref<1000000x64xf32, #tpu.memory_space<hbm>> -> memref<1000000x64xf32, #tpu.memory_space<hbm>>
      tpu.wait_indirect_dma semaphore(%arg15 : memref<!tpu.dma_semaphore, #tpu.memory_space<semaphore_mem>>) src(%dma_wait3A_70 : memref<1000000x64xf32, #tpu.memory_space<hbm>>) dst(%arg6 : memref<100x64xf32, #tpu.memory_space<vmem>>)
      %add3A_71 = arith.constant 7 : i32
      %add3A_72 = arith.addi %add3A_65, %add3A_71 : i32
      %lt3A = arith.constant 256 : i32
      %lt3A_73 = arith.cmpi slt, %add3A_72, %lt3A : i32
      %convert_element_type3A = arith.extui %lt3A_73 : i1 to i32
      %cond3A = arith.constant 0 : i32
      %cond3A_74 = arith.cmpi ne, %convert_element_type3A, %cond3A : i32
      scf.if %cond3A_74 {
        %add3A_324 = arith.constant 7 : i32
        %add3A_325 = arith.addi %add3A_65, %add3A_324 : i32
        %dma_start3A_326 = arith.constant 0 : i32
        %dma_start3A_327 = tpu.memref_slice %arg5[%add3A_325, %dma_start3A_326] : memref<256x100xi32, #tpu.memory_space<vmem>> -> memref<1x100xi32, #tpu.memory_space<vmem>>
        %dma_start3A_328 = tpu.memref_squeeze %dma_start3A_327 : memref<1x100xi32, #tpu.memory_space<vmem>> -> memref<100xi32, #tpu.memory_space<vmem>>
        %dma_start3A_329 = arith.constant 0 : i32
        %dma_start3A_330 = arith.constant 0 : i32
        %dma_start3A_331 = tpu.memref_slice %arg3[%dma_start3A_329, %dma_start3A_330] : memref<1000000x64xf32, #tpu.memory_space<hbm>> -> memref<1000000x64xf32, #tpu.memory_space<hbm>>
        tpu.enqueue_indirect_dma source(%dma_start3A_331 : memref<1000000x64xf32, #tpu.memory_space<hbm>>) target(%arg13 : memref<100x64xf32, #tpu.memory_space<vmem>>) offsets(%dma_start3A_328 : memref<100xi32, #tpu.memory_space<vmem>>) semaphore(%arg22 : memref<!tpu.dma_semaphore, #tpu.memory_space<semaphore_mem>>)
      } else {
      }
      %scan3A_75 = arith.constant 0 : i32
      %scan3A_76 = arith.constant 100 : i32
      %scan3A_77 = arith.addi %scan3A_75, %scan3A_76 : i32
      %scan3A_78 = arith.constant 4 : i32
      %scan3A_79:4 = scf.for %scan3A_324 = %scan3A_75 to %scan3A_77 step %scan3A_78 iter_args(%scan3A_325 = %broadcast_in_dim3A_63, %scan3A_326 = %broadcast_in_dim3A_63, %scan3A_327 = %broadcast_in_dim3A_63, %scan3A_328 = %broadcast_in_dim3A_63) -> (vector<16xf32>, vector<16xf32>, vector<16xf32>, vector<16xf32>)  : i32 {
        %get3A = arith.index_cast %scan3A_324 : i32 to index
        %get3A_329 = arith.constant 0 : index
        %get3A_330 = tpu.vector_load %arg6[%get3A, %get3A_329] {strides = array<i32>} : memref<100x64xf32, #tpu.memory_space<vmem>>, vector<1x16xf32>,
        %get3A_331 = vector.shape_cast %get3A_330 : vector<1x16xf32> to vector<16xf32>
        %add3A_332 = arith.addf %scan3A_325, %get3A_331 : vector<16xf32>
        %get3A_333 = arith.index_cast %scan3A_324 : i32 to index
        %get3A_334 = arith.constant 16 : index
        %get3A_335 = tpu.vector_load %arg6[%get3A_333, %get3A_334] {strides = array<i32>} : memref<100x64xf32, #tpu.memory_space<vmem>>, vector<1x16xf32>,
        %get3A_336 = vector.shape_cast %get3A_335 : vector<1x16xf32> to vector<16xf32>
        %add3A_337 = arith.addf %scan3A_326, %get3A_336 : vector<16xf32>
        %get3A_338 = arith.index_cast %scan3A_324 : i32 to index
        %get3A_339 = arith.constant 32 : index
        %get3A_340 = tpu.vector_load %arg6[%get3A_338, %get3A_339] {strides = array<i32>} : memref<100x64xf32, #tpu.memory_space<vmem>>, vector<1x16xf32>,
        %get3A_341 = vector.shape_cast %get3A_340 : vector<1x16xf32> to vector<16xf32>
        %add3A_342 = arith.addf %scan3A_327, %get3A_341 : vector<16xf32>
        %get3A_343 = arith.index_cast %scan3A_324 : i32 to index
        %get3A_344 = arith.constant 48 : index
        %get3A_345 = tpu.vector_load %arg6[%get3A_343, %get3A_344] {strides = array<i32>} : memref<100x64xf32, #tpu.memory_space<vmem>>, vector<1x16xf32>,
        %get3A_346 = vector.shape_cast %get3A_345 : vector<1x16xf32> to vector<16xf32>
        %add3A_347 = arith.addf %scan3A_328, %get3A_346 : vector<16xf32>
        %scan3A_348 = arith.constant 1 : i32
        %scan3A_349 = arith.addi %scan3A_324, %scan3A_348 : i32
        %get3A_350 = arith.index_cast %scan3A_349 : i32 to index
        %get3A_351 = arith.constant 0 : index
        %get3A_352 = tpu.vector_load %arg6[%get3A_350, %get3A_351] {strides = array<i32>} : memref<100x64xf32, #tpu.memory_space<vmem>>, vector<1x16xf32>,
        %get3A_353 = vector.shape_cast %get3A_352 : vector<1x16xf32> to vector<16xf32>
        %add3A_354 = arith.addf %add3A_332, %get3A_353 : vector<16xf32>
        %get3A_355 = arith.index_cast %scan3A_349 : i32 to index
        %get3A_356 = arith.constant 16 : index
        %get3A_357 = tpu.vector_load %arg6[%get3A_355, %get3A_356] {strides = array<i32>} : memref<100x64xf32, #tpu.memory_space<vmem>>, vector<1x16xf32>,
        %get3A_358 = vector.shape_cast %get3A_357 : vector<1x16xf32> to vector<16xf32>
        %add3A_359 = arith.addf %add3A_337, %get3A_358 : vector<16xf32>
        %get3A_360 = arith.index_cast %scan3A_349 : i32 to index
        %get3A_361 = arith.constant 32 : index
        %get3A_362 = tpu.vector_load %arg6[%get3A_360, %get3A_361] {strides = array<i32>} : memref<100x64xf32, #tpu.memory_space<vmem>>, vector<1x16xf32>,
        %get3A_363 = vector.shape_cast %get3A_362 : vector<1x16xf32> to vector<16xf32>
        %add3A_364 = arith.addf %add3A_342, %get3A_363 : vector<16xf32>
        %get3A_365 = arith.index_cast %scan3A_349 : i32 to index
        %get3A_366 = arith.constant 48 : index
        %get3A_367 = tpu.vector_load %arg6[%get3A_365, %get3A_366] {strides = array<i32>} : memref<100x64xf32, #tpu.memory_space<vmem>>, vector<1x16xf32>,
        %get3A_368 = vector.shape_cast %get3A_367 : vector<1x16xf32> to vector<16xf32>
        %add3A_369 = arith.addf %add3A_347, %get3A_368 : vector<16xf32>
        %scan3A_370 = arith.constant 2 : i32
        %scan3A_371 = arith.addi %scan3A_324, %scan3A_370 : i32
        %get3A_372 = arith.index_cast %scan3A_371 : i32 to index
        %get3A_373 = arith.constant 0 : index
        %get3A_374 = tpu.vector_load %arg6[%get3A_372, %get3A_373] {strides = array<i32>} : memref<100x64xf32, #tpu.memory_space<vmem>>, vector<1x16xf32>,
        %get3A_375 = vector.shape_cast %get3A_374 : vector<1x16xf32> to vector<16xf32>
        %add3A_376 = arith.addf %add3A_354, %get3A_375 : vector<16xf32>
        %get3A_377 = arith.index_cast %scan3A_371 : i32 to index
        %get3A_378 = arith.constant 16 : index
        %get3A_379 = tpu.vector_load %arg6[%get3A_377, %get3A_378] {strides = array<i32>} : memref<100x64xf32, #tpu.memory_space<vmem>>, vector<1x16xf32>,
        %get3A_380 = vector.shape_cast %get3A_379 : vector<1x16xf32> to vector<16xf32>
        %add3A_381 = arith.addf %add3A_359, %get3A_380 : vector<16xf32>
        %get3A_382 = arith.index_cast %scan3A_371 : i32 to index
        %get3A_383 = arith.constant 32 : index
        %get3A_384 = tpu.vector_load %arg6[%get3A_382, %get3A_383] {strides = array<i32>} : memref<100x64xf32, #tpu.memory_space<vmem>>, vector<1x16xf32>,
        %get3A_385 = vector.shape_cast %get3A_384 : vector<1x16xf32> to vector<16xf32>
        %add3A_386 = arith.addf %add3A_364, %get3A_385 : vector<16xf32>
        %get3A_387 = arith.index_cast %scan3A_371 : i32 to index
        %get3A_388 = arith.constant 48 : index
        %get3A_389 = tpu.vector_load %arg6[%get3A_387, %get3A_388] {strides = array<i32>} : memref<100x64xf32, #tpu.memory_space<vmem>>, vector<1x16xf32>,
        %get3A_390 = vector.shape_cast %get3A_389 : vector<1x16xf32> to vector<16xf32>
        %add3A_391 = arith.addf %add3A_369, %get3A_390 : vector<16xf32>
        %scan3A_392 = arith.constant 3 : i32
        %scan3A_393 = arith.addi %scan3A_324, %scan3A_392 : i32
        %get3A_394 = arith.index_cast %scan3A_393 : i32 to index
        %get3A_395 = arith.constant 0 : index
        %get3A_396 = tpu.vector_load %arg6[%get3A_394, %get3A_395] {strides = array<i32>} : memref<100x64xf32, #tpu.memory_space<vmem>>, vector<1x16xf32>,
        %get3A_397 = vector.shape_cast %get3A_396 : vector<1x16xf32> to vector<16xf32>
        %add3A_398 = arith.addf %add3A_376, %get3A_397 : vector<16xf32>
        %get3A_399 = arith.index_cast %scan3A_393 : i32 to index
        %get3A_400 = arith.constant 16 : index
        %get3A_401 = tpu.vector_load %arg6[%get3A_399, %get3A_400] {strides = array<i32>} : memref<100x64xf32, #tpu.memory_space<vmem>>, vector<1x16xf32>,
        %get3A_402 = vector.shape_cast %get3A_401 : vector<1x16xf32> to vector<16xf32>
        %add3A_403 = arith.addf %add3A_381, %get3A_402 : vector<16xf32>
        %get3A_404 = arith.index_cast %scan3A_393 : i32 to index
        %get3A_405 = arith.constant 32 : index
        %get3A_406 = tpu.vector_load %arg6[%get3A_404, %get3A_405] {strides = array<i32>} : memref<100x64xf32, #tpu.memory_space<vmem>>, vector<1x16xf32>,
        %get3A_407 = vector.shape_cast %get3A_406 : vector<1x16xf32> to vector<16xf32>
        %add3A_408 = arith.addf %add3A_386, %get3A_407 : vector<16xf32>
        %get3A_409 = arith.index_cast %scan3A_393 : i32 to index
        %get3A_410 = arith.constant 48 : index
        %get3A_411 = tpu.vector_load %arg6[%get3A_409, %get3A_410] {strides = array<i32>} : memref<100x64xf32, #tpu.memory_space<vmem>>, vector<1x16xf32>,
        %get3A_412 = vector.shape_cast %get3A_411 : vector<1x16xf32> to vector<16xf32>
        %add3A_413 = arith.addf %add3A_391, %get3A_412 : vector<16xf32>
        scf.yield %add3A_398, %add3A_403, %add3A_408, %add3A_413 : vector<16xf32>, vector<16xf32>, vector<16xf32>, vector<16xf32>
      }
      %scan3A_80 = arith.constant 100 : i32
      %add3A_81 = arith.constant 1 : i32
      %add3A_82 = arith.addi %add3A_65, %add3A_81 : i32
      %dma_wait3A_83 = arith.constant 0 : i32
      %dma_wait3A_84 = tpu.memref_slice %arg5[%add3A_82, %dma_wait3A_83] : memref<256x100xi32, #tpu.memory_space<vmem>> -> memref<1x100xi32, #tpu.memory_space<vmem>>
      %dma_wait3A_85 = tpu.memref_squeeze %dma_wait3A_84 : memref<1x100xi32, #tpu.memory_space<vmem>> -> memref<100xi32, #tpu.memory_space<vmem>>
      %dma_wait3A_86 = arith.constant 0 : i32
      %dma_wait3A_87 = arith.constant 0 : i32
      %dma_wait3A_88 = tpu.memref_slice %arg3[%dma_wait3A_86, %dma_wait3A_87] : memref<1000000x64xf32, #tpu.memory_space<hbm>> -> memref<1000000x64xf32, #tpu.memory_space<hbm>>
      tpu.wait_indirect_dma semaphore(%arg16 : memref<!tpu.dma_semaphore, #tpu.memory_space<semaphore_mem>>) src(%dma_wait3A_88 : memref<1000000x64xf32, #tpu.memory_space<hbm>>) dst(%arg7 : memref<100x64xf32, #tpu.memory_space<vmem>>)
      %add3A_89 = arith.constant 7 : i32
      %add3A_90 = arith.addi %add3A_82, %add3A_89 : i32
      %lt3A_91 = arith.constant 256 : i32
      %lt3A_92 = arith.cmpi slt, %add3A_90, %lt3A_91 : i32
      %convert_element_type3A_93 = arith.extui %lt3A_92 : i1 to i32
      %cond3A_94 = arith.constant 0 : i32
      %cond3A_95 = arith.cmpi ne, %convert_element_type3A_93, %cond3A_94 : i32
      scf.if %cond3A_95 {
        %add3A_324 = arith.constant 7 : i32
        %add3A_325 = arith.addi %add3A_82, %add3A_324 : i32
        %dma_start3A_326 = arith.constant 0 : i32
        %dma_start3A_327 = tpu.memref_slice %arg5[%add3A_325, %dma_start3A_326] : memref<256x100xi32, #tpu.memory_space<vmem>> -> memref<1x100xi32, #tpu.memory_space<vmem>>
        %dma_start3A_328 = tpu.memref_squeeze %dma_start3A_327 : memref<1x100xi32, #tpu.memory_space<vmem>> -> memref<100xi32, #tpu.memory_space<vmem>>
        %dma_start3A_329 = arith.constant 0 : i32
        %dma_start3A_330 = arith.constant 0 : i32
        %dma_start3A_331 = tpu.memref_slice %arg3[%dma_start3A_329, %dma_start3A_330] : memref<1000000x64xf32, #tpu.memory_space<hbm>> -> memref<1000000x64xf32, #tpu.memory_space<hbm>>
        tpu.enqueue_indirect_dma source(%dma_start3A_331 : memref<1000000x64xf32, #tpu.memory_space<hbm>>) target(%arg6 : memref<100x64xf32, #tpu.memory_space<vmem>>) offsets(%dma_start3A_328 : memref<100xi32, #tpu.memory_space<vmem>>) semaphore(%arg15 : memref<!tpu.dma_semaphore, #tpu.memory_space<semaphore_mem>>)
      } else {
      }
      %mul3A_96 = arith.constant 4 : i32
      %mul3A_97 = arith.muli %mul3A_96, %scan3A_59 : i32
      %add3A_98 = arith.constant 0 : i32
      %add3A_99 = arith.addi %mul3A_97, %add3A_98 : i32
      %scan3A_100 = arith.constant 0 : i32
      %scan3A_101 = arith.constant 100 : i32
      %scan3A_102 = arith.addi %scan3A_100, %scan3A_101 : i32
      %scan3A_103 = arith.constant 4 : i32
      %scan3A_104:4 = scf.for %scan3A_324 = %scan3A_100 to %scan3A_102 step %scan3A_103 iter_args(%scan3A_325 = %scan3A_79#0, %scan3A_326 = %scan3A_79#1, %scan3A_327 = %scan3A_79#2, %scan3A_328 = %scan3A_79#3) -> (vector<16xf32>, vector<16xf32>, vector<16xf32>, vector<16xf32>)  : i32 {
        %get3A = arith.index_cast %scan3A_324 : i32 to index
        %get3A_329 = arith.constant 0 : index
        %get3A_330 = tpu.vector_load %arg7[%get3A, %get3A_329] {strides = array<i32>} : memref<100x64xf32, #tpu.memory_space<vmem>>, vector<1x16xf32>,
        %get3A_331 = vector.shape_cast %get3A_330 : vector<1x16xf32> to vector<16xf32>
        %add3A_332 = arith.addf %scan3A_325, %get3A_331 : vector<16xf32>
        %get3A_333 = arith.index_cast %scan3A_324 : i32 to index
        %get3A_334 = arith.constant 16 : index
        %get3A_335 = tpu.vector_load %arg7[%get3A_333, %get3A_334] {strides = array<i32>} : memref<100x64xf32, #tpu.memory_space<vmem>>, vector<1x16xf32>,
        %get3A_336 = vector.shape_cast %get3A_335 : vector<1x16xf32> to vector<16xf32>
        %add3A_337 = arith.addf %scan3A_326, %get3A_336 : vector<16xf32>
        %get3A_338 = arith.index_cast %scan3A_324 : i32 to index
        %get3A_339 = arith.constant 32 : index
        %get3A_340 = tpu.vector_load %arg7[%get3A_338, %get3A_339] {strides = array<i32>} : memref<100x64xf32, #tpu.memory_space<vmem>>, vector<1x16xf32>,
        %get3A_341 = vector.shape_cast %get3A_340 : vector<1x16xf32> to vector<16xf32>
        %add3A_342 = arith.addf %scan3A_327, %get3A_341 : vector<16xf32>
        %get3A_343 = arith.index_cast %scan3A_324 : i32 to index
        %get3A_344 = arith.constant 48 : index
        %get3A_345 = tpu.vector_load %arg7[%get3A_343, %get3A_344] {strides = array<i32>} : memref<100x64xf32, #tpu.memory_space<vmem>>, vector<1x16xf32>,
        %get3A_346 = vector.shape_cast %get3A_345 : vector<1x16xf32> to vector<16xf32>
        %add3A_347 = arith.addf %scan3A_328, %get3A_346 : vector<16xf32>
        %scan3A_348 = arith.constant 1 : i32
        %scan3A_349 = arith.addi %scan3A_324, %scan3A_348 : i32
        %get3A_350 = arith.index_cast %scan3A_349 : i32 to index
        %get3A_351 = arith.constant 0 : index
        %get3A_352 = tpu.vector_load %arg7[%get3A_350, %get3A_351] {strides = array<i32>} : memref<100x64xf32, #tpu.memory_space<vmem>>, vector<1x16xf32>,
        %get3A_353 = vector.shape_cast %get3A_352 : vector<1x16xf32> to vector<16xf32>
        %add3A_354 = arith.addf %add3A_332, %get3A_353 : vector<16xf32>
        %get3A_355 = arith.index_cast %scan3A_349 : i32 to index
        %get3A_356 = arith.constant 16 : index
        %get3A_357 = tpu.vector_load %arg7[%get3A_355, %get3A_356] {strides = array<i32>} : memref<100x64xf32, #tpu.memory_space<vmem>>, vector<1x16xf32>,
        %get3A_358 = vector.shape_cast %get3A_357 : vector<1x16xf32> to vector<16xf32>
        %add3A_359 = arith.addf %add3A_337, %get3A_358 : vector<16xf32>
        %get3A_360 = arith.index_cast %scan3A_349 : i32 to index
        %get3A_361 = arith.constant 32 : index
        %get3A_362 = tpu.vector_load %arg7[%get3A_360, %get3A_361] {strides = array<i32>} : memref<100x64xf32, #tpu.memory_space<vmem>>, vector<1x16xf32>,
        %get3A_363 = vector.shape_cast %get3A_362 : vector<1x16xf32> to vector<16xf32>
        %add3A_364 = arith.addf %add3A_342, %get3A_363 : vector<16xf32>
        %get3A_365 = arith.index_cast %scan3A_349 : i32 to index
        %get3A_366 = arith.constant 48 : index
        %get3A_367 = tpu.vector_load %arg7[%get3A_365, %get3A_366] {strides = array<i32>} : memref<100x64xf32, #tpu.memory_space<vmem>>, vector<1x16xf32>,
        %get3A_368 = vector.shape_cast %get3A_367 : vector<1x16xf32> to vector<16xf32>
        %add3A_369 = arith.addf %add3A_347, %get3A_368 : vector<16xf32>
        %scan3A_370 = arith.constant 2 : i32
        %scan3A_371 = arith.addi %scan3A_324, %scan3A_370 : i32
        %get3A_372 = arith.index_cast %scan3A_371 : i32 to index
        %get3A_373 = arith.constant 0 : index
        %get3A_374 = tpu.vector_load %arg7[%get3A_372, %get3A_373] {strides = array<i32>} : memref<100x64xf32, #tpu.memory_space<vmem>>, vector<1x16xf32>,
        %get3A_375 = vector.shape_cast %get3A_374 : vector<1x16xf32> to vector<16xf32>
        %add3A_376 = arith.addf %add3A_354, %get3A_375 : vector<16xf32>
        %get3A_377 = arith.index_cast %scan3A_371 : i32 to index
        %get3A_378 = arith.constant 16 : index
        %get3A_379 = tpu.vector_load %arg7[%get3A_377, %get3A_378] {strides = array<i32>} : memref<100x64xf32, #tpu.memory_space<vmem>>, vector<1x16xf32>,
        %get3A_380 = vector.shape_cast %get3A_379 : vector<1x16xf32> to vector<16xf32>
        %add3A_381 = arith.addf %add3A_359, %get3A_380 : vector<16xf32>
        %get3A_382 = arith.index_cast %scan3A_371 : i32 to index
        %get3A_383 = arith.constant 32 : index
        %get3A_384 = tpu.vector_load %arg7[%get3A_382, %get3A_383] {strides = array<i32>} : memref<100x64xf32, #tpu.memory_space<vmem>>, vector<1x16xf32>,
        %get3A_385 = vector.shape_cast %get3A_384 : vector<1x16xf32> to vector<16xf32>
        %add3A_386 = arith.addf %add3A_364, %get3A_385 : vector<16xf32>
        %get3A_387 = arith.index_cast %scan3A_371 : i32 to index
        %get3A_388 = arith.constant 48 : index
        %get3A_389 = tpu.vector_load %arg7[%get3A_387, %get3A_388] {strides = array<i32>} : memref<100x64xf32, #tpu.memory_space<vmem>>, vector<1x16xf32>,
        %get3A_390 = vector.shape_cast %get3A_389 : vector<1x16xf32> to vector<16xf32>
        %add3A_391 = arith.addf %add3A_369, %get3A_390 : vector<16xf32>
        %scan3A_392 = arith.constant 3 : i32
        %scan3A_393 = arith.addi %scan3A_324, %scan3A_392 : i32
        %get3A_394 = arith.index_cast %scan3A_393 : i32 to index
        %get3A_395 = arith.constant 0 : index
        %get3A_396 = tpu.vector_load %arg7[%get3A_394, %get3A_395] {strides = array<i32>} : memref<100x64xf32, #tpu.memory_space<vmem>>, vector<1x16xf32>,
        %get3A_397 = vector.shape_cast %get3A_396 : vector<1x16xf32> to vector<16xf32>
        %add3A_398 = arith.addf %add3A_376, %get3A_397 : vector<16xf32>
        %get3A_399 = arith.index_cast %scan3A_393 : i32 to index
        %get3A_400 = arith.constant 16 : index
        %get3A_401 = tpu.vector_load %arg7[%get3A_399, %get3A_400] {strides = array<i32>} : memref<100x64xf32, #tpu.memory_space<vmem>>, vector<1x16xf32>,
        %get3A_402 = vector.shape_cast %get3A_401 : vector<1x16xf32> to vector<16xf32>
        %add3A_403 = arith.addf %add3A_381, %get3A_402 : vector<16xf32>
        %get3A_404 = arith.index_cast %scan3A_393 : i32 to index
        %get3A_405 = arith.constant 32 : index
        %get3A_406 = tpu.vector_load %arg7[%get3A_404, %get3A_405] {strides = array<i32>} : memref<100x64xf32, #tpu.memory_space<vmem>>, vector<1x16xf32>,
        %get3A_407 = vector.shape_cast %get3A_406 : vector<1x16xf32> to vector<16xf32>
        %add3A_408 = arith.addf %add3A_386, %get3A_407 : vector<16xf32>
        %get3A_409 = arith.index_cast %scan3A_393 : i32 to index
        %get3A_410 = arith.constant 48 : index
        %get3A_411 = tpu.vector_load %arg7[%get3A_409, %get3A_410] {strides = array<i32>} : memref<100x64xf32, #tpu.memory_space<vmem>>, vector<1x16xf32>,
        %get3A_412 = vector.shape_cast %get3A_411 : vector<1x16xf32> to vector<16xf32>
        %add3A_413 = arith.addf %add3A_391, %get3A_412 : vector<16xf32>
        scf.yield %add3A_398, %add3A_403, %add3A_408, %add3A_413 : vector<16xf32>, vector<16xf32>, vector<16xf32>, vector<16xf32>
      }
      %scan3A_105 = arith.constant 100 : i32
      %swap3A = arith.index_cast %add3A_99 : i32 to index
      %swap3A_106 = arith.constant 0 : index
      %swap3A_107 = tpu.vector_load %arg14[%swap3A, %swap3A_106] {strides = array<i32>} : memref<128x64xf32, #tpu.memory_space<vmem>>, vector<1x16xf32>,
      %swap3A_108 = vector.shape_cast %swap3A_107 : vector<1x16xf32> to vector<16xf32>
      %swap3A_109 = vector.shape_cast %scan3A_104#0 : vector<16xf32> to vector<1x16xf32>
      tpu.vector_store %arg14[%swap3A, %swap3A_106], %swap3A_109 {strides = array<i32>} : memref<128x64xf32, #tpu.memory_space<vmem>>, vector<1x16xf32>,
      %swap3A_110 = arith.index_cast %add3A_99 : i32 to index
      %swap3A_111 = arith.constant 16 : index
      %swap3A_112 = tpu.vector_load %arg14[%swap3A_110, %swap3A_111] {strides = array<i32>} : memref<128x64xf32, #tpu.memory_space<vmem>>, vector<1x16xf32>,
      %swap3A_113 = vector.shape_cast %swap3A_112 : vector<1x16xf32> to vector<16xf32>
      %swap3A_114 = vector.shape_cast %scan3A_104#1 : vector<16xf32> to vector<1x16xf32>
      tpu.vector_store %arg14[%swap3A_110, %swap3A_111], %swap3A_114 {strides = array<i32>} : memref<128x64xf32, #tpu.memory_space<vmem>>, vector<1x16xf32>,
      %swap3A_115 = arith.index_cast %add3A_99 : i32 to index
      %swap3A_116 = arith.constant 32 : index
      %swap3A_117 = tpu.vector_load %arg14[%swap3A_115, %swap3A_116] {strides = array<i32>} : memref<128x64xf32, #tpu.memory_space<vmem>>, vector<1x16xf32>,
      %swap3A_118 = vector.shape_cast %swap3A_117 : vector<1x16xf32> to vector<16xf32>
      %swap3A_119 = vector.shape_cast %scan3A_104#2 : vector<16xf32> to vector<1x16xf32>
      tpu.vector_store %arg14[%swap3A_115, %swap3A_116], %swap3A_119 {strides = array<i32>} : memref<128x64xf32, #tpu.memory_space<vmem>>, vector<1x16xf32>,
      %swap3A_120 = arith.index_cast %add3A_99 : i32 to index
      %swap3A_121 = arith.constant 48 : index
      %swap3A_122 = tpu.vector_load %arg14[%swap3A_120, %swap3A_121] {strides = array<i32>} : memref<128x64xf32, #tpu.memory_space<vmem>>, vector<1x16xf32>,
      %swap3A_123 = vector.shape_cast %swap3A_122 : vector<1x16xf32> to vector<16xf32>
      %swap3A_124 = vector.shape_cast %scan3A_104#3 : vector<16xf32> to vector<1x16xf32>
      tpu.vector_store %arg14[%swap3A_120, %swap3A_121], %swap3A_124 {strides = array<i32>} : memref<128x64xf32, #tpu.memory_space<vmem>>, vector<1x16xf32>,
      %add3A_125 = arith.constant 2 : i32
      %add3A_126 = arith.addi %mul3A_62, %add3A_125 : i32
      %dma_wait3A_127 = arith.constant 0 : i32
      %dma_wait3A_128 = tpu.memref_slice %arg5[%add3A_126, %dma_wait3A_127] : memref<256x100xi32, #tpu.memory_space<vmem>> -> memref<1x100xi32, #tpu.memory_space<vmem>>
      %dma_wait3A_129 = tpu.memref_squeeze %dma_wait3A_128 : memref<1x100xi32, #tpu.memory_space<vmem>> -> memref<100xi32, #tpu.memory_space<vmem>>
      %dma_wait3A_130 = arith.constant 0 : i32
      %dma_wait3A_131 = arith.constant 0 : i32
      %dma_wait3A_132 = tpu.memref_slice %arg3[%dma_wait3A_130, %dma_wait3A_131] : memref<1000000x64xf32, #tpu.memory_space<hbm>> -> memref<1000000x64xf32, #tpu.memory_space<hbm>>
      tpu.wait_indirect_dma semaphore(%arg17 : memref<!tpu.dma_semaphore, #tpu.memory_space<semaphore_mem>>) src(%dma_wait3A_132 : memref<1000000x64xf32, #tpu.memory_space<hbm>>) dst(%arg8 : memref<100x64xf32, #tpu.memory_space<vmem>>)
      %add3A_133 = arith.constant 7 : i32
      %add3A_134 = arith.addi %add3A_126, %add3A_133 : i32
      %lt3A_135 = arith.constant 256 : i32
      %lt3A_136 = arith.cmpi slt, %add3A_134, %lt3A_135 : i32
      %convert_element_type3A_137 = arith.extui %lt3A_136 : i1 to i32
      %cond3A_138 = arith.constant 0 : i32
      %cond3A_139 = arith.cmpi ne, %convert_element_type3A_137, %cond3A_138 : i32
      scf.if %cond3A_139 {
        %add3A_324 = arith.constant 7 : i32
        %add3A_325 = arith.addi %add3A_126, %add3A_324 : i32
        %dma_start3A_326 = arith.constant 0 : i32
        %dma_start3A_327 = tpu.memref_slice %arg5[%add3A_325, %dma_start3A_326] : memref<256x100xi32, #tpu.memory_space<vmem>> -> memref<1x100xi32, #tpu.memory_space<vmem>>
        %dma_start3A_328 = tpu.memref_squeeze %dma_start3A_327 : memref<1x100xi32, #tpu.memory_space<vmem>> -> memref<100xi32, #tpu.memory_space<vmem>>
        %dma_start3A_329 = arith.constant 0 : i32
        %dma_start3A_330 = arith.constant 0 : i32
        %dma_start3A_331 = tpu.memref_slice %arg3[%dma_start3A_329, %dma_start3A_330] : memref<1000000x64xf32, #tpu.memory_space<hbm>> -> memref<1000000x64xf32, #tpu.memory_space<hbm>>
        tpu.enqueue_indirect_dma source(%dma_start3A_331 : memref<1000000x64xf32, #tpu.memory_space<hbm>>) target(%arg7 : memref<100x64xf32, #tpu.memory_space<vmem>>) offsets(%dma_start3A_328 : memref<100xi32, #tpu.memory_space<vmem>>) semaphore(%arg16 : memref<!tpu.dma_semaphore, #tpu.memory_space<semaphore_mem>>)
      } else {
      }
      %scan3A_140 = arith.constant 0 : i32
      %scan3A_141 = arith.constant 100 : i32
      %scan3A_142 = arith.addi %scan3A_140, %scan3A_141 : i32
      %scan3A_143 = arith.constant 4 : i32
      %scan3A_144:4 = scf.for %scan3A_324 = %scan3A_140 to %scan3A_142 step %scan3A_143 iter_args(%scan3A_325 = %broadcast_in_dim3A_63, %scan3A_326 = %broadcast_in_dim3A_63, %scan3A_327 = %broadcast_in_dim3A_63, %scan3A_328 = %broadcast_in_dim3A_63) -> (vector<16xf32>, vector<16xf32>, vector<16xf32>, vector<16xf32>)  : i32 {
        %get3A = arith.index_cast %scan3A_324 : i32 to index
        %get3A_329 = arith.constant 0 : index
        %get3A_330 = tpu.vector_load %arg8[%get3A, %get3A_329] {strides = array<i32>} : memref<100x64xf32, #tpu.memory_space<vmem>>, vector<1x16xf32>,
        %get3A_331 = vector.shape_cast %get3A_330 : vector<1x16xf32> to vector<16xf32>
        %add3A_332 = arith.addf %scan3A_325, %get3A_331 : vector<16xf32>
        %get3A_333 = arith.index_cast %scan3A_324 : i32 to index
        %get3A_334 = arith.constant 16 : index
        %get3A_335 = tpu.vector_load %arg8[%get3A_333, %get3A_334] {strides = array<i32>} : memref<100x64xf32, #tpu.memory_space<vmem>>, vector<1x16xf32>,
        %get3A_336 = vector.shape_cast %get3A_335 : vector<1x16xf32> to vector<16xf32>
        %add3A_337 = arith.addf %scan3A_326, %get3A_336 : vector<16xf32>
        %get3A_338 = arith.index_cast %scan3A_324 : i32 to index
        %get3A_339 = arith.constant 32 : index
        %get3A_340 = tpu.vector_load %arg8[%get3A_338, %get3A_339] {strides = array<i32>} : memref<100x64xf32, #tpu.memory_space<vmem>>, vector<1x16xf32>,
        %get3A_341 = vector.shape_cast %get3A_340 : vector<1x16xf32> to vector<16xf32>
        %add3A_342 = arith.addf %scan3A_327, %get3A_341 : vector<16xf32>
        %get3A_343 = arith.index_cast %scan3A_324 : i32 to index
        %get3A_344 = arith.constant 48 : index
        %get3A_345 = tpu.vector_load %arg8[%get3A_343, %get3A_344] {strides = array<i32>} : memref<100x64xf32, #tpu.memory_space<vmem>>, vector<1x16xf32>,
        %get3A_346 = vector.shape_cast %get3A_345 : vector<1x16xf32> to vector<16xf32>
        %add3A_347 = arith.addf %scan3A_328, %get3A_346 : vector<16xf32>
        %scan3A_348 = arith.constant 1 : i32
        %scan3A_349 = arith.addi %scan3A_324, %scan3A_348 : i32
        %get3A_350 = arith.index_cast %scan3A_349 : i32 to index
        %get3A_351 = arith.constant 0 : index
        %get3A_352 = tpu.vector_load %arg8[%get3A_350, %get3A_351] {strides = array<i32>} : memref<100x64xf32, #tpu.memory_space<vmem>>, vector<1x16xf32>,
        %get3A_353 = vector.shape_cast %get3A_352 : vector<1x16xf32> to vector<16xf32>
        %add3A_354 = arith.addf %add3A_332, %get3A_353 : vector<16xf32>
        %get3A_355 = arith.index_cast %scan3A_349 : i32 to index
        %get3A_356 = arith.constant 16 : index
        %get3A_357 = tpu.vector_load %arg8[%get3A_355, %get3A_356] {strides = array<i32>} : memref<100x64xf32, #tpu.memory_space<vmem>>, vector<1x16xf32>,
        %get3A_358 = vector.shape_cast %get3A_357 : vector<1x16xf32> to vector<16xf32>
        %add3A_359 = arith.addf %add3A_337, %get3A_358 : vector<16xf32>
        %get3A_360 = arith.index_cast %scan3A_349 : i32 to index
        %get3A_361 = arith.constant 32 : index
        %get3A_362 = tpu.vector_load %arg8[%get3A_360, %get3A_361] {strides = array<i32>} : memref<100x64xf32, #tpu.memory_space<vmem>>, vector<1x16xf32>,
        %get3A_363 = vector.shape_cast %get3A_362 : vector<1x16xf32> to vector<16xf32>
        %add3A_364 = arith.addf %add3A_342, %get3A_363 : vector<16xf32>
        %get3A_365 = arith.index_cast %scan3A_349 : i32 to index
        %get3A_366 = arith.constant 48 : index
        %get3A_367 = tpu.vector_load %arg8[%get3A_365, %get3A_366] {strides = array<i32>} : memref<100x64xf32, #tpu.memory_space<vmem>>, vector<1x16xf32>,
        %get3A_368 = vector.shape_cast %get3A_367 : vector<1x16xf32> to vector<16xf32>
        %add3A_369 = arith.addf %add3A_347, %get3A_368 : vector<16xf32>
        %scan3A_370 = arith.constant 2 : i32
        %scan3A_371 = arith.addi %scan3A_324, %scan3A_370 : i32
        %get3A_372 = arith.index_cast %scan3A_371 : i32 to index
        %get3A_373 = arith.constant 0 : index
        %get3A_374 = tpu.vector_load %arg8[%get3A_372, %get3A_373] {strides = array<i32>} : memref<100x64xf32, #tpu.memory_space<vmem>>, vector<1x16xf32>,
        %get3A_375 = vector.shape_cast %get3A_374 : vector<1x16xf32> to vector<16xf32>
        %add3A_376 = arith.addf %add3A_354, %get3A_375 : vector<16xf32>
        %get3A_377 = arith.index_cast %scan3A_371 : i32 to index
        %get3A_378 = arith.constant 16 : index
        %get3A_379 = tpu.vector_load %arg8[%get3A_377, %get3A_378] {strides = array<i32>} : memref<100x64xf32, #tpu.memory_space<vmem>>, vector<1x16xf32>,
        %get3A_380 = vector.shape_cast %get3A_379 : vector<1x16xf32> to vector<16xf32>
        %add3A_381 = arith.addf %add3A_359, %get3A_380 : vector<16xf32>
        %get3A_382 = arith.index_cast %scan3A_371 : i32 to index
        %get3A_383 = arith.constant 32 : index
        %get3A_384 = tpu.vector_load %arg8[%get3A_382, %get3A_383] {strides = array<i32>} : memref<100x64xf32, #tpu.memory_space<vmem>>, vector<1x16xf32>,
        %get3A_385 = vector.shape_cast %get3A_384 : vector<1x16xf32> to vector<16xf32>
        %add3A_386 = arith.addf %add3A_364, %get3A_385 : vector<16xf32>
        %get3A_387 = arith.index_cast %scan3A_371 : i32 to index
        %get3A_388 = arith.constant 48 : index
        %get3A_389 = tpu.vector_load %arg8[%get3A_387, %get3A_388] {strides = array<i32>} : memref<100x64xf32, #tpu.memory_space<vmem>>, vector<1x16xf32>,
        %get3A_390 = vector.shape_cast %get3A_389 : vector<1x16xf32> to vector<16xf32>
        %add3A_391 = arith.addf %add3A_369, %get3A_390 : vector<16xf32>
        %scan3A_392 = arith.constant 3 : i32
        %scan3A_393 = arith.addi %scan3A_324, %scan3A_392 : i32
        %get3A_394 = arith.index_cast %scan3A_393 : i32 to index
        %get3A_395 = arith.constant 0 : index
        %get3A_396 = tpu.vector_load %arg8[%get3A_394, %get3A_395] {strides = array<i32>} : memref<100x64xf32, #tpu.memory_space<vmem>>, vector<1x16xf32>,
        %get3A_397 = vector.shape_cast %get3A_396 : vector<1x16xf32> to vector<16xf32>
        %add3A_398 = arith.addf %add3A_376, %get3A_397 : vector<16xf32>
        %get3A_399 = arith.index_cast %scan3A_393 : i32 to index
        %get3A_400 = arith.constant 16 : index
        %get3A_401 = tpu.vector_load %arg8[%get3A_399, %get3A_400] {strides = array<i32>} : memref<100x64xf32, #tpu.memory_space<vmem>>, vector<1x16xf32>,
        %get3A_402 = vector.shape_cast %get3A_401 : vector<1x16xf32> to vector<16xf32>
        %add3A_403 = arith.addf %add3A_381, %get3A_402 : vector<16xf32>
        %get3A_404 = arith.index_cast %scan3A_393 : i32 to index
        %get3A_405 = arith.constant 32 : index
        %get3A_406 = tpu.vector_load %arg8[%get3A_404, %get3A_405] {strides = array<i32>} : memref<100x64xf32, #tpu.memory_space<vmem>>, vector<1x16xf32>,
        %get3A_407 = vector.shape_cast %get3A_406 : vector<1x16xf32> to vector<16xf32>
        %add3A_408 = arith.addf %add3A_386, %get3A_407 : vector<16xf32>
        %get3A_409 = arith.index_cast %scan3A_393 : i32 to index
        %get3A_410 = arith.constant 48 : index
        %get3A_411 = tpu.vector_load %arg8[%get3A_409, %get3A_410] {strides = array<i32>} : memref<100x64xf32, #tpu.memory_space<vmem>>, vector<1x16xf32>,
        %get3A_412 = vector.shape_cast %get3A_411 : vector<1x16xf32> to vector<16xf32>
        %add3A_413 = arith.addf %add3A_391, %get3A_412 : vector<16xf32>
        scf.yield %add3A_398, %add3A_403, %add3A_408, %add3A_413 : vector<16xf32>, vector<16xf32>, vector<16xf32>, vector<16xf32>
      }
      %scan3A_145 = arith.constant 100 : i32
      %add3A_146 = arith.constant 1 : i32
      %add3A_147 = arith.addi %add3A_126, %add3A_146 : i32
      %dma_wait3A_148 = arith.constant 0 : i32
      %dma_wait3A_149 = tpu.memref_slice %arg5[%add3A_147, %dma_wait3A_148] : memref<256x100xi32, #tpu.memory_space<vmem>> -> memref<1x100xi32, #tpu.memory_space<vmem>>
      %dma_wait3A_150 = tpu.memref_squeeze %dma_wait3A_149 : memref<1x100xi32, #tpu.memory_space<vmem>> -> memref<100xi32, #tpu.memory_space<vmem>>
      %dma_wait3A_151 = arith.constant 0 : i32
      %dma_wait3A_152 = arith.constant 0 : i32
      %dma_wait3A_153 = tpu.memref_slice %arg3[%dma_wait3A_151, %dma_wait3A_152] : memref<1000000x64xf32, #tpu.memory_space<hbm>> -> memref<1000000x64xf32, #tpu.memory_space<hbm>>
      tpu.wait_indirect_dma semaphore(%arg18 : memref<!tpu.dma_semaphore, #tpu.memory_space<semaphore_mem>>) src(%dma_wait3A_153 : memref<1000000x64xf32, #tpu.memory_space<hbm>>) dst(%arg9 : memref<100x64xf32, #tpu.memory_space<vmem>>)
      %add3A_154 = arith.constant 7 : i32
      %add3A_155 = arith.addi %add3A_147, %add3A_154 : i32
      %lt3A_156 = arith.constant 256 : i32
      %lt3A_157 = arith.cmpi slt, %add3A_155, %lt3A_156 : i32
      %convert_element_type3A_158 = arith.extui %lt3A_157 : i1 to i32
      %cond3A_159 = arith.constant 0 : i32
      %cond3A_160 = arith.cmpi ne, %convert_element_type3A_158, %cond3A_159 : i32
      scf.if %cond3A_160 {
        %add3A_324 = arith.constant 7 : i32
        %add3A_325 = arith.addi %add3A_147, %add3A_324 : i32
        %dma_start3A_326 = arith.constant 0 : i32
        %dma_start3A_327 = tpu.memref_slice %arg5[%add3A_325, %dma_start3A_326] : memref<256x100xi32, #tpu.memory_space<vmem>> -> memref<1x100xi32, #tpu.memory_space<vmem>>
        %dma_start3A_328 = tpu.memref_squeeze %dma_start3A_327 : memref<1x100xi32, #tpu.memory_space<vmem>> -> memref<100xi32, #tpu.memory_space<vmem>>
        %dma_start3A_329 = arith.constant 0 : i32
        %dma_start3A_330 = arith.constant 0 : i32
        %dma_start3A_331 = tpu.memref_slice %arg3[%dma_start3A_329, %dma_start3A_330] : memref<1000000x64xf32, #tpu.memory_space<hbm>> -> memref<1000000x64xf32, #tpu.memory_space<hbm>>
        tpu.enqueue_indirect_dma source(%dma_start3A_331 : memref<1000000x64xf32, #tpu.memory_space<hbm>>) target(%arg8 : memref<100x64xf32, #tpu.memory_space<vmem>>) offsets(%dma_start3A_328 : memref<100xi32, #tpu.memory_space<vmem>>) semaphore(%arg17 : memref<!tpu.dma_semaphore, #tpu.memory_space<semaphore_mem>>)
      } else {
      }
      %mul3A_161 = arith.constant 4 : i32
      %mul3A_162 = arith.muli %mul3A_161, %scan3A_59 : i32
      %add3A_163 = arith.constant 1 : i32
      %add3A_164 = arith.addi %mul3A_162, %add3A_163 : i32
      %scan3A_165 = arith.constant 0 : i32
      %scan3A_166 = arith.constant 100 : i32
      %scan3A_167 = arith.addi %scan3A_165, %scan3A_166 : i32
      %scan3A_168 = arith.constant 4 : i32
      %scan3A_169:4 = scf.for %scan3A_324 = %scan3A_165 to %scan3A_167 step %scan3A_168 iter_args(%scan3A_325 = %scan3A_144#0, %scan3A_326 = %scan3A_144#1, %scan3A_327 = %scan3A_144#2, %scan3A_328 = %scan3A_144#3) -> (vector<16xf32>, vector<16xf32>, vector<16xf32>, vector<16xf32>)  : i32 {
        %get3A = arith.index_cast %scan3A_324 : i32 to index
        %get3A_329 = arith.constant 0 : index
        %get3A_330 = tpu.vector_load %arg9[%get3A, %get3A_329] {strides = array<i32>} : memref<100x64xf32, #tpu.memory_space<vmem>>, vector<1x16xf32>,
        %get3A_331 = vector.shape_cast %get3A_330 : vector<1x16xf32> to vector<16xf32>
        %add3A_332 = arith.addf %scan3A_325, %get3A_331 : vector<16xf32>
        %get3A_333 = arith.index_cast %scan3A_324 : i32 to index
        %get3A_334 = arith.constant 16 : index
        %get3A_335 = tpu.vector_load %arg9[%get3A_333, %get3A_334] {strides = array<i32>} : memref<100x64xf32, #tpu.memory_space<vmem>>, vector<1x16xf32>,
        %get3A_336 = vector.shape_cast %get3A_335 : vector<1x16xf32> to vector<16xf32>
        %add3A_337 = arith.addf %scan3A_326, %get3A_336 : vector<16xf32>
        %get3A_338 = arith.index_cast %scan3A_324 : i32 to index
        %get3A_339 = arith.constant 32 : index
        %get3A_340 = tpu.vector_load %arg9[%get3A_338, %get3A_339] {strides = array<i32>} : memref<100x64xf32, #tpu.memory_space<vmem>>, vector<1x16xf32>,
        %get3A_341 = vector.shape_cast %get3A_340 : vector<1x16xf32> to vector<16xf32>
        %add3A_342 = arith.addf %scan3A_327, %get3A_341 : vector<16xf32>
        %get3A_343 = arith.index_cast %scan3A_324 : i32 to index
        %get3A_344 = arith.constant 48 : index
        %get3A_345 = tpu.vector_load %arg9[%get3A_343, %get3A_344] {strides = array<i32>} : memref<100x64xf32, #tpu.memory_space<vmem>>, vector<1x16xf32>,
        %get3A_346 = vector.shape_cast %get3A_345 : vector<1x16xf32> to vector<16xf32>
        %add3A_347 = arith.addf %scan3A_328, %get3A_346 : vector<16xf32>
        %scan3A_348 = arith.constant 1 : i32
        %scan3A_349 = arith.addi %scan3A_324, %scan3A_348 : i32
        %get3A_350 = arith.index_cast %scan3A_349 : i32 to index
        %get3A_351 = arith.constant 0 : index
        %get3A_352 = tpu.vector_load %arg9[%get3A_350, %get3A_351] {strides = array<i32>} : memref<100x64xf32, #tpu.memory_space<vmem>>, vector<1x16xf32>,
        %get3A_353 = vector.shape_cast %get3A_352 : vector<1x16xf32> to vector<16xf32>
        %add3A_354 = arith.addf %add3A_332, %get3A_353 : vector<16xf32>
        %get3A_355 = arith.index_cast %scan3A_349 : i32 to index
        %get3A_356 = arith.constant 16 : index
        %get3A_357 = tpu.vector_load %arg9[%get3A_355, %get3A_356] {strides = array<i32>} : memref<100x64xf32, #tpu.memory_space<vmem>>, vector<1x16xf32>,
        %get3A_358 = vector.shape_cast %get3A_357 : vector<1x16xf32> to vector<16xf32>
        %add3A_359 = arith.addf %add3A_337, %get3A_358 : vector<16xf32>
        %get3A_360 = arith.index_cast %scan3A_349 : i32 to index
        %get3A_361 = arith.constant 32 : index
        %get3A_362 = tpu.vector_load %arg9[%get3A_360, %get3A_361] {strides = array<i32>} : memref<100x64xf32, #tpu.memory_space<vmem>>, vector<1x16xf32>,
        %get3A_363 = vector.shape_cast %get3A_362 : vector<1x16xf32> to vector<16xf32>
        %add3A_364 = arith.addf %add3A_342, %get3A_363 : vector<16xf32>
        %get3A_365 = arith.index_cast %scan3A_349 : i32 to index
        %get3A_366 = arith.constant 48 : index
        %get3A_367 = tpu.vector_load %arg9[%get3A_365, %get3A_366] {strides = array<i32>} : memref<100x64xf32, #tpu.memory_space<vmem>>, vector<1x16xf32>,
        %get3A_368 = vector.shape_cast %get3A_367 : vector<1x16xf32> to vector<16xf32>
        %add3A_369 = arith.addf %add3A_347, %get3A_368 : vector<16xf32>
        %scan3A_370 = arith.constant 2 : i32
        %scan3A_371 = arith.addi %scan3A_324, %scan3A_370 : i32
        %get3A_372 = arith.index_cast %scan3A_371 : i32 to index
        %get3A_373 = arith.constant 0 : index
        %get3A_374 = tpu.vector_load %arg9[%get3A_372, %get3A_373] {strides = array<i32>} : memref<100x64xf32, #tpu.memory_space<vmem>>, vector<1x16xf32>,
        %get3A_375 = vector.shape_cast %get3A_374 : vector<1x16xf32> to vector<16xf32>
        %add3A_376 = arith.addf %add3A_354, %get3A_375 : vector<16xf32>
        %get3A_377 = arith.index_cast %scan3A_371 : i32 to index
        %get3A_378 = arith.constant 16 : index
        %get3A_379 = tpu.vector_load %arg9[%get3A_377, %get3A_378] {strides = array<i32>} : memref<100x64xf32, #tpu.memory_space<vmem>>, vector<1x16xf32>,
        %get3A_380 = vector.shape_cast %get3A_379 : vector<1x16xf32> to vector<16xf32>
        %add3A_381 = arith.addf %add3A_359, %get3A_380 : vector<16xf32>
        %get3A_382 = arith.index_cast %scan3A_371 : i32 to index
        %get3A_383 = arith.constant 32 : index
        %get3A_384 = tpu.vector_load %arg9[%get3A_382, %get3A_383] {strides = array<i32>} : memref<100x64xf32, #tpu.memory_space<vmem>>, vector<1x16xf32>,
        %get3A_385 = vector.shape_cast %get3A_384 : vector<1x16xf32> to vector<16xf32>
        %add3A_386 = arith.addf %add3A_364, %get3A_385 : vector<16xf32>
        %get3A_387 = arith.index_cast %scan3A_371 : i32 to index
        %get3A_388 = arith.constant 48 : index
        %get3A_389 = tpu.vector_load %arg9[%get3A_387, %get3A_388] {strides = array<i32>} : memref<100x64xf32, #tpu.memory_space<vmem>>, vector<1x16xf32>,
        %get3A_390 = vector.shape_cast %get3A_389 : vector<1x16xf32> to vector<16xf32>
        %add3A_391 = arith.addf %add3A_369, %get3A_390 : vector<16xf32>
        %scan3A_392 = arith.constant 3 : i32
        %scan3A_393 = arith.addi %scan3A_324, %scan3A_392 : i32
        %get3A_394 = arith.index_cast %scan3A_393 : i32 to index
        %get3A_395 = arith.constant 0 : index
        %get3A_396 = tpu.vector_load %arg9[%get3A_394, %get3A_395] {strides = array<i32>} : memref<100x64xf32, #tpu.memory_space<vmem>>, vector<1x16xf32>,
        %get3A_397 = vector.shape_cast %get3A_396 : vector<1x16xf32> to vector<16xf32>
        %add3A_398 = arith.addf %add3A_376, %get3A_397 : vector<16xf32>
        %get3A_399 = arith.index_cast %scan3A_393 : i32 to index
        %get3A_400 = arith.constant 16 : index
        %get3A_401 = tpu.vector_load %arg9[%get3A_399, %get3A_400] {strides = array<i32>} : memref<100x64xf32, #tpu.memory_space<vmem>>, vector<1x16xf32>,
        %get3A_402 = vector.shape_cast %get3A_401 : vector<1x16xf32> to vector<16xf32>
        %add3A_403 = arith.addf %add3A_381, %get3A_402 : vector<16xf32>
        %get3A_404 = arith.index_cast %scan3A_393 : i32 to index
        %get3A_405 = arith.constant 32 : index
        %get3A_406 = tpu.vector_load %arg9[%get3A_404, %get3A_405] {strides = array<i32>} : memref<100x64xf32, #tpu.memory_space<vmem>>, vector<1x16xf32>,
        %get3A_407 = vector.shape_cast %get3A_406 : vector<1x16xf32> to vector<16xf32>
        %add3A_408 = arith.addf %add3A_386, %get3A_407 : vector<16xf32>
        %get3A_409 = arith.index_cast %scan3A_393 : i32 to index
        %get3A_410 = arith.constant 48 : index
        %get3A_411 = tpu.vector_load %arg9[%get3A_409, %get3A_410] {strides = array<i32>} : memref<100x64xf32, #tpu.memory_space<vmem>>, vector<1x16xf32>,
        %get3A_412 = vector.shape_cast %get3A_411 : vector<1x16xf32> to vector<16xf32>
        %add3A_413 = arith.addf %add3A_391, %get3A_412 : vector<16xf32>
        scf.yield %add3A_398, %add3A_403, %add3A_408, %add3A_413 : vector<16xf32>, vector<16xf32>, vector<16xf32>, vector<16xf32>
      }
      %scan3A_170 = arith.constant 100 : i32
      %swap3A_171 = arith.index_cast %add3A_164 : i32 to index
      %swap3A_172 = arith.constant 0 : index
      %swap3A_173 = tpu.vector_load %arg14[%swap3A_171, %swap3A_172] {strides = array<i32>} : memref<128x64xf32, #tpu.memory_space<vmem>>, vector<1x16xf32>,
      %swap3A_174 = vector.shape_cast %swap3A_173 : vector<1x16xf32> to vector<16xf32>
      %swap3A_175 = vector.shape_cast %scan3A_169#0 : vector<16xf32> to vector<1x16xf32>
      tpu.vector_store %arg14[%swap3A_171, %swap3A_172], %swap3A_175 {strides = array<i32>} : memref<128x64xf32, #tpu.memory_space<vmem>>, vector<1x16xf32>,
      %swap3A_176 = arith.index_cast %add3A_164 : i32 to index
      %swap3A_177 = arith.constant 16 : index
      %swap3A_178 = tpu.vector_load %arg14[%swap3A_176, %swap3A_177] {strides = array<i32>} : memref<128x64xf32, #tpu.memory_space<vmem>>, vector<1x16xf32>,
      %swap3A_179 = vector.shape_cast %swap3A_178 : vector<1x16xf32> to vector<16xf32>
      %swap3A_180 = vector.shape_cast %scan3A_169#1 : vector<16xf32> to vector<1x16xf32>
      tpu.vector_store %arg14[%swap3A_176, %swap3A_177], %swap3A_180 {strides = array<i32>} : memref<128x64xf32, #tpu.memory_space<vmem>>, vector<1x16xf32>,
      %swap3A_181 = arith.index_cast %add3A_164 : i32 to index
      %swap3A_182 = arith.constant 32 : index
      %swap3A_183 = tpu.vector_load %arg14[%swap3A_181, %swap3A_182] {strides = array<i32>} : memref<128x64xf32, #tpu.memory_space<vmem>>, vector<1x16xf32>,
      %swap3A_184 = vector.shape_cast %swap3A_183 : vector<1x16xf32> to vector<16xf32>
      %swap3A_185 = vector.shape_cast %scan3A_169#2 : vector<16xf32> to vector<1x16xf32>
      tpu.vector_store %arg14[%swap3A_181, %swap3A_182], %swap3A_185 {strides = array<i32>} : memref<128x64xf32, #tpu.memory_space<vmem>>, vector<1x16xf32>,
      %swap3A_186 = arith.index_cast %add3A_164 : i32 to index
      %swap3A_187 = arith.constant 48 : index
      %swap3A_188 = tpu.vector_load %arg14[%swap3A_186, %swap3A_187] {strides = array<i32>} : memref<128x64xf32, #tpu.memory_space<vmem>>, vector<1x16xf32>,
      %swap3A_189 = vector.shape_cast %swap3A_188 : vector<1x16xf32> to vector<16xf32>
      %swap3A_190 = vector.shape_cast %scan3A_169#3 : vector<16xf32> to vector<1x16xf32>
      tpu.vector_store %arg14[%swap3A_186, %swap3A_187], %swap3A_190 {strides = array<i32>} : memref<128x64xf32, #tpu.memory_space<vmem>>, vector<1x16xf32>,
      %add3A_191 = arith.constant 4 : i32
      %add3A_192 = arith.addi %mul3A_62, %add3A_191 : i32
      %dma_wait3A_193 = arith.constant 0 : i32
      %dma_wait3A_194 = tpu.memref_slice %arg5[%add3A_192, %dma_wait3A_193] : memref<256x100xi32, #tpu.memory_space<vmem>> -> memref<1x100xi32, #tpu.memory_space<vmem>>
      %dma_wait3A_195 = tpu.memref_squeeze %dma_wait3A_194 : memref<1x100xi32, #tpu.memory_space<vmem>> -> memref<100xi32, #tpu.memory_space<vmem>>
      %dma_wait3A_196 = arith.constant 0 : i32
      %dma_wait3A_197 = arith.constant 0 : i32
      %dma_wait3A_198 = tpu.memref_slice %arg3[%dma_wait3A_196, %dma_wait3A_197] : memref<1000000x64xf32, #tpu.memory_space<hbm>> -> memref<1000000x64xf32, #tpu.memory_space<hbm>>
      tpu.wait_indirect_dma semaphore(%arg19 : memref<!tpu.dma_semaphore, #tpu.memory_space<semaphore_mem>>) src(%dma_wait3A_198 : memref<1000000x64xf32, #tpu.memory_space<hbm>>) dst(%arg10 : memref<100x64xf32, #tpu.memory_space<vmem>>)
      %add3A_199 = arith.constant 7 : i32
      %add3A_200 = arith.addi %add3A_192, %add3A_199 : i32
      %lt3A_201 = arith.constant 256 : i32
      %lt3A_202 = arith.cmpi slt, %add3A_200, %lt3A_201 : i32
      %convert_element_type3A_203 = arith.extui %lt3A_202 : i1 to i32
      %cond3A_204 = arith.constant 0 : i32
      %cond3A_205 = arith.cmpi ne, %convert_element_type3A_203, %cond3A_204 : i32
      scf.if %cond3A_205 {
        %add3A_324 = arith.constant 7 : i32
        %add3A_325 = arith.addi %add3A_192, %add3A_324 : i32
        %dma_start3A_326 = arith.constant 0 : i32
        %dma_start3A_327 = tpu.memref_slice %arg5[%add3A_325, %dma_start3A_326] : memref<256x100xi32, #tpu.memory_space<vmem>> -> memref<1x100xi32, #tpu.memory_space<vmem>>
        %dma_start3A_328 = tpu.memref_squeeze %dma_start3A_327 : memref<1x100xi32, #tpu.memory_space<vmem>> -> memref<100xi32, #tpu.memory_space<vmem>>
        %dma_start3A_329 = arith.constant 0 : i32
        %dma_start3A_330 = arith.constant 0 : i32
        %dma_start3A_331 = tpu.memref_slice %arg3[%dma_start3A_329, %dma_start3A_330] : memref<1000000x64xf32, #tpu.memory_space<hbm>> -> memref<1000000x64xf32, #tpu.memory_space<hbm>>
        tpu.enqueue_indirect_dma source(%dma_start3A_331 : memref<1000000x64xf32, #tpu.memory_space<hbm>>) target(%arg9 : memref<100x64xf32, #tpu.memory_space<vmem>>) offsets(%dma_start3A_328 : memref<100xi32, #tpu.memory_space<vmem>>) semaphore(%arg18 : memref<!tpu.dma_semaphore, #tpu.memory_space<semaphore_mem>>)
      } else {
      }
      %scan3A_206 = arith.constant 0 : i32
      %scan3A_207 = arith.constant 100 : i32
      %scan3A_208 = arith.addi %scan3A_206, %scan3A_207 : i32
      %scan3A_209 = arith.constant 4 : i32
      %scan3A_210:4 = scf.for %scan3A_324 = %scan3A_206 to %scan3A_208 step %scan3A_209 iter_args(%scan3A_325 = %broadcast_in_dim3A_63, %scan3A_326 = %broadcast_in_dim3A_63, %scan3A_327 = %broadcast_in_dim3A_63, %scan3A_328 = %broadcast_in_dim3A_63) -> (vector<16xf32>, vector<16xf32>, vector<16xf32>, vector<16xf32>)  : i32 {
        %get3A = arith.index_cast %scan3A_324 : i32 to index
        %get3A_329 = arith.constant 0 : index
        %get3A_330 = tpu.vector_load %arg10[%get3A, %get3A_329] {strides = array<i32>} : memref<100x64xf32, #tpu.memory_space<vmem>>, vector<1x16xf32>,
        %get3A_331 = vector.shape_cast %get3A_330 : vector<1x16xf32> to vector<16xf32>
        %add3A_332 = arith.addf %scan3A_325, %get3A_331 : vector<16xf32>
        %get3A_333 = arith.index_cast %scan3A_324 : i32 to index
        %get3A_334 = arith.constant 16 : index
        %get3A_335 = tpu.vector_load %arg10[%get3A_333, %get3A_334] {strides = array<i32>} : memref<100x64xf32, #tpu.memory_space<vmem>>, vector<1x16xf32>,
        %get3A_336 = vector.shape_cast %get3A_335 : vector<1x16xf32> to vector<16xf32>
        %add3A_337 = arith.addf %scan3A_326, %get3A_336 : vector<16xf32>
        %get3A_338 = arith.index_cast %scan3A_324 : i32 to index
        %get3A_339 = arith.constant 32 : index
        %get3A_340 = tpu.vector_load %arg10[%get3A_338, %get3A_339] {strides = array<i32>} : memref<100x64xf32, #tpu.memory_space<vmem>>, vector<1x16xf32>,
        %get3A_341 = vector.shape_cast %get3A_340 : vector<1x16xf32> to vector<16xf32>
        %add3A_342 = arith.addf %scan3A_327, %get3A_341 : vector<16xf32>
        %get3A_343 = arith.index_cast %scan3A_324 : i32 to index
        %get3A_344 = arith.constant 48 : index
        %get3A_345 = tpu.vector_load %arg10[%get3A_343, %get3A_344] {strides = array<i32>} : memref<100x64xf32, #tpu.memory_space<vmem>>, vector<1x16xf32>,
        %get3A_346 = vector.shape_cast %get3A_345 : vector<1x16xf32> to vector<16xf32>
        %add3A_347 = arith.addf %scan3A_328, %get3A_346 : vector<16xf32>
        %scan3A_348 = arith.constant 1 : i32
        %scan3A_349 = arith.addi %scan3A_324, %scan3A_348 : i32
        %get3A_350 = arith.index_cast %scan3A_349 : i32 to index
        %get3A_351 = arith.constant 0 : index
        %get3A_352 = tpu.vector_load %arg10[%get3A_350, %get3A_351] {strides = array<i32>} : memref<100x64xf32, #tpu.memory_space<vmem>>, vector<1x16xf32>,
        %get3A_353 = vector.shape_cast %get3A_352 : vector<1x16xf32> to vector<16xf32>
        %add3A_354 = arith.addf %add3A_332, %get3A_353 : vector<16xf32>
        %get3A_355 = arith.index_cast %scan3A_349 : i32 to index
        %get3A_356 = arith.constant 16 : index
        %get3A_357 = tpu.vector_load %arg10[%get3A_355, %get3A_356] {strides = array<i32>} : memref<100x64xf32, #tpu.memory_space<vmem>>, vector<1x16xf32>,
        %get3A_358 = vector.shape_cast %get3A_357 : vector<1x16xf32> to vector<16xf32>
        %add3A_359 = arith.addf %add3A_337, %get3A_358 : vector<16xf32>
        %get3A_360 = arith.index_cast %scan3A_349 : i32 to index
        %get3A_361 = arith.constant 32 : index
        %get3A_362 = tpu.vector_load %arg10[%get3A_360, %get3A_361] {strides = array<i32>} : memref<100x64xf32, #tpu.memory_space<vmem>>, vector<1x16xf32>,
        %get3A_363 = vector.shape_cast %get3A_362 : vector<1x16xf32> to vector<16xf32>
        %add3A_364 = arith.addf %add3A_342, %get3A_363 : vector<16xf32>
        %get3A_365 = arith.index_cast %scan3A_349 : i32 to index
        %get3A_366 = arith.constant 48 : index
        %get3A_367 = tpu.vector_load %arg10[%get3A_365, %get3A_366] {strides = array<i32>} : memref<100x64xf32, #tpu.memory_space<vmem>>, vector<1x16xf32>,
        %get3A_368 = vector.shape_cast %get3A_367 : vector<1x16xf32> to vector<16xf32>
        %add3A_369 = arith.addf %add3A_347, %get3A_368 : vector<16xf32>
        %scan3A_370 = arith.constant 2 : i32
        %scan3A_371 = arith.addi %scan3A_324, %scan3A_370 : i32
        %get3A_372 = arith.index_cast %scan3A_371 : i32 to index
        %get3A_373 = arith.constant 0 : index
        %get3A_374 = tpu.vector_load %arg10[%get3A_372, %get3A_373] {strides = array<i32>} : memref<100x64xf32, #tpu.memory_space<vmem>>, vector<1x16xf32>,
        %get3A_375 = vector.shape_cast %get3A_374 : vector<1x16xf32> to vector<16xf32>
        %add3A_376 = arith.addf %add3A_354, %get3A_375 : vector<16xf32>
        %get3A_377 = arith.index_cast %scan3A_371 : i32 to index
        %get3A_378 = arith.constant 16 : index
        %get3A_379 = tpu.vector_load %arg10[%get3A_377, %get3A_378] {strides = array<i32>} : memref<100x64xf32, #tpu.memory_space<vmem>>, vector<1x16xf32>,
        %get3A_380 = vector.shape_cast %get3A_379 : vector<1x16xf32> to vector<16xf32>
        %add3A_381 = arith.addf %add3A_359, %get3A_380 : vector<16xf32>
        %get3A_382 = arith.index_cast %scan3A_371 : i32 to index
        %get3A_383 = arith.constant 32 : index
        %get3A_384 = tpu.vector_load %arg10[%get3A_382, %get3A_383] {strides = array<i32>} : memref<100x64xf32, #tpu.memory_space<vmem>>, vector<1x16xf32>,
        %get3A_385 = vector.shape_cast %get3A_384 : vector<1x16xf32> to vector<16xf32>
        %add3A_386 = arith.addf %add3A_364, %get3A_385 : vector<16xf32>
        %get3A_387 = arith.index_cast %scan3A_371 : i32 to index
        %get3A_388 = arith.constant 48 : index
        %get3A_389 = tpu.vector_load %arg10[%get3A_387, %get3A_388] {strides = array<i32>} : memref<100x64xf32, #tpu.memory_space<vmem>>, vector<1x16xf32>,
        %get3A_390 = vector.shape_cast %get3A_389 : vector<1x16xf32> to vector<16xf32>
        %add3A_391 = arith.addf %add3A_369, %get3A_390 : vector<16xf32>
        %scan3A_392 = arith.constant 3 : i32
        %scan3A_393 = arith.addi %scan3A_324, %scan3A_392 : i32
        %get3A_394 = arith.index_cast %scan3A_393 : i32 to index
        %get3A_395 = arith.constant 0 : index
        %get3A_396 = tpu.vector_load %arg10[%get3A_394, %get3A_395] {strides = array<i32>} : memref<100x64xf32, #tpu.memory_space<vmem>>, vector<1x16xf32>,
        %get3A_397 = vector.shape_cast %get3A_396 : vector<1x16xf32> to vector<16xf32>
        %add3A_398 = arith.addf %add3A_376, %get3A_397 : vector<16xf32>
        %get3A_399 = arith.index_cast %scan3A_393 : i32 to index
        %get3A_400 = arith.constant 16 : index
        %get3A_401 = tpu.vector_load %arg10[%get3A_399, %get3A_400] {strides = array<i32>} : memref<100x64xf32, #tpu.memory_space<vmem>>, vector<1x16xf32>,
        %get3A_402 = vector.shape_cast %get3A_401 : vector<1x16xf32> to vector<16xf32>
        %add3A_403 = arith.addf %add3A_381, %get3A_402 : vector<16xf32>
        %get3A_404 = arith.index_cast %scan3A_393 : i32 to index
        %get3A_405 = arith.constant 32 : index
        %get3A_406 = tpu.vector_load %arg10[%get3A_404, %get3A_405] {strides = array<i32>} : memref<100x64xf32, #tpu.memory_space<vmem>>, vector<1x16xf32>,
        %get3A_407 = vector.shape_cast %get3A_406 : vector<1x16xf32> to vector<16xf32>
        %add3A_408 = arith.addf %add3A_386, %get3A_407 : vector<16xf32>
        %get3A_409 = arith.index_cast %scan3A_393 : i32 to index
        %get3A_410 = arith.constant 48 : index
        %get3A_411 = tpu.vector_load %arg10[%get3A_409, %get3A_410] {strides = array<i32>} : memref<100x64xf32, #tpu.memory_space<vmem>>, vector<1x16xf32>,
        %get3A_412 = vector.shape_cast %get3A_411 : vector<1x16xf32> to vector<16xf32>
        %add3A_413 = arith.addf %add3A_391, %get3A_412 : vector<16xf32>
        scf.yield %add3A_398, %add3A_403, %add3A_408, %add3A_413 : vector<16xf32>, vector<16xf32>, vector<16xf32>, vector<16xf32>
      }
      %scan3A_211 = arith.constant 100 : i32
      %add3A_212 = arith.constant 1 : i32
      %add3A_213 = arith.addi %add3A_192, %add3A_212 : i32
      %dma_wait3A_214 = arith.constant 0 : i32
      %dma_wait3A_215 = tpu.memref_slice %arg5[%add3A_213, %dma_wait3A_214] : memref<256x100xi32, #tpu.memory_space<vmem>> -> memref<1x100xi32, #tpu.memory_space<vmem>>
      %dma_wait3A_216 = tpu.memref_squeeze %dma_wait3A_215 : memref<1x100xi32, #tpu.memory_space<vmem>> -> memref<100xi32, #tpu.memory_space<vmem>>
      %dma_wait3A_217 = arith.constant 0 : i32
      %dma_wait3A_218 = arith.constant 0 : i32
      %dma_wait3A_219 = tpu.memref_slice %arg3[%dma_wait3A_217, %dma_wait3A_218] : memref<1000000x64xf32, #tpu.memory_space<hbm>> -> memref<1000000x64xf32, #tpu.memory_space<hbm>>
      tpu.wait_indirect_dma semaphore(%arg20 : memref<!tpu.dma_semaphore, #tpu.memory_space<semaphore_mem>>) src(%dma_wait3A_219 : memref<1000000x64xf32, #tpu.memory_space<hbm>>) dst(%arg11 : memref<100x64xf32, #tpu.memory_space<vmem>>)
      %add3A_220 = arith.constant 7 : i32
      %add3A_221 = arith.addi %add3A_213, %add3A_220 : i32
      %lt3A_222 = arith.constant 256 : i32
      %lt3A_223 = arith.cmpi slt, %add3A_221, %lt3A_222 : i32
      %convert_element_type3A_224 = arith.extui %lt3A_223 : i1 to i32
      %cond3A_225 = arith.constant 0 : i32
      %cond3A_226 = arith.cmpi ne, %convert_element_type3A_224, %cond3A_225 : i32
      scf.if %cond3A_226 {
        %add3A_324 = arith.constant 7 : i32
        %add3A_325 = arith.addi %add3A_213, %add3A_324 : i32
        %dma_start3A_326 = arith.constant 0 : i32
        %dma_start3A_327 = tpu.memref_slice %arg5[%add3A_325, %dma_start3A_326] : memref<256x100xi32, #tpu.memory_space<vmem>> -> memref<1x100xi32, #tpu.memory_space<vmem>>
        %dma_start3A_328 = tpu.memref_squeeze %dma_start3A_327 : memref<1x100xi32, #tpu.memory_space<vmem>> -> memref<100xi32, #tpu.memory_space<vmem>>
        %dma_start3A_329 = arith.constant 0 : i32
        %dma_start3A_330 = arith.constant 0 : i32
        %dma_start3A_331 = tpu.memref_slice %arg3[%dma_start3A_329, %dma_start3A_330] : memref<1000000x64xf32, #tpu.memory_space<hbm>> -> memref<1000000x64xf32, #tpu.memory_space<hbm>>
        tpu.enqueue_indirect_dma source(%dma_start3A_331 : memref<1000000x64xf32, #tpu.memory_space<hbm>>) target(%arg10 : memref<100x64xf32, #tpu.memory_space<vmem>>) offsets(%dma_start3A_328 : memref<100xi32, #tpu.memory_space<vmem>>) semaphore(%arg19 : memref<!tpu.dma_semaphore, #tpu.memory_space<semaphore_mem>>)
      } else {
      }
      %mul3A_227 = arith.constant 4 : i32
      %mul3A_228 = arith.muli %mul3A_227, %scan3A_59 : i32
      %add3A_229 = arith.constant 2 : i32
      %add3A_230 = arith.addi %mul3A_228, %add3A_229 : i32
      %scan3A_231 = arith.constant 0 : i32
      %scan3A_232 = arith.constant 100 : i32
      %scan3A_233 = arith.addi %scan3A_231, %scan3A_232 : i32
      %scan3A_234 = arith.constant 4 : i32
      %scan3A_235:4 = scf.for %scan3A_324 = %scan3A_231 to %scan3A_233 step %scan3A_234 iter_args(%scan3A_325 = %scan3A_210#0, %scan3A_326 = %scan3A_210#1, %scan3A_327 = %scan3A_210#2, %scan3A_328 = %scan3A_210#3) -> (vector<16xf32>, vector<16xf32>, vector<16xf32>, vector<16xf32>)  : i32 {
        %get3A = arith.index_cast %scan3A_324 : i32 to index
        %get3A_329 = arith.constant 0 : index
        %get3A_330 = tpu.vector_load %arg11[%get3A, %get3A_329] {strides = array<i32>} : memref<100x64xf32, #tpu.memory_space<vmem>>, vector<1x16xf32>,
        %get3A_331 = vector.shape_cast %get3A_330 : vector<1x16xf32> to vector<16xf32>
        %add3A_332 = arith.addf %scan3A_325, %get3A_331 : vector<16xf32>
        %get3A_333 = arith.index_cast %scan3A_324 : i32 to index
        %get3A_334 = arith.constant 16 : index
        %get3A_335 = tpu.vector_load %arg11[%get3A_333, %get3A_334] {strides = array<i32>} : memref<100x64xf32, #tpu.memory_space<vmem>>, vector<1x16xf32>,
        %get3A_336 = vector.shape_cast %get3A_335 : vector<1x16xf32> to vector<16xf32>
        %add3A_337 = arith.addf %scan3A_326, %get3A_336 : vector<16xf32>
        %get3A_338 = arith.index_cast %scan3A_324 : i32 to index
        %get3A_339 = arith.constant 32 : index
        %get3A_340 = tpu.vector_load %arg11[%get3A_338, %get3A_339] {strides = array<i32>} : memref<100x64xf32, #tpu.memory_space<vmem>>, vector<1x16xf32>,
        %get3A_341 = vector.shape_cast %get3A_340 : vector<1x16xf32> to vector<16xf32>
        %add3A_342 = arith.addf %scan3A_327, %get3A_341 : vector<16xf32>
        %get3A_343 = arith.index_cast %scan3A_324 : i32 to index
        %get3A_344 = arith.constant 48 : index
        %get3A_345 = tpu.vector_load %arg11[%get3A_343, %get3A_344] {strides = array<i32>} : memref<100x64xf32, #tpu.memory_space<vmem>>, vector<1x16xf32>,
        %get3A_346 = vector.shape_cast %get3A_345 : vector<1x16xf32> to vector<16xf32>
        %add3A_347 = arith.addf %scan3A_328, %get3A_346 : vector<16xf32>
        %scan3A_348 = arith.constant 1 : i32
        %scan3A_349 = arith.addi %scan3A_324, %scan3A_348 : i32
        %get3A_350 = arith.index_cast %scan3A_349 : i32 to index
        %get3A_351 = arith.constant 0 : index
        %get3A_352 = tpu.vector_load %arg11[%get3A_350, %get3A_351] {strides = array<i32>} : memref<100x64xf32, #tpu.memory_space<vmem>>, vector<1x16xf32>,
        %get3A_353 = vector.shape_cast %get3A_352 : vector<1x16xf32> to vector<16xf32>
        %add3A_354 = arith.addf %add3A_332, %get3A_353 : vector<16xf32>
        %get3A_355 = arith.index_cast %scan3A_349 : i32 to index
        %get3A_356 = arith.constant 16 : index
        %get3A_357 = tpu.vector_load %arg11[%get3A_355, %get3A_356] {strides = array<i32>} : memref<100x64xf32, #tpu.memory_space<vmem>>, vector<1x16xf32>,
        %get3A_358 = vector.shape_cast %get3A_357 : vector<1x16xf32> to vector<16xf32>
        %add3A_359 = arith.addf %add3A_337, %get3A_358 : vector<16xf32>
        %get3A_360 = arith.index_cast %scan3A_349 : i32 to index
        %get3A_361 = arith.constant 32 : index
        %get3A_362 = tpu.vector_load %arg11[%get3A_360, %get3A_361] {strides = array<i32>} : memref<100x64xf32, #tpu.memory_space<vmem>>, vector<1x16xf32>,
        %get3A_363 = vector.shape_cast %get3A_362 : vector<1x16xf32> to vector<16xf32>
        %add3A_364 = arith.addf %add3A_342, %get3A_363 : vector<16xf32>
        %get3A_365 = arith.index_cast %scan3A_349 : i32 to index
        %get3A_366 = arith.constant 48 : index
        %get3A_367 = tpu.vector_load %arg11[%get3A_365, %get3A_366] {strides = array<i32>} : memref<100x64xf32, #tpu.memory_space<vmem>>, vector<1x16xf32>,
        %get3A_368 = vector.shape_cast %get3A_367 : vector<1x16xf32> to vector<16xf32>
        %add3A_369 = arith.addf %add3A_347, %get3A_368 : vector<16xf32>
        %scan3A_370 = arith.constant 2 : i32
        %scan3A_371 = arith.addi %scan3A_324, %scan3A_370 : i32
        %get3A_372 = arith.index_cast %scan3A_371 : i32 to index
        %get3A_373 = arith.constant 0 : index
        %get3A_374 = tpu.vector_load %arg11[%get3A_372, %get3A_373] {strides = array<i32>} : memref<100x64xf32, #tpu.memory_space<vmem>>, vector<1x16xf32>,
        %get3A_375 = vector.shape_cast %get3A_374 : vector<1x16xf32> to vector<16xf32>
        %add3A_376 = arith.addf %add3A_354, %get3A_375 : vector<16xf32>
        %get3A_377 = arith.index_cast %scan3A_371 : i32 to index
        %get3A_378 = arith.constant 16 : index
        %get3A_379 = tpu.vector_load %arg11[%get3A_377, %get3A_378] {strides = array<i32>} : memref<100x64xf32, #tpu.memory_space<vmem>>, vector<1x16xf32>,
        %get3A_380 = vector.shape_cast %get3A_379 : vector<1x16xf32> to vector<16xf32>
        %add3A_381 = arith.addf %add3A_359, %get3A_380 : vector<16xf32>
        %get3A_382 = arith.index_cast %scan3A_371 : i32 to index
        %get3A_383 = arith.constant 32 : index
        %get3A_384 = tpu.vector_load %arg11[%get3A_382, %get3A_383] {strides = array<i32>} : memref<100x64xf32, #tpu.memory_space<vmem>>, vector<1x16xf32>,
        %get3A_385 = vector.shape_cast %get3A_384 : vector<1x16xf32> to vector<16xf32>
        %add3A_386 = arith.addf %add3A_364, %get3A_385 : vector<16xf32>
        %get3A_387 = arith.index_cast %scan3A_371 : i32 to index
        %get3A_388 = arith.constant 48 : index
        %get3A_389 = tpu.vector_load %arg11[%get3A_387, %get3A_388] {strides = array<i32>} : memref<100x64xf32, #tpu.memory_space<vmem>>, vector<1x16xf32>,
        %get3A_390 = vector.shape_cast %get3A_389 : vector<1x16xf32> to vector<16xf32>
        %add3A_391 = arith.addf %add3A_369, %get3A_390 : vector<16xf32>
        %scan3A_392 = arith.constant 3 : i32
        %scan3A_393 = arith.addi %scan3A_324, %scan3A_392 : i32
        %get3A_394 = arith.index_cast %scan3A_393 : i32 to index
        %get3A_395 = arith.constant 0 : index
        %get3A_396 = tpu.vector_load %arg11[%get3A_394, %get3A_395] {strides = array<i32>} : memref<100x64xf32, #tpu.memory_space<vmem>>, vector<1x16xf32>,
        %get3A_397 = vector.shape_cast %get3A_396 : vector<1x16xf32> to vector<16xf32>
        %add3A_398 = arith.addf %add3A_376, %get3A_397 : vector<16xf32>
        %get3A_399 = arith.index_cast %scan3A_393 : i32 to index
        %get3A_400 = arith.constant 16 : index
        %get3A_401 = tpu.vector_load %arg11[%get3A_399, %get3A_400] {strides = array<i32>} : memref<100x64xf32, #tpu.memory_space<vmem>>, vector<1x16xf32>,
        %get3A_402 = vector.shape_cast %get3A_401 : vector<1x16xf32> to vector<16xf32>
        %add3A_403 = arith.addf %add3A_381, %get3A_402 : vector<16xf32>
        %get3A_404 = arith.index_cast %scan3A_393 : i32 to index
        %get3A_405 = arith.constant 32 : index
        %get3A_406 = tpu.vector_load %arg11[%get3A_404, %get3A_405] {strides = array<i32>} : memref<100x64xf32, #tpu.memory_space<vmem>>, vector<1x16xf32>,
        %get3A_407 = vector.shape_cast %get3A_406 : vector<1x16xf32> to vector<16xf32>
        %add3A_408 = arith.addf %add3A_386, %get3A_407 : vector<16xf32>
        %get3A_409 = arith.index_cast %scan3A_393 : i32 to index
        %get3A_410 = arith.constant 48 : index
        %get3A_411 = tpu.vector_load %arg11[%get3A_409, %get3A_410] {strides = array<i32>} : memref<100x64xf32, #tpu.memory_space<vmem>>, vector<1x16xf32>,
        %get3A_412 = vector.shape_cast %get3A_411 : vector<1x16xf32> to vector<16xf32>
        %add3A_413 = arith.addf %add3A_391, %get3A_412 : vector<16xf32>
        scf.yield %add3A_398, %add3A_403, %add3A_408, %add3A_413 : vector<16xf32>, vector<16xf32>, vector<16xf32>, vector<16xf32>
      }
      %scan3A_236 = arith.constant 100 : i32
      %swap3A_237 = arith.index_cast %add3A_230 : i32 to index
      %swap3A_238 = arith.constant 0 : index
      %swap3A_239 = tpu.vector_load %arg14[%swap3A_237, %swap3A_238] {strides = array<i32>} : memref<128x64xf32, #tpu.memory_space<vmem>>, vector<1x16xf32>,
      %swap3A_240 = vector.shape_cast %swap3A_239 : vector<1x16xf32> to vector<16xf32>
      %swap3A_241 = vector.shape_cast %scan3A_235#0 : vector<16xf32> to vector<1x16xf32>
      tpu.vector_store %arg14[%swap3A_237, %swap3A_238], %swap3A_241 {strides = array<i32>} : memref<128x64xf32, #tpu.memory_space<vmem>>, vector<1x16xf32>,
      %swap3A_242 = arith.index_cast %add3A_230 : i32 to index
      %swap3A_243 = arith.constant 16 : index
      %swap3A_244 = tpu.vector_load %arg14[%swap3A_242, %swap3A_243] {strides = array<i32>} : memref<128x64xf32, #tpu.memory_space<vmem>>, vector<1x16xf32>,
      %swap3A_245 = vector.shape_cast %swap3A_244 : vector<1x16xf32> to vector<16xf32>
      %swap3A_246 = vector.shape_cast %scan3A_235#1 : vector<16xf32> to vector<1x16xf32>
      tpu.vector_store %arg14[%swap3A_242, %swap3A_243], %swap3A_246 {strides = array<i32>} : memref<128x64xf32, #tpu.memory_space<vmem>>, vector<1x16xf32>,
      %swap3A_247 = arith.index_cast %add3A_230 : i32 to index
      %swap3A_248 = arith.constant 32 : index
      %swap3A_249 = tpu.vector_load %arg14[%swap3A_247, %swap3A_248] {strides = array<i32>} : memref<128x64xf32, #tpu.memory_space<vmem>>, vector<1x16xf32>,
      %swap3A_250 = vector.shape_cast %swap3A_249 : vector<1x16xf32> to vector<16xf32>
      %swap3A_251 = vector.shape_cast %scan3A_235#2 : vector<16xf32> to vector<1x16xf32>
      tpu.vector_store %arg14[%swap3A_247, %swap3A_248], %swap3A_251 {strides = array<i32>} : memref<128x64xf32, #tpu.memory_space<vmem>>, vector<1x16xf32>,
      %swap3A_252 = arith.index_cast %add3A_230 : i32 to index
      %swap3A_253 = arith.constant 48 : index
      %swap3A_254 = tpu.vector_load %arg14[%swap3A_252, %swap3A_253] {strides = array<i32>} : memref<128x64xf32, #tpu.memory_space<vmem>>, vector<1x16xf32>,
      %swap3A_255 = vector.shape_cast %swap3A_254 : vector<1x16xf32> to vector<16xf32>
      %swap3A_256 = vector.shape_cast %scan3A_235#3 : vector<16xf32> to vector<1x16xf32>
      tpu.vector_store %arg14[%swap3A_252, %swap3A_253], %swap3A_256 {strides = array<i32>} : memref<128x64xf32, #tpu.memory_space<vmem>>, vector<1x16xf32>,
      %add3A_257 = arith.constant 6 : i32
      %add3A_258 = arith.addi %mul3A_62, %add3A_257 : i32
      %dma_wait3A_259 = arith.constant 0 : i32
      %dma_wait3A_260 = tpu.memref_slice %arg5[%add3A_258, %dma_wait3A_259] : memref<256x100xi32, #tpu.memory_space<vmem>> -> memref<1x100xi32, #tpu.memory_space<vmem>>
      %dma_wait3A_261 = tpu.memref_squeeze %dma_wait3A_260 : memref<1x100xi32, #tpu.memory_space<vmem>> -> memref<100xi32, #tpu.memory_space<vmem>>
      %dma_wait3A_262 = arith.constant 0 : i32
      %dma_wait3A_263 = arith.constant 0 : i32
      %dma_wait3A_264 = tpu.memref_slice %arg3[%dma_wait3A_262, %dma_wait3A_263] : memref<1000000x64xf32, #tpu.memory_space<hbm>> -> memref<1000000x64xf32, #tpu.memory_space<hbm>>
      tpu.wait_indirect_dma semaphore(%arg21 : memref<!tpu.dma_semaphore, #tpu.memory_space<semaphore_mem>>) src(%dma_wait3A_264 : memref<1000000x64xf32, #tpu.memory_space<hbm>>) dst(%arg12 : memref<100x64xf32, #tpu.memory_space<vmem>>)
      %add3A_265 = arith.constant 7 : i32
      %add3A_266 = arith.addi %add3A_258, %add3A_265 : i32
      %lt3A_267 = arith.constant 256 : i32
      %lt3A_268 = arith.cmpi slt, %add3A_266, %lt3A_267 : i32
      %convert_element_type3A_269 = arith.extui %lt3A_268 : i1 to i32
      %cond3A_270 = arith.constant 0 : i32
      %cond3A_271 = arith.cmpi ne, %convert_element_type3A_269, %cond3A_270 : i32
      scf.if %cond3A_271 {
        %add3A_324 = arith.constant 7 : i32
        %add3A_325 = arith.addi %add3A_258, %add3A_324 : i32
        %dma_start3A_326 = arith.constant 0 : i32
        %dma_start3A_327 = tpu.memref_slice %arg5[%add3A_325, %dma_start3A_326] : memref<256x100xi32, #tpu.memory_space<vmem>> -> memref<1x100xi32, #tpu.memory_space<vmem>>
        %dma_start3A_328 = tpu.memref_squeeze %dma_start3A_327 : memref<1x100xi32, #tpu.memory_space<vmem>> -> memref<100xi32, #tpu.memory_space<vmem>>
        %dma_start3A_329 = arith.constant 0 : i32
        %dma_start3A_330 = arith.constant 0 : i32
        %dma_start3A_331 = tpu.memref_slice %arg3[%dma_start3A_329, %dma_start3A_330] : memref<1000000x64xf32, #tpu.memory_space<hbm>> -> memref<1000000x64xf32, #tpu.memory_space<hbm>>
        tpu.enqueue_indirect_dma source(%dma_start3A_331 : memref<1000000x64xf32, #tpu.memory_space<hbm>>) target(%arg11 : memref<100x64xf32, #tpu.memory_space<vmem>>) offsets(%dma_start3A_328 : memref<100xi32, #tpu.memory_space<vmem>>) semaphore(%arg20 : memref<!tpu.dma_semaphore, #tpu.memory_space<semaphore_mem>>)
      } else {
      }
      %scan3A_272 = arith.constant 0 : i32
      %scan3A_273 = arith.constant 100 : i32
      %scan3A_274 = arith.addi %scan3A_272, %scan3A_273 : i32
      %scan3A_275 = arith.constant 4 : i32
      %scan3A_276:4 = scf.for %scan3A_324 = %scan3A_272 to %scan3A_274 step %scan3A_275 iter_args(%scan3A_325 = %broadcast_in_dim3A_63, %scan3A_326 = %broadcast_in_dim3A_63, %scan3A_327 = %broadcast_in_dim3A_63, %scan3A_328 = %broadcast_in_dim3A_63) -> (vector<16xf32>, vector<16xf32>, vector<16xf32>, vector<16xf32>)  : i32 {
        %get3A = arith.index_cast %scan3A_324 : i32 to index
        %get3A_329 = arith.constant 0 : index
        %get3A_330 = tpu.vector_load %arg12[%get3A, %get3A_329] {strides = array<i32>} : memref<100x64xf32, #tpu.memory_space<vmem>>, vector<1x16xf32>,
        %get3A_331 = vector.shape_cast %get3A_330 : vector<1x16xf32> to vector<16xf32>
        %add3A_332 = arith.addf %scan3A_325, %get3A_331 : vector<16xf32>
        %get3A_333 = arith.index_cast %scan3A_324 : i32 to index
        %get3A_334 = arith.constant 16 : index
        %get3A_335 = tpu.vector_load %arg12[%get3A_333, %get3A_334] {strides = array<i32>} : memref<100x64xf32, #tpu.memory_space<vmem>>, vector<1x16xf32>,
        %get3A_336 = vector.shape_cast %get3A_335 : vector<1x16xf32> to vector<16xf32>
        %add3A_337 = arith.addf %scan3A_326, %get3A_336 : vector<16xf32>
        %get3A_338 = arith.index_cast %scan3A_324 : i32 to index
        %get3A_339 = arith.constant 32 : index
        %get3A_340 = tpu.vector_load %arg12[%get3A_338, %get3A_339] {strides = array<i32>} : memref<100x64xf32, #tpu.memory_space<vmem>>, vector<1x16xf32>,
        %get3A_341 = vector.shape_cast %get3A_340 : vector<1x16xf32> to vector<16xf32>
        %add3A_342 = arith.addf %scan3A_327, %get3A_341 : vector<16xf32>
        %get3A_343 = arith.index_cast %scan3A_324 : i32 to index
        %get3A_344 = arith.constant 48 : index
        %get3A_345 = tpu.vector_load %arg12[%get3A_343, %get3A_344] {strides = array<i32>} : memref<100x64xf32, #tpu.memory_space<vmem>>, vector<1x16xf32>,
        %get3A_346 = vector.shape_cast %get3A_345 : vector<1x16xf32> to vector<16xf32>
        %add3A_347 = arith.addf %scan3A_328, %get3A_346 : vector<16xf32>
        %scan3A_348 = arith.constant 1 : i32
        %scan3A_349 = arith.addi %scan3A_324, %scan3A_348 : i32
        %get3A_350 = arith.index_cast %scan3A_349 : i32 to index
        %get3A_351 = arith.constant 0 : index
        %get3A_352 = tpu.vector_load %arg12[%get3A_350, %get3A_351] {strides = array<i32>} : memref<100x64xf32, #tpu.memory_space<vmem>>, vector<1x16xf32>,
        %get3A_353 = vector.shape_cast %get3A_352 : vector<1x16xf32> to vector<16xf32>
        %add3A_354 = arith.addf %add3A_332, %get3A_353 : vector<16xf32>
        %get3A_355 = arith.index_cast %scan3A_349 : i32 to index
        %get3A_356 = arith.constant 16 : index
        %get3A_357 = tpu.vector_load %arg12[%get3A_355, %get3A_356] {strides = array<i32>} : memref<100x64xf32, #tpu.memory_space<vmem>>, vector<1x16xf32>,
        %get3A_358 = vector.shape_cast %get3A_357 : vector<1x16xf32> to vector<16xf32>
        %add3A_359 = arith.addf %add3A_337, %get3A_358 : vector<16xf32>
        %get3A_360 = arith.index_cast %scan3A_349 : i32 to index
        %get3A_361 = arith.constant 32 : index
        %get3A_362 = tpu.vector_load %arg12[%get3A_360, %get3A_361] {strides = array<i32>} : memref<100x64xf32, #tpu.memory_space<vmem>>, vector<1x16xf32>,
        %get3A_363 = vector.shape_cast %get3A_362 : vector<1x16xf32> to vector<16xf32>
        %add3A_364 = arith.addf %add3A_342, %get3A_363 : vector<16xf32>
        %get3A_365 = arith.index_cast %scan3A_349 : i32 to index
        %get3A_366 = arith.constant 48 : index
        %get3A_367 = tpu.vector_load %arg12[%get3A_365, %get3A_366] {strides = array<i32>} : memref<100x64xf32, #tpu.memory_space<vmem>>, vector<1x16xf32>,
        %get3A_368 = vector.shape_cast %get3A_367 : vector<1x16xf32> to vector<16xf32>
        %add3A_369 = arith.addf %add3A_347, %get3A_368 : vector<16xf32>
        %scan3A_370 = arith.constant 2 : i32
        %scan3A_371 = arith.addi %scan3A_324, %scan3A_370 : i32
        %get3A_372 = arith.index_cast %scan3A_371 : i32 to index
        %get3A_373 = arith.constant 0 : index
        %get3A_374 = tpu.vector_load %arg12[%get3A_372, %get3A_373] {strides = array<i32>} : memref<100x64xf32, #tpu.memory_space<vmem>>, vector<1x16xf32>,
        %get3A_375 = vector.shape_cast %get3A_374 : vector<1x16xf32> to vector<16xf32>
        %add3A_376 = arith.addf %add3A_354, %get3A_375 : vector<16xf32>
        %get3A_377 = arith.index_cast %scan3A_371 : i32 to index
        %get3A_378 = arith.constant 16 : index
        %get3A_379 = tpu.vector_load %arg12[%get3A_377, %get3A_378] {strides = array<i32>} : memref<100x64xf32, #tpu.memory_space<vmem>>, vector<1x16xf32>,
        %get3A_380 = vector.shape_cast %get3A_379 : vector<1x16xf32> to vector<16xf32>
        %add3A_381 = arith.addf %add3A_359, %get3A_380 : vector<16xf32>
        %get3A_382 = arith.index_cast %scan3A_371 : i32 to index
        %get3A_383 = arith.constant 32 : index
        %get3A_384 = tpu.vector_load %arg12[%get3A_382, %get3A_383] {strides = array<i32>} : memref<100x64xf32, #tpu.memory_space<vmem>>, vector<1x16xf32>,
        %get3A_385 = vector.shape_cast %get3A_384 : vector<1x16xf32> to vector<16xf32>
        %add3A_386 = arith.addf %add3A_364, %get3A_385 : vector<16xf32>
        %get3A_387 = arith.index_cast %scan3A_371 : i32 to index
        %get3A_388 = arith.constant 48 : index
        %get3A_389 = tpu.vector_load %arg12[%get3A_387, %get3A_388] {strides = array<i32>} : memref<100x64xf32, #tpu.memory_space<vmem>>, vector<1x16xf32>,
        %get3A_390 = vector.shape_cast %get3A_389 : vector<1x16xf32> to vector<16xf32>
        %add3A_391 = arith.addf %add3A_369, %get3A_390 : vector<16xf32>
        %scan3A_392 = arith.constant 3 : i32
        %scan3A_393 = arith.addi %scan3A_324, %scan3A_392 : i32
        %get3A_394 = arith.index_cast %scan3A_393 : i32 to index
        %get3A_395 = arith.constant 0 : index
        %get3A_396 = tpu.vector_load %arg12[%get3A_394, %get3A_395] {strides = array<i32>} : memref<100x64xf32, #tpu.memory_space<vmem>>, vector<1x16xf32>,
        %get3A_397 = vector.shape_cast %get3A_396 : vector<1x16xf32> to vector<16xf32>
        %add3A_398 = arith.addf %add3A_376, %get3A_397 : vector<16xf32>
        %get3A_399 = arith.index_cast %scan3A_393 : i32 to index
        %get3A_400 = arith.constant 16 : index
        %get3A_401 = tpu.vector_load %arg12[%get3A_399, %get3A_400] {strides = array<i32>} : memref<100x64xf32, #tpu.memory_space<vmem>>, vector<1x16xf32>,
        %get3A_402 = vector.shape_cast %get3A_401 : vector<1x16xf32> to vector<16xf32>
        %add3A_403 = arith.addf %add3A_381, %get3A_402 : vector<16xf32>
        %get3A_404 = arith.index_cast %scan3A_393 : i32 to index
        %get3A_405 = arith.constant 32 : index
        %get3A_406 = tpu.vector_load %arg12[%get3A_404, %get3A_405] {strides = array<i32>} : memref<100x64xf32, #tpu.memory_space<vmem>>, vector<1x16xf32>,
        %get3A_407 = vector.shape_cast %get3A_406 : vector<1x16xf32> to vector<16xf32>
        %add3A_408 = arith.addf %add3A_386, %get3A_407 : vector<16xf32>
        %get3A_409 = arith.index_cast %scan3A_393 : i32 to index
        %get3A_410 = arith.constant 48 : index
        %get3A_411 = tpu.vector_load %arg12[%get3A_409, %get3A_410] {strides = array<i32>} : memref<100x64xf32, #tpu.memory_space<vmem>>, vector<1x16xf32>,
        %get3A_412 = vector.shape_cast %get3A_411 : vector<1x16xf32> to vector<16xf32>
        %add3A_413 = arith.addf %add3A_391, %get3A_412 : vector<16xf32>
        scf.yield %add3A_398, %add3A_403, %add3A_408, %add3A_413 : vector<16xf32>, vector<16xf32>, vector<16xf32>, vector<16xf32>
      }
      %scan3A_277 = arith.constant 100 : i32
      %add3A_278 = arith.constant 1 : i32
      %add3A_279 = arith.addi %add3A_258, %add3A_278 : i32
      %dma_wait3A_280 = arith.constant 0 : i32
      %dma_wait3A_281 = tpu.memref_slice %arg5[%add3A_279, %dma_wait3A_280] : memref<256x100xi32, #tpu.memory_space<vmem>> -> memref<1x100xi32, #tpu.memory_space<vmem>>
      %dma_wait3A_282 = tpu.memref_squeeze %dma_wait3A_281 : memref<1x100xi32, #tpu.memory_space<vmem>> -> memref<100xi32, #tpu.memory_space<vmem>>
      %dma_wait3A_283 = arith.constant 0 : i32
      %dma_wait3A_284 = arith.constant 0 : i32
      %dma_wait3A_285 = tpu.memref_slice %arg3[%dma_wait3A_283, %dma_wait3A_284] : memref<1000000x64xf32, #tpu.memory_space<hbm>> -> memref<1000000x64xf32, #tpu.memory_space<hbm>>
      tpu.wait_indirect_dma semaphore(%arg22 : memref<!tpu.dma_semaphore, #tpu.memory_space<semaphore_mem>>) src(%dma_wait3A_285 : memref<1000000x64xf32, #tpu.memory_space<hbm>>) dst(%arg13 : memref<100x64xf32, #tpu.memory_space<vmem>>)
      %add3A_286 = arith.constant 7 : i32
      %add3A_287 = arith.addi %add3A_279, %add3A_286 : i32
      %lt3A_288 = arith.constant 256 : i32
      %lt3A_289 = arith.cmpi slt, %add3A_287, %lt3A_288 : i32
      %convert_element_type3A_290 = arith.extui %lt3A_289 : i1 to i32
      %cond3A_291 = arith.constant 0 : i32
      %cond3A_292 = arith.cmpi ne, %convert_element_type3A_290, %cond3A_291 : i32
      scf.if %cond3A_292 {
        %add3A_324 = arith.constant 7 : i32
        %add3A_325 = arith.addi %add3A_279, %add3A_324 : i32
        %dma_start3A_326 = arith.constant 0 : i32
        %dma_start3A_327 = tpu.memref_slice %arg5[%add3A_325, %dma_start3A_326] : memref<256x100xi32, #tpu.memory_space<vmem>> -> memref<1x100xi32, #tpu.memory_space<vmem>>
        %dma_start3A_328 = tpu.memref_squeeze %dma_start3A_327 : memref<1x100xi32, #tpu.memory_space<vmem>> -> memref<100xi32, #tpu.memory_space<vmem>>
        %dma_start3A_329 = arith.constant 0 : i32
        %dma_start3A_330 = arith.constant 0 : i32
        %dma_start3A_331 = tpu.memref_slice %arg3[%dma_start3A_329, %dma_start3A_330] : memref<1000000x64xf32, #tpu.memory_space<hbm>> -> memref<1000000x64xf32, #tpu.memory_space<hbm>>
        tpu.enqueue_indirect_dma source(%dma_start3A_331 : memref<1000000x64xf32, #tpu.memory_space<hbm>>) target(%arg12 : memref<100x64xf32, #tpu.memory_space<vmem>>) offsets(%dma_start3A_328 : memref<100xi32, #tpu.memory_space<vmem>>) semaphore(%arg21 : memref<!tpu.dma_semaphore, #tpu.memory_space<semaphore_mem>>)
      } else {
      }
      %mul3A_293 = arith.constant 4 : i32
      %mul3A_294 = arith.muli %mul3A_293, %scan3A_59 : i32
      %add3A_295 = arith.constant 3 : i32
      %add3A_296 = arith.addi %mul3A_294, %add3A_295 : i32
      %scan3A_297 = arith.constant 0 : i32
      %scan3A_298 = arith.constant 100 : i32
      %scan3A_299 = arith.addi %scan3A_297, %scan3A_298 : i32
      %scan3A_300 = arith.constant 4 : i32
      %scan3A_301:4 = scf.for %scan3A_324 = %scan3A_297 to %scan3A_299 step %scan3A_300 iter_args(%scan3A_325 = %scan3A_276#0, %scan3A_326 = %scan3A_276#1, %scan3A_327 = %scan3A_276#2, %scan3A_328 = %scan3A_276#3) -> (vector<16xf32>, vector<16xf32>, vector<16xf32>, vector<16xf32>)  : i32 {
        %get3A = arith.index_cast %scan3A_324 : i32 to index
        %get3A_329 = arith.constant 0 : index
        %get3A_330 = tpu.vector_load %arg13[%get3A, %get3A_329] {strides = array<i32>} : memref<100x64xf32, #tpu.memory_space<vmem>>, vector<1x16xf32>,
        %get3A_331 = vector.shape_cast %get3A_330 : vector<1x16xf32> to vector<16xf32>
        %add3A_332 = arith.addf %scan3A_325, %get3A_331 : vector<16xf32>
        %get3A_333 = arith.index_cast %scan3A_324 : i32 to index
        %get3A_334 = arith.constant 16 : index
        %get3A_335 = tpu.vector_load %arg13[%get3A_333, %get3A_334] {strides = array<i32>} : memref<100x64xf32, #tpu.memory_space<vmem>>, vector<1x16xf32>,
        %get3A_336 = vector.shape_cast %get3A_335 : vector<1x16xf32> to vector<16xf32>
        %add3A_337 = arith.addf %scan3A_326, %get3A_336 : vector<16xf32>
        %get3A_338 = arith.index_cast %scan3A_324 : i32 to index
        %get3A_339 = arith.constant 32 : index
        %get3A_340 = tpu.vector_load %arg13[%get3A_338, %get3A_339] {strides = array<i32>} : memref<100x64xf32, #tpu.memory_space<vmem>>, vector<1x16xf32>,
        %get3A_341 = vector.shape_cast %get3A_340 : vector<1x16xf32> to vector<16xf32>
        %add3A_342 = arith.addf %scan3A_327, %get3A_341 : vector<16xf32>
        %get3A_343 = arith.index_cast %scan3A_324 : i32 to index
        %get3A_344 = arith.constant 48 : index
        %get3A_345 = tpu.vector_load %arg13[%get3A_343, %get3A_344] {strides = array<i32>} : memref<100x64xf32, #tpu.memory_space<vmem>>, vector<1x16xf32>,
        %get3A_346 = vector.shape_cast %get3A_345 : vector<1x16xf32> to vector<16xf32>
        %add3A_347 = arith.addf %scan3A_328, %get3A_346 : vector<16xf32>
        %scan3A_348 = arith.constant 1 : i32
        %scan3A_349 = arith.addi %scan3A_324, %scan3A_348 : i32
        %get3A_350 = arith.index_cast %scan3A_349 : i32 to index
        %get3A_351 = arith.constant 0 : index
        %get3A_352 = tpu.vector_load %arg13[%get3A_350, %get3A_351] {strides = array<i32>} : memref<100x64xf32, #tpu.memory_space<vmem>>, vector<1x16xf32>,
        %get3A_353 = vector.shape_cast %get3A_352 : vector<1x16xf32> to vector<16xf32>
        %add3A_354 = arith.addf %add3A_332, %get3A_353 : vector<16xf32>
        %get3A_355 = arith.index_cast %scan3A_349 : i32 to index
        %get3A_356 = arith.constant 16 : index
        %get3A_357 = tpu.vector_load %arg13[%get3A_355, %get3A_356] {strides = array<i32>} : memref<100x64xf32, #tpu.memory_space<vmem>>, vector<1x16xf32>,
        %get3A_358 = vector.shape_cast %get3A_357 : vector<1x16xf32> to vector<16xf32>
        %add3A_359 = arith.addf %add3A_337, %get3A_358 : vector<16xf32>
        %get3A_360 = arith.index_cast %scan3A_349 : i32 to index
        %get3A_361 = arith.constant 32 : index
        %get3A_362 = tpu.vector_load %arg13[%get3A_360, %get3A_361] {strides = array<i32>} : memref<100x64xf32, #tpu.memory_space<vmem>>, vector<1x16xf32>,
        %get3A_363 = vector.shape_cast %get3A_362 : vector<1x16xf32> to vector<16xf32>
        %add3A_364 = arith.addf %add3A_342, %get3A_363 : vector<16xf32>
        %get3A_365 = arith.index_cast %scan3A_349 : i32 to index
        %get3A_366 = arith.constant 48 : index
        %get3A_367 = tpu.vector_load %arg13[%get3A_365, %get3A_366] {strides = array<i32>} : memref<100x64xf32, #tpu.memory_space<vmem>>, vector<1x16xf32>,
        %get3A_368 = vector.shape_cast %get3A_367 : vector<1x16xf32> to vector<16xf32>
        %add3A_369 = arith.addf %add3A_347, %get3A_368 : vector<16xf32>
        %scan3A_370 = arith.constant 2 : i32
        %scan3A_371 = arith.addi %scan3A_324, %scan3A_370 : i32
        %get3A_372 = arith.index_cast %scan3A_371 : i32 to index
        %get3A_373 = arith.constant 0 : index
        %get3A_374 = tpu.vector_load %arg13[%get3A_372, %get3A_373] {strides = array<i32>} : memref<100x64xf32, #tpu.memory_space<vmem>>, vector<1x16xf32>,
        %get3A_375 = vector.shape_cast %get3A_374 : vector<1x16xf32> to vector<16xf32>
        %add3A_376 = arith.addf %add3A_354, %get3A_375 : vector<16xf32>
        %get3A_377 = arith.index_cast %scan3A_371 : i32 to index
        %get3A_378 = arith.constant 16 : index
        %get3A_379 = tpu.vector_load %arg13[%get3A_377, %get3A_378] {strides = array<i32>} : memref<100x64xf32, #tpu.memory_space<vmem>>, vector<1x16xf32>,
        %get3A_380 = vector.shape_cast %get3A_379 : vector<1x16xf32> to vector<16xf32>
        %add3A_381 = arith.addf %add3A_359, %get3A_380 : vector<16xf32>
        %get3A_382 = arith.index_cast %scan3A_371 : i32 to index
        %get3A_383 = arith.constant 32 : index
        %get3A_384 = tpu.vector_load %arg13[%get3A_382, %get3A_383] {strides = array<i32>} : memref<100x64xf32, #tpu.memory_space<vmem>>, vector<1x16xf32>,
        %get3A_385 = vector.shape_cast %get3A_384 : vector<1x16xf32> to vector<16xf32>
        %add3A_386 = arith.addf %add3A_364, %get3A_385 : vector<16xf32>
        %get3A_387 = arith.index_cast %scan3A_371 : i32 to index
        %get3A_388 = arith.constant 48 : index
        %get3A_389 = tpu.vector_load %arg13[%get3A_387, %get3A_388] {strides = array<i32>} : memref<100x64xf32, #tpu.memory_space<vmem>>, vector<1x16xf32>,
        %get3A_390 = vector.shape_cast %get3A_389 : vector<1x16xf32> to vector<16xf32>
        %add3A_391 = arith.addf %add3A_369, %get3A_390 : vector<16xf32>
        %scan3A_392 = arith.constant 3 : i32
        %scan3A_393 = arith.addi %scan3A_324, %scan3A_392 : i32
        %get3A_394 = arith.index_cast %scan3A_393 : i32 to index
        %get3A_395 = arith.constant 0 : index
        %get3A_396 = tpu.vector_load %arg13[%get3A_394, %get3A_395] {strides = array<i32>} : memref<100x64xf32, #tpu.memory_space<vmem>>, vector<1x16xf32>,
        %get3A_397 = vector.shape_cast %get3A_396 : vector<1x16xf32> to vector<16xf32>
        %add3A_398 = arith.addf %add3A_376, %get3A_397 : vector<16xf32>
        %get3A_399 = arith.index_cast %scan3A_393 : i32 to index
        %get3A_400 = arith.constant 16 : index
        %get3A_401 = tpu.vector_load %arg13[%get3A_399, %get3A_400] {strides = array<i32>} : memref<100x64xf32, #tpu.memory_space<vmem>>, vector<1x16xf32>,
        %get3A_402 = vector.shape_cast %get3A_401 : vector<1x16xf32> to vector<16xf32>
        %add3A_403 = arith.addf %add3A_381, %get3A_402 : vector<16xf32>
        %get3A_404 = arith.index_cast %scan3A_393 : i32 to index
        %get3A_405 = arith.constant 32 : index
        %get3A_406 = tpu.vector_load %arg13[%get3A_404, %get3A_405] {strides = array<i32>} : memref<100x64xf32, #tpu.memory_space<vmem>>, vector<1x16xf32>,
        %get3A_407 = vector.shape_cast %get3A_406 : vector<1x16xf32> to vector<16xf32>
        %add3A_408 = arith.addf %add3A_386, %get3A_407 : vector<16xf32>
        %get3A_409 = arith.index_cast %scan3A_393 : i32 to index
        %get3A_410 = arith.constant 48 : index
        %get3A_411 = tpu.vector_load %arg13[%get3A_409, %get3A_410] {strides = array<i32>} : memref<100x64xf32, #tpu.memory_space<vmem>>, vector<1x16xf32>,
        %get3A_412 = vector.shape_cast %get3A_411 : vector<1x16xf32> to vector<16xf32>
        %add3A_413 = arith.addf %add3A_391, %get3A_412 : vector<16xf32>
        scf.yield %add3A_398, %add3A_403, %add3A_408, %add3A_413 : vector<16xf32>, vector<16xf32>, vector<16xf32>, vector<16xf32>
      }
      %scan3A_302 = arith.constant 100 : i32
      %swap3A_303 = arith.index_cast %add3A_296 : i32 to index
      %swap3A_304 = arith.constant 0 : index
      %swap3A_305 = tpu.vector_load %arg14[%swap3A_303, %swap3A_304] {strides = array<i32>} : memref<128x64xf32, #tpu.memory_space<vmem>>, vector<1x16xf32>,
      %swap3A_306 = vector.shape_cast %swap3A_305 : vector<1x16xf32> to vector<16xf32>
      %swap3A_307 = vector.shape_cast %scan3A_301#0 : vector<16xf32> to vector<1x16xf32>
      tpu.vector_store %arg14[%swap3A_303, %swap3A_304], %swap3A_307 {strides = array<i32>} : memref<128x64xf32, #tpu.memory_space<vmem>>, vector<1x16xf32>,
      %swap3A_308 = arith.index_cast %add3A_296 : i32 to index
      %swap3A_309 = arith.constant 16 : index
      %swap3A_310 = tpu.vector_load %arg14[%swap3A_308, %swap3A_309] {strides = array<i32>} : memref<128x64xf32, #tpu.memory_space<vmem>>, vector<1x16xf32>,
      %swap3A_311 = vector.shape_cast %swap3A_310 : vector<1x16xf32> to vector<16xf32>
      %swap3A_312 = vector.shape_cast %scan3A_301#1 : vector<16xf32> to vector<1x16xf32>
      tpu.vector_store %arg14[%swap3A_308, %swap3A_309], %swap3A_312 {strides = array<i32>} : memref<128x64xf32, #tpu.memory_space<vmem>>, vector<1x16xf32>,
      %swap3A_313 = arith.index_cast %add3A_296 : i32 to index
      %swap3A_314 = arith.constant 32 : index
      %swap3A_315 = tpu.vector_load %arg14[%swap3A_313, %swap3A_314] {strides = array<i32>} : memref<128x64xf32, #tpu.memory_space<vmem>>, vector<1x16xf32>,
      %swap3A_316 = vector.shape_cast %swap3A_315 : vector<1x16xf32> to vector<16xf32>
      %swap3A_317 = vector.shape_cast %scan3A_301#2 : vector<16xf32> to vector<1x16xf32>
      tpu.vector_store %arg14[%swap3A_313, %swap3A_314], %swap3A_317 {strides = array<i32>} : memref<128x64xf32, #tpu.memory_space<vmem>>, vector<1x16xf32>,
      %swap3A_318 = arith.index_cast %add3A_296 : i32 to index
      %swap3A_319 = arith.constant 48 : index
      %swap3A_320 = tpu.vector_load %arg14[%swap3A_318, %swap3A_319] {strides = array<i32>} : memref<128x64xf32, #tpu.memory_space<vmem>>, vector<1x16xf32>,
      %swap3A_321 = vector.shape_cast %swap3A_320 : vector<1x16xf32> to vector<16xf32>
      %swap3A_322 = vector.shape_cast %scan3A_301#3 : vector<16xf32> to vector<1x16xf32>
      tpu.vector_store %arg14[%swap3A_318, %swap3A_319], %swap3A_322 {strides = array<i32>} : memref<128x64xf32, #tpu.memory_space<vmem>>, vector<1x16xf32>,
      %scan3A_323 = arith.constant 0 : i32
      scf.yield %scan3A_323 : i32
    }
    %scan3A_56 = arith.constant 32 : i32
    %mul3A_57 = arith.constant 128 : i32
    %mul3A_58 = arith.muli %add3A, %mul3A_57 : i32
    "tpu.region"() ({
      %run_scoped3A = tpu.sem_alloc : memref<!tpu.dma_semaphore, #tpu.memory_space<semaphore_mem>>
      %dma_start3A_59 = arith.constant 0 : i32
      %dma_start3A_60 = tpu.memref_slice %arg4[%mul3A_58, %dma_start3A_59] : memref<4096x64xf32, #tpu.memory_space<hbm>> -> memref<128x64xf32, #tpu.memory_space<hbm>>
      %dma_start3A_61 = arith.constant 0 : i32
      %dma_start3A_62 = tpu.memref_slice %arg4[%mul3A_58, %dma_start3A_61] : memref<4096x64xf32, #tpu.memory_space<hbm>> -> memref<128x64xf32, #tpu.memory_space<hbm>>
      tpu.enqueue_dma source(%arg14 : memref<128x64xf32, #tpu.memory_space<vmem>>) target(%dma_start3A_62 : memref<128x64xf32, #tpu.memory_space<hbm>>) target_semaphore(%run_scoped3A : memref<!tpu.dma_semaphore, #tpu.memory_space<semaphore_mem>>)
      %dma_wait3A = arith.constant 0 : i32
      %dma_wait3A_63 = tpu.memref_slice %arg4[%mul3A_58, %dma_wait3A] : memref<4096x64xf32, #tpu.memory_space<hbm>> -> memref<128x64xf32, #tpu.memory_space<hbm>>
      %dma_wait3A_64 = arith.constant 0 : i32
      %dma_wait3A_65 = tpu.memref_slice %arg4[%mul3A_58, %dma_wait3A_64] : memref<4096x64xf32, #tpu.memory_space<hbm>> -> memref<128x64xf32, #tpu.memory_space<hbm>>
      tpu.wait_dma2 semaphore(%run_scoped3A : memref<!tpu.dma_semaphore, #tpu.memory_space<semaphore_mem>>) src(%arg14 : memref<128x64xf32, #tpu.memory_space<vmem>>) dst(%dma_wait3A_65 : memref<128x64xf32, #tpu.memory_space<hbm>>)
      tpu.yield
    }) : () -> ()
    return
  }
}

module attributes {stable_mosaic.version = 14 : i64} {
  func.func @body(%arg0: i32, %arg1: memref<1024x100xi32, #tpu.memory_space<vmem>>, %arg2: memref<1024x100xi32, #tpu.memory_space<vmem>>) attributes {dimension_semantics = [#tpu.dimension_semantics<arbitrary>], iteration_bounds = array<i64: 8>, scalar_prefetch = 0 : i64, scratch_operands = 0 : i64, tpu.core_type = #tpu.core_type<tc>, window_params = [{transform_indices = @transform_0, window_bounds = array<i64: 1024, 100>}, {transform_indices = @transform_1, window_bounds = array<i64: 1024, 100>}]} {
    %get3A = arith.constant 0 : index
    %get3A_0 = arith.constant 0 : index
    %get3A_1 = vector.load %arg1[%get3A, %get3A_0] : memref<1024x100xi32, #tpu.memory_space<vmem>>, vector<1024x100xi32>
    %and3A = arith.constant 8191 : i32
    %and3A_2 = vector.broadcast %and3A : i32 to vector<1024x100xi32>
    %and3A_3 = arith.andi %get3A_1, %and3A_2 : vector<1024x100xi32>
    %ge3A = arith.constant 4096 : i32
    %ge3A_4 = vector.broadcast %ge3A : i32 to vector<1024x100xi32>
    %ge3A_5 = arith.cmpi sge, %and3A_3, %ge3A_4 : vector<1024x100xi32>
    %convert_element_type3A = arith.extui %ge3A_5 : vector<1024x100xi1> to vector<1024x100xi32>
    %add3A = arith.addi %get3A_1, %and3A_3 : vector<1024x100xi32>
    %mul3A = arith.constant 8191 : i32
    %mul3A_6 = vector.broadcast %mul3A : i32 to vector<1024x100xi32>
    %mul3A_7 = arith.muli %mul3A_6, %convert_element_type3A : vector<1024x100xi32>
    %sub3A = arith.subi %add3A, %mul3A_7 : vector<1024x100xi32>
    %sub3A_8 = arith.constant 999424 : i32
    %sub3A_9 = vector.broadcast %sub3A_8 : i32 to vector<1024x100xi32>
    %sub3A_10 = arith.subi %get3A_1, %sub3A_9 : vector<1024x100xi32>
    %ge3A_11 = arith.constant 288 : i32
    %ge3A_12 = vector.broadcast %ge3A_11 : i32 to vector<1024x100xi32>
    %ge3A_13 = arith.cmpi sge, %sub3A_10, %ge3A_12 : vector<1024x100xi32>
    %convert_element_type3A_14 = arith.extui %ge3A_13 : vector<1024x100xi1> to vector<1024x100xi32>
    %add3A_15 = arith.addi %get3A_1, %sub3A_10 : vector<1024x100xi32>
    %mul3A_16 = arith.constant 575 : i32
    %mul3A_17 = vector.broadcast %mul3A_16 : i32 to vector<1024x100xi32>
    %mul3A_18 = arith.muli %mul3A_17, %convert_element_type3A_14 : vector<1024x100xi32>
    %sub3A_19 = arith.subi %add3A_15, %mul3A_18 : vector<1024x100xi32>
    %ge3A_20 = arith.constant 999424 : i32
    %ge3A_21 = vector.broadcast %ge3A_20 : i32 to vector<1024x100xi32>
    %ge3A_22 = arith.cmpi sge, %get3A_1, %ge3A_21 : vector<1024x100xi32>
    %select_n3A = arith.select %ge3A_22, %sub3A_19, %sub3A : vector<1024x100xi1>, vector<1024x100xi32>
    %swap3A = arith.constant 0 : index
    %swap3A_23 = arith.constant 0 : index
    %swap3A_24 = vector.load %arg2[%swap3A, %swap3A_23] : memref<1024x100xi32, #tpu.memory_space<vmem>>, vector<1024x100xi32>
    tpu.vector_store %arg2[%swap3A, %swap3A_23], %select_n3A {strides = array<i32>} : memref<1024x100xi32, #tpu.memory_space<vmem>>, vector<1024x100xi32>,
    return
  }
  func.func @transform_0(%arg0: i32) -> (i32, i32) {
    %c0_i32 = arith.constant 0 : i32
    %c0_i32_0 = arith.constant 0 : i32
    return %arg0, %c0_i32 : i32, i32
  }
  func.func @transform_1(%arg0: i32) -> (i32, i32) {
    %c0_i32 = arith.constant 0 : i32
    %c0_i32_0 = arith.constant 0 : i32
    return %arg0, %c0_i32 : i32, i32
  }
}

module attributes {stable_mosaic.version = 14 : i64} {
  func.func @body(%arg0: i32, %arg1: memref<64x1000000xf32, #tpu.memory_space<any>>, %arg2: memref<500000x128xf32, #tpu.memory_space<any>>, %arg3: memref<128x4096xf32, #tpu.memory_space<vmem>>, %arg4: memref<128x4096xf32, #tpu.memory_space<vmem>>, %arg5: memref<128x4096xf32, #tpu.memory_space<vmem>>, %arg6: memref<128x4096xf32, #tpu.memory_space<vmem>>, %arg7: memref<128x4096xf32, #tpu.memory_space<vmem>>, %arg8: memref<128x4096xf32, #tpu.memory_space<vmem>>, %arg9: memref<128x4096xf32, #tpu.memory_space<vmem>>, %arg10: memref<128x4096xf32, #tpu.memory_space<vmem>>, %arg11: memref<4096x128xf32, #tpu.memory_space<vmem>>, %arg12: memref<4096x128xf32, #tpu.memory_space<vmem>>, %arg13: memref<64x576xf32, #tpu.memory_space<vmem>>, %arg14: memref<!tpu.dma_semaphore, #tpu.memory_space<semaphore_mem>>, %arg15: memref<!tpu.dma_semaphore, #tpu.memory_space<semaphore_mem>>, %arg16: memref<!tpu.dma_semaphore, #tpu.memory_space<semaphore_mem>>, %arg17: memref<!tpu.dma_semaphore, #tpu.memory_space<semaphore_mem>>, %arg18: memref<!tpu.dma_semaphore, #tpu.memory_space<semaphore_mem>>, %arg19: memref<!tpu.dma_semaphore, #tpu.memory_space<semaphore_mem>>, %arg20: memref<!tpu.dma_semaphore, #tpu.memory_space<semaphore_mem>>, %arg21: memref<!tpu.dma_semaphore, #tpu.memory_space<semaphore_mem>>, %arg22: memref<!tpu.dma_semaphore, #tpu.memory_space<semaphore_mem>>, %arg23: memref<!tpu.dma_semaphore, #tpu.memory_space<semaphore_mem>>, %arg24: memref<!tpu.dma_semaphore, #tpu.memory_space<semaphore_mem>>) attributes {dimension_semantics = [#tpu.dimension_semantics<arbitrary>], iteration_bounds = array<i64: 15>, scalar_prefetch = 0 : i64, scratch_operands = 22 : i64, tpu.core_type = #tpu.core_type<tc>, window_params = [{}, {}]} {
    %eq3A = arith.constant 0 : i32
    %eq3A_0 = arith.cmpi eq, %arg0, %eq3A : i32
    %convert_element_type3A = arith.extui %eq3A_0 : i1 to i32
    %cond3A = arith.constant 0 : i32
    %cond3A_1 = arith.cmpi ne, %convert_element_type3A, %cond3A : i32
    scf.if %cond3A_1 {
      %dma_start3A_309 = arith.constant 0 : i32
      %dma_start3A_310 = arith.constant 0 : i32
      %dma_start3A_311 = tpu.memref_slice %arg3[%dma_start3A_309, %dma_start3A_310] : memref<128x4096xf32, #tpu.memory_space<vmem>> -> memref<64x4096xf32, #tpu.memory_space<vmem>>
      %dma_start3A_312 = arith.constant 0 : i32
      %dma_start3A_313 = arith.constant 0 : i32
      %dma_start3A_314 = tpu.memref_slice %arg1[%dma_start3A_312, %dma_start3A_313] : memref<64x1000000xf32, #tpu.memory_space<any>> -> memref<64x4096xf32, #tpu.memory_space<any>>
      tpu.enqueue_dma source(%dma_start3A_314 : memref<64x4096xf32, #tpu.memory_space<any>>) target(%dma_start3A_311 : memref<64x4096xf32, #tpu.memory_space<vmem>>) target_semaphore(%arg14 : memref<!tpu.dma_semaphore, #tpu.memory_space<semaphore_mem>>)
      %dma_start3A_315 = arith.constant 64 : i32
      %dma_start3A_316 = arith.constant 0 : i32
      %dma_start3A_317 = tpu.memref_slice %arg3[%dma_start3A_315, %dma_start3A_316] : memref<128x4096xf32, #tpu.memory_space<vmem>> -> memref<64x4096xf32, #tpu.memory_space<vmem>>
      %dma_start3A_318 = arith.constant 0 : i32
      %dma_start3A_319 = arith.constant 4096 : i32
      %dma_start3A_320 = tpu.memref_slice %arg1[%dma_start3A_318, %dma_start3A_319] : memref<64x1000000xf32, #tpu.memory_space<any>> -> memref<64x4096xf32, #tpu.memory_space<any>>
      tpu.enqueue_dma source(%dma_start3A_320 : memref<64x4096xf32, #tpu.memory_space<any>>) target(%dma_start3A_317 : memref<64x4096xf32, #tpu.memory_space<vmem>>) target_semaphore(%arg14 : memref<!tpu.dma_semaphore, #tpu.memory_space<semaphore_mem>>)
      %dma_start3A_321 = arith.constant 0 : i32
      %dma_start3A_322 = arith.constant 0 : i32
      %dma_start3A_323 = tpu.memref_slice %arg4[%dma_start3A_321, %dma_start3A_322] : memref<128x4096xf32, #tpu.memory_space<vmem>> -> memref<64x4096xf32, #tpu.memory_space<vmem>>
      %dma_start3A_324 = arith.constant 0 : i32
      %dma_start3A_325 = arith.constant 8192 : i32
      %dma_start3A_326 = tpu.memref_slice %arg1[%dma_start3A_324, %dma_start3A_325] : memref<64x1000000xf32, #tpu.memory_space<any>> -> memref<64x4096xf32, #tpu.memory_space<any>>
      tpu.enqueue_dma source(%dma_start3A_326 : memref<64x4096xf32, #tpu.memory_space<any>>) target(%dma_start3A_323 : memref<64x4096xf32, #tpu.memory_space<vmem>>) target_semaphore(%arg15 : memref<!tpu.dma_semaphore, #tpu.memory_space<semaphore_mem>>)
      %dma_start3A_327 = arith.constant 64 : i32
      %dma_start3A_328 = arith.constant 0 : i32
      %dma_start3A_329 = tpu.memref_slice %arg4[%dma_start3A_327, %dma_start3A_328] : memref<128x4096xf32, #tpu.memory_space<vmem>> -> memref<64x4096xf32, #tpu.memory_space<vmem>>
      %dma_start3A_330 = arith.constant 0 : i32
      %dma_start3A_331 = arith.constant 12288 : i32
      %dma_start3A_332 = tpu.memref_slice %arg1[%dma_start3A_330, %dma_start3A_331] : memref<64x1000000xf32, #tpu.memory_space<any>> -> memref<64x4096xf32, #tpu.memory_space<any>>
      tpu.enqueue_dma source(%dma_start3A_332 : memref<64x4096xf32, #tpu.memory_space<any>>) target(%dma_start3A_329 : memref<64x4096xf32, #tpu.memory_space<vmem>>) target_semaphore(%arg15 : memref<!tpu.dma_semaphore, #tpu.memory_space<semaphore_mem>>)
      %dma_start3A_333 = arith.constant 0 : i32
      %dma_start3A_334 = arith.constant 0 : i32
      %dma_start3A_335 = tpu.memref_slice %arg5[%dma_start3A_333, %dma_start3A_334] : memref<128x4096xf32, #tpu.memory_space<vmem>> -> memref<64x4096xf32, #tpu.memory_space<vmem>>
      %dma_start3A_336 = arith.constant 0 : i32
      %dma_start3A_337 = arith.constant 16384 : i32
      %dma_start3A_338 = tpu.memref_slice %arg1[%dma_start3A_336, %dma_start3A_337] : memref<64x1000000xf32, #tpu.memory_space<any>> -> memref<64x4096xf32, #tpu.memory_space<any>>
      tpu.enqueue_dma source(%dma_start3A_338 : memref<64x4096xf32, #tpu.memory_space<any>>) target(%dma_start3A_335 : memref<64x4096xf32, #tpu.memory_space<vmem>>) target_semaphore(%arg16 : memref<!tpu.dma_semaphore, #tpu.memory_space<semaphore_mem>>)
      %dma_start3A_339 = arith.constant 64 : i32
      %dma_start3A_340 = arith.constant 0 : i32
      %dma_start3A_341 = tpu.memref_slice %arg5[%dma_start3A_339, %dma_start3A_340] : memref<128x4096xf32, #tpu.memory_space<vmem>> -> memref<64x4096xf32, #tpu.memory_space<vmem>>
      %dma_start3A_342 = arith.constant 0 : i32
      %dma_start3A_343 = arith.constant 20480 : i32
      %dma_start3A_344 = tpu.memref_slice %arg1[%dma_start3A_342, %dma_start3A_343] : memref<64x1000000xf32, #tpu.memory_space<any>> -> memref<64x4096xf32, #tpu.memory_space<any>>
      tpu.enqueue_dma source(%dma_start3A_344 : memref<64x4096xf32, #tpu.memory_space<any>>) target(%dma_start3A_341 : memref<64x4096xf32, #tpu.memory_space<vmem>>) target_semaphore(%arg16 : memref<!tpu.dma_semaphore, #tpu.memory_space<semaphore_mem>>)
      %dma_start3A_345 = arith.constant 0 : i32
      %dma_start3A_346 = arith.constant 0 : i32
      %dma_start3A_347 = tpu.memref_slice %arg6[%dma_start3A_345, %dma_start3A_346] : memref<128x4096xf32, #tpu.memory_space<vmem>> -> memref<64x4096xf32, #tpu.memory_space<vmem>>
      %dma_start3A_348 = arith.constant 0 : i32
      %dma_start3A_349 = arith.constant 24576 : i32
      %dma_start3A_350 = tpu.memref_slice %arg1[%dma_start3A_348, %dma_start3A_349] : memref<64x1000000xf32, #tpu.memory_space<any>> -> memref<64x4096xf32, #tpu.memory_space<any>>
      tpu.enqueue_dma source(%dma_start3A_350 : memref<64x4096xf32, #tpu.memory_space<any>>) target(%dma_start3A_347 : memref<64x4096xf32, #tpu.memory_space<vmem>>) target_semaphore(%arg17 : memref<!tpu.dma_semaphore, #tpu.memory_space<semaphore_mem>>)
      %dma_start3A_351 = arith.constant 64 : i32
      %dma_start3A_352 = arith.constant 0 : i32
      %dma_start3A_353 = tpu.memref_slice %arg6[%dma_start3A_351, %dma_start3A_352] : memref<128x4096xf32, #tpu.memory_space<vmem>> -> memref<64x4096xf32, #tpu.memory_space<vmem>>
      %dma_start3A_354 = arith.constant 0 : i32
      %dma_start3A_355 = arith.constant 28672 : i32
      %dma_start3A_356 = tpu.memref_slice %arg1[%dma_start3A_354, %dma_start3A_355] : memref<64x1000000xf32, #tpu.memory_space<any>> -> memref<64x4096xf32, #tpu.memory_space<any>>
      tpu.enqueue_dma source(%dma_start3A_356 : memref<64x4096xf32, #tpu.memory_space<any>>) target(%dma_start3A_353 : memref<64x4096xf32, #tpu.memory_space<vmem>>) target_semaphore(%arg17 : memref<!tpu.dma_semaphore, #tpu.memory_space<semaphore_mem>>)
      %dma_start3A_357 = arith.constant 0 : i32
      %dma_start3A_358 = arith.constant 0 : i32
      %dma_start3A_359 = tpu.memref_slice %arg7[%dma_start3A_357, %dma_start3A_358] : memref<128x4096xf32, #tpu.memory_space<vmem>> -> memref<64x4096xf32, #tpu.memory_space<vmem>>
      %dma_start3A_360 = arith.constant 0 : i32
      %dma_start3A_361 = arith.constant 32768 : i32
      %dma_start3A_362 = tpu.memref_slice %arg1[%dma_start3A_360, %dma_start3A_361] : memref<64x1000000xf32, #tpu.memory_space<any>> -> memref<64x4096xf32, #tpu.memory_space<any>>
      tpu.enqueue_dma source(%dma_start3A_362 : memref<64x4096xf32, #tpu.memory_space<any>>) target(%dma_start3A_359 : memref<64x4096xf32, #tpu.memory_space<vmem>>) target_semaphore(%arg18 : memref<!tpu.dma_semaphore, #tpu.memory_space<semaphore_mem>>)
      %dma_start3A_363 = arith.constant 64 : i32
      %dma_start3A_364 = arith.constant 0 : i32
      %dma_start3A_365 = tpu.memref_slice %arg7[%dma_start3A_363, %dma_start3A_364] : memref<128x4096xf32, #tpu.memory_space<vmem>> -> memref<64x4096xf32, #tpu.memory_space<vmem>>
      %dma_start3A_366 = arith.constant 0 : i32
      %dma_start3A_367 = arith.constant 36864 : i32
      %dma_start3A_368 = tpu.memref_slice %arg1[%dma_start3A_366, %dma_start3A_367] : memref<64x1000000xf32, #tpu.memory_space<any>> -> memref<64x4096xf32, #tpu.memory_space<any>>
      tpu.enqueue_dma source(%dma_start3A_368 : memref<64x4096xf32, #tpu.memory_space<any>>) target(%dma_start3A_365 : memref<64x4096xf32, #tpu.memory_space<vmem>>) target_semaphore(%arg18 : memref<!tpu.dma_semaphore, #tpu.memory_space<semaphore_mem>>)
      %dma_start3A_369 = arith.constant 0 : i32
      %dma_start3A_370 = arith.constant 0 : i32
      %dma_start3A_371 = tpu.memref_slice %arg8[%dma_start3A_369, %dma_start3A_370] : memref<128x4096xf32, #tpu.memory_space<vmem>> -> memref<64x4096xf32, #tpu.memory_space<vmem>>
      %dma_start3A_372 = arith.constant 0 : i32
      %dma_start3A_373 = arith.constant 40960 : i32
      %dma_start3A_374 = tpu.memref_slice %arg1[%dma_start3A_372, %dma_start3A_373] : memref<64x1000000xf32, #tpu.memory_space<any>> -> memref<64x4096xf32, #tpu.memory_space<any>>
      tpu.enqueue_dma source(%dma_start3A_374 : memref<64x4096xf32, #tpu.memory_space<any>>) target(%dma_start3A_371 : memref<64x4096xf32, #tpu.memory_space<vmem>>) target_semaphore(%arg19 : memref<!tpu.dma_semaphore, #tpu.memory_space<semaphore_mem>>)
      %dma_start3A_375 = arith.constant 64 : i32
      %dma_start3A_376 = arith.constant 0 : i32
      %dma_start3A_377 = tpu.memref_slice %arg8[%dma_start3A_375, %dma_start3A_376] : memref<128x4096xf32, #tpu.memory_space<vmem>> -> memref<64x4096xf32, #tpu.memory_space<vmem>>
      %dma_start3A_378 = arith.constant 0 : i32
      %dma_start3A_379 = arith.constant 45056 : i32
      %dma_start3A_380 = tpu.memref_slice %arg1[%dma_start3A_378, %dma_start3A_379] : memref<64x1000000xf32, #tpu.memory_space<any>> -> memref<64x4096xf32, #tpu.memory_space<any>>
      tpu.enqueue_dma source(%dma_start3A_380 : memref<64x4096xf32, #tpu.memory_space<any>>) target(%dma_start3A_377 : memref<64x4096xf32, #tpu.memory_space<vmem>>) target_semaphore(%arg19 : memref<!tpu.dma_semaphore, #tpu.memory_space<semaphore_mem>>)
      %dma_start3A_381 = arith.constant 0 : i32
      %dma_start3A_382 = arith.constant 0 : i32
      %dma_start3A_383 = tpu.memref_slice %arg9[%dma_start3A_381, %dma_start3A_382] : memref<128x4096xf32, #tpu.memory_space<vmem>> -> memref<64x4096xf32, #tpu.memory_space<vmem>>
      %dma_start3A_384 = arith.constant 0 : i32
      %dma_start3A_385 = arith.constant 49152 : i32
      %dma_start3A_386 = tpu.memref_slice %arg1[%dma_start3A_384, %dma_start3A_385] : memref<64x1000000xf32, #tpu.memory_space<any>> -> memref<64x4096xf32, #tpu.memory_space<any>>
      tpu.enqueue_dma source(%dma_start3A_386 : memref<64x4096xf32, #tpu.memory_space<any>>) target(%dma_start3A_383 : memref<64x4096xf32, #tpu.memory_space<vmem>>) target_semaphore(%arg20 : memref<!tpu.dma_semaphore, #tpu.memory_space<semaphore_mem>>)
      %dma_start3A_387 = arith.constant 64 : i32
      %dma_start3A_388 = arith.constant 0 : i32
      %dma_start3A_389 = tpu.memref_slice %arg9[%dma_start3A_387, %dma_start3A_388] : memref<128x4096xf32, #tpu.memory_space<vmem>> -> memref<64x4096xf32, #tpu.memory_space<vmem>>
      %dma_start3A_390 = arith.constant 0 : i32
      %dma_start3A_391 = arith.constant 53248 : i32
      %dma_start3A_392 = tpu.memref_slice %arg1[%dma_start3A_390, %dma_start3A_391] : memref<64x1000000xf32, #tpu.memory_space<any>> -> memref<64x4096xf32, #tpu.memory_space<any>>
      tpu.enqueue_dma source(%dma_start3A_392 : memref<64x4096xf32, #tpu.memory_space<any>>) target(%dma_start3A_389 : memref<64x4096xf32, #tpu.memory_space<vmem>>) target_semaphore(%arg20 : memref<!tpu.dma_semaphore, #tpu.memory_space<semaphore_mem>>)
    } else {
    }
    %mul3A = arith.constant 8 : i32
    %mul3A_2 = arith.muli %mul3A, %arg0 : i32
    %add3A = arith.constant 0 : i32
    %add3A_3 = arith.addi %mul3A_2, %add3A : i32
    %dma_wait3A = arith.constant 0 : i32
    %dma_wait3A_4 = arith.constant 0 : i32
    %dma_wait3A_5 = tpu.memref_slice %arg3[%dma_wait3A, %dma_wait3A_4] : memref<128x4096xf32, #tpu.memory_space<vmem>> -> memref<64x4096xf32, #tpu.memory_space<vmem>>
    %dma_wait3A_6 = arith.constant 0 : i32
    %dma_wait3A_7 = arith.constant 0 : i32
    %dma_wait3A_8 = tpu.memref_slice %arg1[%dma_wait3A_6, %dma_wait3A_7] : memref<64x1000000xf32, #tpu.memory_space<any>> -> memref<64x4096xf32, #tpu.memory_space<any>>
    tpu.wait_dma2 semaphore(%arg14 : memref<!tpu.dma_semaphore, #tpu.memory_space<semaphore_mem>>) src(%dma_wait3A_8 : memref<64x4096xf32, #tpu.memory_space<any>>) dst(%dma_wait3A_5 : memref<64x4096xf32, #tpu.memory_space<vmem>>)
    %dma_wait3A_9 = arith.constant 64 : i32
    %dma_wait3A_10 = arith.constant 0 : i32
    %dma_wait3A_11 = tpu.memref_slice %arg3[%dma_wait3A_9, %dma_wait3A_10] : memref<128x4096xf32, #tpu.memory_space<vmem>> -> memref<64x4096xf32, #tpu.memory_space<vmem>>
    %dma_wait3A_12 = arith.constant 0 : i32
    %dma_wait3A_13 = arith.constant 0 : i32
    %dma_wait3A_14 = tpu.memref_slice %arg1[%dma_wait3A_12, %dma_wait3A_13] : memref<64x1000000xf32, #tpu.memory_space<any>> -> memref<64x4096xf32, #tpu.memory_space<any>>
    tpu.wait_dma2 semaphore(%arg14 : memref<!tpu.dma_semaphore, #tpu.memory_space<semaphore_mem>>) src(%dma_wait3A_14 : memref<64x4096xf32, #tpu.memory_space<any>>) dst(%dma_wait3A_11 : memref<64x4096xf32, #tpu.memory_space<vmem>>)
    %add3A_15 = arith.constant 7 : i32
    %add3A_16 = arith.addi %add3A_3, %add3A_15 : i32
    %mul3A_17 = arith.constant 8192 : i32
    %mul3A_18 = arith.muli %add3A_16, %mul3A_17 : i32
    %dma_start3A = arith.constant 0 : i32
    %dma_start3A_19 = arith.constant 0 : i32
    %dma_start3A_20 = tpu.memref_slice %arg10[%dma_start3A, %dma_start3A_19] : memref<128x4096xf32, #tpu.memory_space<vmem>> -> memref<64x4096xf32, #tpu.memory_space<vmem>>
    %dma_start3A_21 = arith.constant 0 : i32
    %dma_start3A_22 = tpu.memref_slice %arg1[%dma_start3A_21, %mul3A_18] : memref<64x1000000xf32, #tpu.memory_space<any>> -> memref<64x4096xf32, #tpu.memory_space<any>>
    tpu.enqueue_dma source(%dma_start3A_22 : memref<64x4096xf32, #tpu.memory_space<any>>) target(%dma_start3A_20 : memref<64x4096xf32, #tpu.memory_space<vmem>>) target_semaphore(%arg21 : memref<!tpu.dma_semaphore, #tpu.memory_space<semaphore_mem>>)
    %mul3A_23 = arith.constant 8192 : i32
    %mul3A_24 = arith.muli %add3A_16, %mul3A_23 : i32
    %add3A_25 = arith.constant 4096 : i32
    %add3A_26 = arith.addi %mul3A_24, %add3A_25 : i32
    %dma_start3A_27 = arith.constant 64 : i32
    %dma_start3A_28 = arith.constant 0 : i32
    %dma_start3A_29 = tpu.memref_slice %arg10[%dma_start3A_27, %dma_start3A_28] : memref<128x4096xf32, #tpu.memory_space<vmem>> -> memref<64x4096xf32, #tpu.memory_space<vmem>>
    %dma_start3A_30 = arith.constant 0 : i32
    %dma_start3A_31 = tpu.memref_slice %arg1[%dma_start3A_30, %add3A_26] : memref<64x1000000xf32, #tpu.memory_space<any>> -> memref<64x4096xf32, #tpu.memory_space<any>>
    tpu.enqueue_dma source(%dma_start3A_31 : memref<64x4096xf32, #tpu.memory_space<any>>) target(%dma_start3A_29 : memref<64x4096xf32, #tpu.memory_space<vmem>>) target_semaphore(%arg21 : memref<!tpu.dma_semaphore, #tpu.memory_space<semaphore_mem>>)
    %gt3A = arith.constant 0 : i32
    %gt3A_32 = arith.cmpi sgt, %arg0, %gt3A : i32
    %convert_element_type3A_33 = arith.extui %gt3A_32 : i1 to i32
    %cond3A_34 = arith.constant 0 : i32
    %cond3A_35 = arith.cmpi ne, %convert_element_type3A_33, %cond3A_34 : i32
    scf.if %cond3A_35 {
      %dma_wait3A_309 = arith.constant 0 : i32
      %dma_wait3A_310 = arith.constant 0 : i32
      %dma_wait3A_311 = tpu.memref_slice %arg2[%dma_wait3A_309, %dma_wait3A_310] : memref<500000x128xf32, #tpu.memory_space<any>> -> memref<4096x128xf32, #tpu.memory_space<any>>
      tpu.wait_dma2 semaphore(%arg22 : memref<!tpu.dma_semaphore, #tpu.memory_space<semaphore_mem>>) src(%arg11 : memref<4096x128xf32, #tpu.memory_space<vmem>>) dst(%dma_wait3A_311 : memref<4096x128xf32, #tpu.memory_space<any>>)
    } else {
    }
    %get3A = arith.constant 0 : index
    %get3A_36 = arith.constant 0 : index
    %get3A_37 = vector.load %arg3[%get3A, %get3A_36] : memref<128x4096xf32, #tpu.memory_space<vmem>>, vector<128x4096xf32>
    %transpose3A = tpu.transpose %get3A_37, [1, 0] : vector<128x4096xf32> -> vector<4096x128xf32>
    %swap3A = arith.constant 0 : index
    %swap3A_38 = arith.constant 0 : index
    %swap3A_39 = vector.load %arg11[%swap3A, %swap3A_38] : memref<4096x128xf32, #tpu.memory_space<vmem>>, vector<4096x128xf32>
    tpu.vector_store %arg11[%swap3A, %swap3A_38], %transpose3A {strides = array<i32>} : memref<4096x128xf32, #tpu.memory_space<vmem>>, vector<4096x128xf32>,
    %mul3A_40 = arith.constant 4096 : i32
    %mul3A_41 = arith.muli %add3A_3, %mul3A_40 : i32
    %dma_start3A_42 = arith.constant 0 : i32
    %dma_start3A_43 = tpu.memref_slice %arg2[%mul3A_41, %dma_start3A_42] : memref<500000x128xf32, #tpu.memory_space<any>> -> memref<4096x128xf32, #tpu.memory_space<any>>
    tpu.enqueue_dma source(%arg11 : memref<4096x128xf32, #tpu.memory_space<vmem>>) target(%dma_start3A_43 : memref<4096x128xf32, #tpu.memory_space<any>>) target_semaphore(%arg22 : memref<!tpu.dma_semaphore, #tpu.memory_space<semaphore_mem>>)
    %mul3A_44 = arith.constant 8 : i32
    %mul3A_45 = arith.muli %mul3A_44, %arg0 : i32
    %add3A_46 = arith.constant 1 : i32
    %add3A_47 = arith.addi %mul3A_45, %add3A_46 : i32
    %dma_wait3A_48 = arith.constant 0 : i32
    %dma_wait3A_49 = arith.constant 0 : i32
    %dma_wait3A_50 = tpu.memref_slice %arg4[%dma_wait3A_48, %dma_wait3A_49] : memref<128x4096xf32, #tpu.memory_space<vmem>> -> memref<64x4096xf32, #tpu.memory_space<vmem>>
    %dma_wait3A_51 = arith.constant 0 : i32
    %dma_wait3A_52 = arith.constant 0 : i32
    %dma_wait3A_53 = tpu.memref_slice %arg1[%dma_wait3A_51, %dma_wait3A_52] : memref<64x1000000xf32, #tpu.memory_space<any>> -> memref<64x4096xf32, #tpu.memory_space<any>>
    tpu.wait_dma2 semaphore(%arg15 : memref<!tpu.dma_semaphore, #tpu.memory_space<semaphore_mem>>) src(%dma_wait3A_53 : memref<64x4096xf32, #tpu.memory_space<any>>) dst(%dma_wait3A_50 : memref<64x4096xf32, #tpu.memory_space<vmem>>)
    %dma_wait3A_54 = arith.constant 64 : i32
    %dma_wait3A_55 = arith.constant 0 : i32
    %dma_wait3A_56 = tpu.memref_slice %arg4[%dma_wait3A_54, %dma_wait3A_55] : memref<128x4096xf32, #tpu.memory_space<vmem>> -> memref<64x4096xf32, #tpu.memory_space<vmem>>
    %dma_wait3A_57 = arith.constant 0 : i32
    %dma_wait3A_58 = arith.constant 0 : i32
    %dma_wait3A_59 = tpu.memref_slice %arg1[%dma_wait3A_57, %dma_wait3A_58] : memref<64x1000000xf32, #tpu.memory_space<any>> -> memref<64x4096xf32, #tpu.memory_space<any>>
    tpu.wait_dma2 semaphore(%arg15 : memref<!tpu.dma_semaphore, #tpu.memory_space<semaphore_mem>>) src(%dma_wait3A_59 : memref<64x4096xf32, #tpu.memory_space<any>>) dst(%dma_wait3A_56 : memref<64x4096xf32, #tpu.memory_space<vmem>>)
    %add3A_60 = arith.constant 1 : i32
    %add3A_61 = arith.addi %arg0, %add3A_60 : i32
    %lt3A = arith.constant 15 : i32
    %lt3A_62 = arith.cmpi slt, %add3A_61, %lt3A : i32
    %convert_element_type3A_63 = arith.extui %lt3A_62 : i1 to i32
    %cond3A_64 = arith.constant 0 : i32
    %cond3A_65 = arith.cmpi ne, %convert_element_type3A_63, %cond3A_64 : i32
    scf.if %cond3A_65 {
      %add3A_309 = arith.constant 7 : i32
      %add3A_310 = arith.addi %add3A_47, %add3A_309 : i32
      %mul3A_311 = arith.constant 8192 : i32
      %mul3A_312 = arith.muli %add3A_310, %mul3A_311 : i32
      %dma_start3A_313 = arith.constant 0 : i32
      %dma_start3A_314 = arith.constant 0 : i32
      %dma_start3A_315 = tpu.memref_slice %arg3[%dma_start3A_313, %dma_start3A_314] : memref<128x4096xf32, #tpu.memory_space<vmem>> -> memref<64x4096xf32, #tpu.memory_space<vmem>>
      %dma_start3A_316 = arith.constant 0 : i32
      %dma_start3A_317 = tpu.memref_slice %arg1[%dma_start3A_316, %mul3A_312] : memref<64x1000000xf32, #tpu.memory_space<any>> -> memref<64x4096xf32, #tpu.memory_space<any>>
      tpu.enqueue_dma source(%dma_start3A_317 : memref<64x4096xf32, #tpu.memory_space<any>>) target(%dma_start3A_315 : memref<64x4096xf32, #tpu.memory_space<vmem>>) target_semaphore(%arg14 : memref<!tpu.dma_semaphore, #tpu.memory_space<semaphore_mem>>)
      %mul3A_318 = arith.constant 8192 : i32
      %mul3A_319 = arith.muli %add3A_310, %mul3A_318 : i32
      %add3A_320 = arith.constant 4096 : i32
      %add3A_321 = arith.addi %mul3A_319, %add3A_320 : i32
      %dma_start3A_322 = arith.constant 64 : i32
      %dma_start3A_323 = arith.constant 0 : i32
      %dma_start3A_324 = tpu.memref_slice %arg3[%dma_start3A_322, %dma_start3A_323] : memref<128x4096xf32, #tpu.memory_space<vmem>> -> memref<64x4096xf32, #tpu.memory_space<vmem>>
      %dma_start3A_325 = arith.constant 0 : i32
      %dma_start3A_326 = tpu.memref_slice %arg1[%dma_start3A_325, %add3A_321] : memref<64x1000000xf32, #tpu.memory_space<any>> -> memref<64x4096xf32, #tpu.memory_space<any>>
      tpu.enqueue_dma source(%dma_start3A_326 : memref<64x4096xf32, #tpu.memory_space<any>>) target(%dma_start3A_324 : memref<64x4096xf32, #tpu.memory_space<vmem>>) target_semaphore(%arg14 : memref<!tpu.dma_semaphore, #tpu.memory_space<semaphore_mem>>)
    } else {
    }
    %gt3A_66 = arith.constant 0 : i32
    %gt3A_67 = arith.cmpi sgt, %arg0, %gt3A_66 : i32
    %convert_element_type3A_68 = arith.extui %gt3A_67 : i1 to i32
    %cond3A_69 = arith.constant 0 : i32
    %cond3A_70 = arith.cmpi ne, %convert_element_type3A_68, %cond3A_69 : i32
    scf.if %cond3A_70 {
      %dma_wait3A_309 = arith.constant 0 : i32
      %dma_wait3A_310 = arith.constant 0 : i32
      %dma_wait3A_311 = tpu.memref_slice %arg2[%dma_wait3A_309, %dma_wait3A_310] : memref<500000x128xf32, #tpu.memory_space<any>> -> memref<4096x128xf32, #tpu.memory_space<any>>
      tpu.wait_dma2 semaphore(%arg23 : memref<!tpu.dma_semaphore, #tpu.memory_space<semaphore_mem>>) src(%arg12 : memref<4096x128xf32, #tpu.memory_space<vmem>>) dst(%dma_wait3A_311 : memref<4096x128xf32, #tpu.memory_space<any>>)
    } else {
    }
    %get3A_71 = arith.constant 0 : index
    %get3A_72 = arith.constant 0 : index
    %get3A_73 = vector.load %arg4[%get3A_71, %get3A_72] : memref<128x4096xf32, #tpu.memory_space<vmem>>, vector<128x4096xf32>
    %transpose3A_74 = tpu.transpose %get3A_73, [1, 0] : vector<128x4096xf32> -> vector<4096x128xf32>
    %swap3A_75 = arith.constant 0 : index
    %swap3A_76 = arith.constant 0 : index
    %swap3A_77 = vector.load %arg12[%swap3A_75, %swap3A_76] : memref<4096x128xf32, #tpu.memory_space<vmem>>, vector<4096x128xf32>
    tpu.vector_store %arg12[%swap3A_75, %swap3A_76], %transpose3A_74 {strides = array<i32>} : memref<4096x128xf32, #tpu.memory_space<vmem>>, vector<4096x128xf32>,
    %mul3A_78 = arith.constant 4096 : i32
    %mul3A_79 = arith.muli %add3A_47, %mul3A_78 : i32
    %dma_start3A_80 = arith.constant 0 : i32
    %dma_start3A_81 = tpu.memref_slice %arg2[%mul3A_79, %dma_start3A_80] : memref<500000x128xf32, #tpu.memory_space<any>> -> memref<4096x128xf32, #tpu.memory_space<any>>
    tpu.enqueue_dma source(%arg12 : memref<4096x128xf32, #tpu.memory_space<vmem>>) target(%dma_start3A_81 : memref<4096x128xf32, #tpu.memory_space<any>>) target_semaphore(%arg23 : memref<!tpu.dma_semaphore, #tpu.memory_space<semaphore_mem>>)
    %mul3A_82 = arith.constant 8 : i32
    %mul3A_83 = arith.muli %mul3A_82, %arg0 : i32
    %add3A_84 = arith.constant 2 : i32
    %add3A_85 = arith.addi %mul3A_83, %add3A_84 : i32
    %dma_wait3A_86 = arith.constant 0 : i32
    %dma_wait3A_87 = arith.constant 0 : i32
    %dma_wait3A_88 = tpu.memref_slice %arg5[%dma_wait3A_86, %dma_wait3A_87] : memref<128x4096xf32, #tpu.memory_space<vmem>> -> memref<64x4096xf32, #tpu.memory_space<vmem>>
    %dma_wait3A_89 = arith.constant 0 : i32
    %dma_wait3A_90 = arith.constant 0 : i32
    %dma_wait3A_91 = tpu.memref_slice %arg1[%dma_wait3A_89, %dma_wait3A_90] : memref<64x1000000xf32, #tpu.memory_space<any>> -> memref<64x4096xf32, #tpu.memory_space<any>>
    tpu.wait_dma2 semaphore(%arg16 : memref<!tpu.dma_semaphore, #tpu.memory_space<semaphore_mem>>) src(%dma_wait3A_91 : memref<64x4096xf32, #tpu.memory_space<any>>) dst(%dma_wait3A_88 : memref<64x4096xf32, #tpu.memory_space<vmem>>)
    %dma_wait3A_92 = arith.constant 64 : i32
    %dma_wait3A_93 = arith.constant 0 : i32
    %dma_wait3A_94 = tpu.memref_slice %arg5[%dma_wait3A_92, %dma_wait3A_93] : memref<128x4096xf32, #tpu.memory_space<vmem>> -> memref<64x4096xf32, #tpu.memory_space<vmem>>
    %dma_wait3A_95 = arith.constant 0 : i32
    %dma_wait3A_96 = arith.constant 0 : i32
    %dma_wait3A_97 = tpu.memref_slice %arg1[%dma_wait3A_95, %dma_wait3A_96] : memref<64x1000000xf32, #tpu.memory_space<any>> -> memref<64x4096xf32, #tpu.memory_space<any>>
    tpu.wait_dma2 semaphore(%arg16 : memref<!tpu.dma_semaphore, #tpu.memory_space<semaphore_mem>>) src(%dma_wait3A_97 : memref<64x4096xf32, #tpu.memory_space<any>>) dst(%dma_wait3A_94 : memref<64x4096xf32, #tpu.memory_space<vmem>>)
    %add3A_98 = arith.constant 1 : i32
    %add3A_99 = arith.addi %arg0, %add3A_98 : i32
    %lt3A_100 = arith.constant 15 : i32
    %lt3A_101 = arith.cmpi slt, %add3A_99, %lt3A_100 : i32
    %convert_element_type3A_102 = arith.extui %lt3A_101 : i1 to i32
    %cond3A_103 = arith.constant 0 : i32
    %cond3A_104 = arith.cmpi ne, %convert_element_type3A_102, %cond3A_103 : i32
    scf.if %cond3A_104 {
      %add3A_309 = arith.constant 7 : i32
      %add3A_310 = arith.addi %add3A_85, %add3A_309 : i32
      %mul3A_311 = arith.constant 8192 : i32
      %mul3A_312 = arith.muli %add3A_310, %mul3A_311 : i32
      %dma_start3A_313 = arith.constant 0 : i32
      %dma_start3A_314 = arith.constant 0 : i32
      %dma_start3A_315 = tpu.memref_slice %arg4[%dma_start3A_313, %dma_start3A_314] : memref<128x4096xf32, #tpu.memory_space<vmem>> -> memref<64x4096xf32, #tpu.memory_space<vmem>>
      %dma_start3A_316 = arith.constant 0 : i32
      %dma_start3A_317 = tpu.memref_slice %arg1[%dma_start3A_316, %mul3A_312] : memref<64x1000000xf32, #tpu.memory_space<any>> -> memref<64x4096xf32, #tpu.memory_space<any>>
      tpu.enqueue_dma source(%dma_start3A_317 : memref<64x4096xf32, #tpu.memory_space<any>>) target(%dma_start3A_315 : memref<64x4096xf32, #tpu.memory_space<vmem>>) target_semaphore(%arg15 : memref<!tpu.dma_semaphore, #tpu.memory_space<semaphore_mem>>)
      %mul3A_318 = arith.constant 8192 : i32
      %mul3A_319 = arith.muli %add3A_310, %mul3A_318 : i32
      %add3A_320 = arith.constant 4096 : i32
      %add3A_321 = arith.addi %mul3A_319, %add3A_320 : i32
      %dma_start3A_322 = arith.constant 64 : i32
      %dma_start3A_323 = arith.constant 0 : i32
      %dma_start3A_324 = tpu.memref_slice %arg4[%dma_start3A_322, %dma_start3A_323] : memref<128x4096xf32, #tpu.memory_space<vmem>> -> memref<64x4096xf32, #tpu.memory_space<vmem>>
      %dma_start3A_325 = arith.constant 0 : i32
      %dma_start3A_326 = tpu.memref_slice %arg1[%dma_start3A_325, %add3A_321] : memref<64x1000000xf32, #tpu.memory_space<any>> -> memref<64x4096xf32, #tpu.memory_space<any>>
      tpu.enqueue_dma source(%dma_start3A_326 : memref<64x4096xf32, #tpu.memory_space<any>>) target(%dma_start3A_324 : memref<64x4096xf32, #tpu.memory_space<vmem>>) target_semaphore(%arg15 : memref<!tpu.dma_semaphore, #tpu.memory_space<semaphore_mem>>)
    } else {
    }
    %dma_wait3A_105 = arith.constant 0 : i32
    %dma_wait3A_106 = arith.constant 0 : i32
    %dma_wait3A_107 = tpu.memref_slice %arg2[%dma_wait3A_105, %dma_wait3A_106] : memref<500000x128xf32, #tpu.memory_space<any>> -> memref<4096x128xf32, #tpu.memory_space<any>>
    tpu.wait_dma2 semaphore(%arg22 : memref<!tpu.dma_semaphore, #tpu.memory_space<semaphore_mem>>) src(%arg11 : memref<4096x128xf32, #tpu.memory_space<vmem>>) dst(%dma_wait3A_107 : memref<4096x128xf32, #tpu.memory_space<any>>)
    %get3A_108 = arith.constant 0 : index
    %get3A_109 = arith.constant 0 : index
    %get3A_110 = vector.load %arg5[%get3A_108, %get3A_109] : memref<128x4096xf32, #tpu.memory_space<vmem>>, vector<128x4096xf32>
    %transpose3A_111 = tpu.transpose %get3A_110, [1, 0] : vector<128x4096xf32> -> vector<4096x128xf32>
    %swap3A_112 = arith.constant 0 : index
    %swap3A_113 = arith.constant 0 : index
    %swap3A_114 = vector.load %arg11[%swap3A_112, %swap3A_113] : memref<4096x128xf32, #tpu.memory_space<vmem>>, vector<4096x128xf32>
    tpu.vector_store %arg11[%swap3A_112, %swap3A_113], %transpose3A_111 {strides = array<i32>} : memref<4096x128xf32, #tpu.memory_space<vmem>>, vector<4096x128xf32>,
    %mul3A_115 = arith.constant 4096 : i32
    %mul3A_116 = arith.muli %add3A_85, %mul3A_115 : i32
    %dma_start3A_117 = arith.constant 0 : i32
    %dma_start3A_118 = tpu.memref_slice %arg2[%mul3A_116, %dma_start3A_117] : memref<500000x128xf32, #tpu.memory_space<any>> -> memref<4096x128xf32, #tpu.memory_space<any>>
    tpu.enqueue_dma source(%arg11 : memref<4096x128xf32, #tpu.memory_space<vmem>>) target(%dma_start3A_118 : memref<4096x128xf32, #tpu.memory_space<any>>) target_semaphore(%arg22 : memref<!tpu.dma_semaphore, #tpu.memory_space<semaphore_mem>>)
    %mul3A_119 = arith.constant 8 : i32
    %mul3A_120 = arith.muli %mul3A_119, %arg0 : i32
    %add3A_121 = arith.constant 3 : i32
    %add3A_122 = arith.addi %mul3A_120, %add3A_121 : i32
    %dma_wait3A_123 = arith.constant 0 : i32
    %dma_wait3A_124 = arith.constant 0 : i32
    %dma_wait3A_125 = tpu.memref_slice %arg6[%dma_wait3A_123, %dma_wait3A_124] : memref<128x4096xf32, #tpu.memory_space<vmem>> -> memref<64x4096xf32, #tpu.memory_space<vmem>>
    %dma_wait3A_126 = arith.constant 0 : i32
    %dma_wait3A_127 = arith.constant 0 : i32
    %dma_wait3A_128 = tpu.memref_slice %arg1[%dma_wait3A_126, %dma_wait3A_127] : memref<64x1000000xf32, #tpu.memory_space<any>> -> memref<64x4096xf32, #tpu.memory_space<any>>
    tpu.wait_dma2 semaphore(%arg17 : memref<!tpu.dma_semaphore, #tpu.memory_space<semaphore_mem>>) src(%dma_wait3A_128 : memref<64x4096xf32, #tpu.memory_space<any>>) dst(%dma_wait3A_125 : memref<64x4096xf32, #tpu.memory_space<vmem>>)
    %dma_wait3A_129 = arith.constant 64 : i32
    %dma_wait3A_130 = arith.constant 0 : i32
    %dma_wait3A_131 = tpu.memref_slice %arg6[%dma_wait3A_129, %dma_wait3A_130] : memref<128x4096xf32, #tpu.memory_space<vmem>> -> memref<64x4096xf32, #tpu.memory_space<vmem>>
    %dma_wait3A_132 = arith.constant 0 : i32
    %dma_wait3A_133 = arith.constant 0 : i32
    %dma_wait3A_134 = tpu.memref_slice %arg1[%dma_wait3A_132, %dma_wait3A_133] : memref<64x1000000xf32, #tpu.memory_space<any>> -> memref<64x4096xf32, #tpu.memory_space<any>>
    tpu.wait_dma2 semaphore(%arg17 : memref<!tpu.dma_semaphore, #tpu.memory_space<semaphore_mem>>) src(%dma_wait3A_134 : memref<64x4096xf32, #tpu.memory_space<any>>) dst(%dma_wait3A_131 : memref<64x4096xf32, #tpu.memory_space<vmem>>)
    %add3A_135 = arith.constant 1 : i32
    %add3A_136 = arith.addi %arg0, %add3A_135 : i32
    %lt3A_137 = arith.constant 15 : i32
    %lt3A_138 = arith.cmpi slt, %add3A_136, %lt3A_137 : i32
    %convert_element_type3A_139 = arith.extui %lt3A_138 : i1 to i32
    %cond3A_140 = arith.constant 0 : i32
    %cond3A_141 = arith.cmpi ne, %convert_element_type3A_139, %cond3A_140 : i32
    scf.if %cond3A_141 {
      %add3A_309 = arith.constant 7 : i32
      %add3A_310 = arith.addi %add3A_122, %add3A_309 : i32
      %mul3A_311 = arith.constant 8192 : i32
      %mul3A_312 = arith.muli %add3A_310, %mul3A_311 : i32
      %dma_start3A_313 = arith.constant 0 : i32
      %dma_start3A_314 = arith.constant 0 : i32
      %dma_start3A_315 = tpu.memref_slice %arg5[%dma_start3A_313, %dma_start3A_314] : memref<128x4096xf32, #tpu.memory_space<vmem>> -> memref<64x4096xf32, #tpu.memory_space<vmem>>
      %dma_start3A_316 = arith.constant 0 : i32
      %dma_start3A_317 = tpu.memref_slice %arg1[%dma_start3A_316, %mul3A_312] : memref<64x1000000xf32, #tpu.memory_space<any>> -> memref<64x4096xf32, #tpu.memory_space<any>>
      tpu.enqueue_dma source(%dma_start3A_317 : memref<64x4096xf32, #tpu.memory_space<any>>) target(%dma_start3A_315 : memref<64x4096xf32, #tpu.memory_space<vmem>>) target_semaphore(%arg16 : memref<!tpu.dma_semaphore, #tpu.memory_space<semaphore_mem>>)
      %mul3A_318 = arith.constant 8192 : i32
      %mul3A_319 = arith.muli %add3A_310, %mul3A_318 : i32
      %add3A_320 = arith.constant 4096 : i32
      %add3A_321 = arith.addi %mul3A_319, %add3A_320 : i32
      %dma_start3A_322 = arith.constant 64 : i32
      %dma_start3A_323 = arith.constant 0 : i32
      %dma_start3A_324 = tpu.memref_slice %arg5[%dma_start3A_322, %dma_start3A_323] : memref<128x4096xf32, #tpu.memory_space<vmem>> -> memref<64x4096xf32, #tpu.memory_space<vmem>>
      %dma_start3A_325 = arith.constant 0 : i32
      %dma_start3A_326 = tpu.memref_slice %arg1[%dma_start3A_325, %add3A_321] : memref<64x1000000xf32, #tpu.memory_space<any>> -> memref<64x4096xf32, #tpu.memory_space<any>>
      tpu.enqueue_dma source(%dma_start3A_326 : memref<64x4096xf32, #tpu.memory_space<any>>) target(%dma_start3A_324 : memref<64x4096xf32, #tpu.memory_space<vmem>>) target_semaphore(%arg16 : memref<!tpu.dma_semaphore, #tpu.memory_space<semaphore_mem>>)
    } else {
    }
    %dma_wait3A_142 = arith.constant 0 : i32
    %dma_wait3A_143 = arith.constant 0 : i32
    %dma_wait3A_144 = tpu.memref_slice %arg2[%dma_wait3A_142, %dma_wait3A_143] : memref<500000x128xf32, #tpu.memory_space<any>> -> memref<4096x128xf32, #tpu.memory_space<any>>
    tpu.wait_dma2 semaphore(%arg23 : memref<!tpu.dma_semaphore, #tpu.memory_space<semaphore_mem>>) src(%arg12 : memref<4096x128xf32, #tpu.memory_space<vmem>>) dst(%dma_wait3A_144 : memref<4096x128xf32, #tpu.memory_space<any>>)
    %get3A_145 = arith.constant 0 : index
    %get3A_146 = arith.constant 0 : index
    %get3A_147 = vector.load %arg6[%get3A_145, %get3A_146] : memref<128x4096xf32, #tpu.memory_space<vmem>>, vector<128x4096xf32>
    %transpose3A_148 = tpu.transpose %get3A_147, [1, 0] : vector<128x4096xf32> -> vector<4096x128xf32>
    %swap3A_149 = arith.constant 0 : index
    %swap3A_150 = arith.constant 0 : index
    %swap3A_151 = vector.load %arg12[%swap3A_149, %swap3A_150] : memref<4096x128xf32, #tpu.memory_space<vmem>>, vector<4096x128xf32>
    tpu.vector_store %arg12[%swap3A_149, %swap3A_150], %transpose3A_148 {strides = array<i32>} : memref<4096x128xf32, #tpu.memory_space<vmem>>, vector<4096x128xf32>,
    %mul3A_152 = arith.constant 4096 : i32
    %mul3A_153 = arith.muli %add3A_122, %mul3A_152 : i32
    %dma_start3A_154 = arith.constant 0 : i32
    %dma_start3A_155 = tpu.memref_slice %arg2[%mul3A_153, %dma_start3A_154] : memref<500000x128xf32, #tpu.memory_space<any>> -> memref<4096x128xf32, #tpu.memory_space<any>>
    tpu.enqueue_dma source(%arg12 : memref<4096x128xf32, #tpu.memory_space<vmem>>) target(%dma_start3A_155 : memref<4096x128xf32, #tpu.memory_space<any>>) target_semaphore(%arg23 : memref<!tpu.dma_semaphore, #tpu.memory_space<semaphore_mem>>)
    %mul3A_156 = arith.constant 8 : i32
    %mul3A_157 = arith.muli %mul3A_156, %arg0 : i32
    %add3A_158 = arith.constant 4 : i32
    %add3A_159 = arith.addi %mul3A_157, %add3A_158 : i32
    %dma_wait3A_160 = arith.constant 0 : i32
    %dma_wait3A_161 = arith.constant 0 : i32
    %dma_wait3A_162 = tpu.memref_slice %arg7[%dma_wait3A_160, %dma_wait3A_161] : memref<128x4096xf32, #tpu.memory_space<vmem>> -> memref<64x4096xf32, #tpu.memory_space<vmem>>
    %dma_wait3A_163 = arith.constant 0 : i32
    %dma_wait3A_164 = arith.constant 0 : i32
    %dma_wait3A_165 = tpu.memref_slice %arg1[%dma_wait3A_163, %dma_wait3A_164] : memref<64x1000000xf32, #tpu.memory_space<any>> -> memref<64x4096xf32, #tpu.memory_space<any>>
    tpu.wait_dma2 semaphore(%arg18 : memref<!tpu.dma_semaphore, #tpu.memory_space<semaphore_mem>>) src(%dma_wait3A_165 : memref<64x4096xf32, #tpu.memory_space<any>>) dst(%dma_wait3A_162 : memref<64x4096xf32, #tpu.memory_space<vmem>>)
    %dma_wait3A_166 = arith.constant 64 : i32
    %dma_wait3A_167 = arith.constant 0 : i32
    %dma_wait3A_168 = tpu.memref_slice %arg7[%dma_wait3A_166, %dma_wait3A_167] : memref<128x4096xf32, #tpu.memory_space<vmem>> -> memref<64x4096xf32, #tpu.memory_space<vmem>>
    %dma_wait3A_169 = arith.constant 0 : i32
    %dma_wait3A_170 = arith.constant 0 : i32
    %dma_wait3A_171 = tpu.memref_slice %arg1[%dma_wait3A_169, %dma_wait3A_170] : memref<64x1000000xf32, #tpu.memory_space<any>> -> memref<64x4096xf32, #tpu.memory_space<any>>
    tpu.wait_dma2 semaphore(%arg18 : memref<!tpu.dma_semaphore, #tpu.memory_space<semaphore_mem>>) src(%dma_wait3A_171 : memref<64x4096xf32, #tpu.memory_space<any>>) dst(%dma_wait3A_168 : memref<64x4096xf32, #tpu.memory_space<vmem>>)
    %add3A_172 = arith.constant 1 : i32
    %add3A_173 = arith.addi %arg0, %add3A_172 : i32
    %lt3A_174 = arith.constant 15 : i32
    %lt3A_175 = arith.cmpi slt, %add3A_173, %lt3A_174 : i32
    %convert_element_type3A_176 = arith.extui %lt3A_175 : i1 to i32
    %cond3A_177 = arith.constant 0 : i32
    %cond3A_178 = arith.cmpi ne, %convert_element_type3A_176, %cond3A_177 : i32
    scf.if %cond3A_178 {
      %add3A_309 = arith.constant 7 : i32
      %add3A_310 = arith.addi %add3A_159, %add3A_309 : i32
      %mul3A_311 = arith.constant 8192 : i32
      %mul3A_312 = arith.muli %add3A_310, %mul3A_311 : i32
      %dma_start3A_313 = arith.constant 0 : i32
      %dma_start3A_314 = arith.constant 0 : i32
      %dma_start3A_315 = tpu.memref_slice %arg6[%dma_start3A_313, %dma_start3A_314] : memref<128x4096xf32, #tpu.memory_space<vmem>> -> memref<64x4096xf32, #tpu.memory_space<vmem>>
      %dma_start3A_316 = arith.constant 0 : i32
      %dma_start3A_317 = tpu.memref_slice %arg1[%dma_start3A_316, %mul3A_312] : memref<64x1000000xf32, #tpu.memory_space<any>> -> memref<64x4096xf32, #tpu.memory_space<any>>
      tpu.enqueue_dma source(%dma_start3A_317 : memref<64x4096xf32, #tpu.memory_space<any>>) target(%dma_start3A_315 : memref<64x4096xf32, #tpu.memory_space<vmem>>) target_semaphore(%arg17 : memref<!tpu.dma_semaphore, #tpu.memory_space<semaphore_mem>>)
      %mul3A_318 = arith.constant 8192 : i32
      %mul3A_319 = arith.muli %add3A_310, %mul3A_318 : i32
      %add3A_320 = arith.constant 4096 : i32
      %add3A_321 = arith.addi %mul3A_319, %add3A_320 : i32
      %dma_start3A_322 = arith.constant 64 : i32
      %dma_start3A_323 = arith.constant 0 : i32
      %dma_start3A_324 = tpu.memref_slice %arg6[%dma_start3A_322, %dma_start3A_323] : memref<128x4096xf32, #tpu.memory_space<vmem>> -> memref<64x4096xf32, #tpu.memory_space<vmem>>
      %dma_start3A_325 = arith.constant 0 : i32
      %dma_start3A_326 = tpu.memref_slice %arg1[%dma_start3A_325, %add3A_321] : memref<64x1000000xf32, #tpu.memory_space<any>> -> memref<64x4096xf32, #tpu.memory_space<any>>
      tpu.enqueue_dma source(%dma_start3A_326 : memref<64x4096xf32, #tpu.memory_space<any>>) target(%dma_start3A_324 : memref<64x4096xf32, #tpu.memory_space<vmem>>) target_semaphore(%arg17 : memref<!tpu.dma_semaphore, #tpu.memory_space<semaphore_mem>>)
    } else {
    }
    %dma_wait3A_179 = arith.constant 0 : i32
    %dma_wait3A_180 = arith.constant 0 : i32
    %dma_wait3A_181 = tpu.memref_slice %arg2[%dma_wait3A_179, %dma_wait3A_180] : memref<500000x128xf32, #tpu.memory_space<any>> -> memref<4096x128xf32, #tpu.memory_space<any>>
    tpu.wait_dma2 semaphore(%arg22 : memref<!tpu.dma_semaphore, #tpu.memory_space<semaphore_mem>>) src(%arg11 : memref<4096x128xf32, #tpu.memory_space<vmem>>) dst(%dma_wait3A_181 : memref<4096x128xf32, #tpu.memory_space<any>>)
    %get3A_182 = arith.constant 0 : index
    %get3A_183 = arith.constant 0 : index
    %get3A_184 = vector.load %arg7[%get3A_182, %get3A_183] : memref<128x4096xf32, #tpu.memory_space<vmem>>, vector<128x4096xf32>
    %transpose3A_185 = tpu.transpose %get3A_184, [1, 0] : vector<128x4096xf32> -> vector<4096x128xf32>
    %swap3A_186 = arith.constant 0 : index
    %swap3A_187 = arith.constant 0 : index
    %swap3A_188 = vector.load %arg11[%swap3A_186, %swap3A_187] : memref<4096x128xf32, #tpu.memory_space<vmem>>, vector<4096x128xf32>
    tpu.vector_store %arg11[%swap3A_186, %swap3A_187], %transpose3A_185 {strides = array<i32>} : memref<4096x128xf32, #tpu.memory_space<vmem>>, vector<4096x128xf32>,
    %mul3A_189 = arith.constant 4096 : i32
    %mul3A_190 = arith.muli %add3A_159, %mul3A_189 : i32
    %dma_start3A_191 = arith.constant 0 : i32
    %dma_start3A_192 = tpu.memref_slice %arg2[%mul3A_190, %dma_start3A_191] : memref<500000x128xf32, #tpu.memory_space<any>> -> memref<4096x128xf32, #tpu.memory_space<any>>
    tpu.enqueue_dma source(%arg11 : memref<4096x128xf32, #tpu.memory_space<vmem>>) target(%dma_start3A_192 : memref<4096x128xf32, #tpu.memory_space<any>>) target_semaphore(%arg22 : memref<!tpu.dma_semaphore, #tpu.memory_space<semaphore_mem>>)
    %mul3A_193 = arith.constant 8 : i32
    %mul3A_194 = arith.muli %mul3A_193, %arg0 : i32
    %add3A_195 = arith.constant 5 : i32
    %add3A_196 = arith.addi %mul3A_194, %add3A_195 : i32
    %dma_wait3A_197 = arith.constant 0 : i32
    %dma_wait3A_198 = arith.constant 0 : i32
    %dma_wait3A_199 = tpu.memref_slice %arg8[%dma_wait3A_197, %dma_wait3A_198] : memref<128x4096xf32, #tpu.memory_space<vmem>> -> memref<64x4096xf32, #tpu.memory_space<vmem>>
    %dma_wait3A_200 = arith.constant 0 : i32
    %dma_wait3A_201 = arith.constant 0 : i32
    %dma_wait3A_202 = tpu.memref_slice %arg1[%dma_wait3A_200, %dma_wait3A_201] : memref<64x1000000xf32, #tpu.memory_space<any>> -> memref<64x4096xf32, #tpu.memory_space<any>>
    tpu.wait_dma2 semaphore(%arg19 : memref<!tpu.dma_semaphore, #tpu.memory_space<semaphore_mem>>) src(%dma_wait3A_202 : memref<64x4096xf32, #tpu.memory_space<any>>) dst(%dma_wait3A_199 : memref<64x4096xf32, #tpu.memory_space<vmem>>)
    %dma_wait3A_203 = arith.constant 64 : i32
    %dma_wait3A_204 = arith.constant 0 : i32
    %dma_wait3A_205 = tpu.memref_slice %arg8[%dma_wait3A_203, %dma_wait3A_204] : memref<128x4096xf32, #tpu.memory_space<vmem>> -> memref<64x4096xf32, #tpu.memory_space<vmem>>
    %dma_wait3A_206 = arith.constant 0 : i32
    %dma_wait3A_207 = arith.constant 0 : i32
    %dma_wait3A_208 = tpu.memref_slice %arg1[%dma_wait3A_206, %dma_wait3A_207] : memref<64x1000000xf32, #tpu.memory_space<any>> -> memref<64x4096xf32, #tpu.memory_space<any>>
    tpu.wait_dma2 semaphore(%arg19 : memref<!tpu.dma_semaphore, #tpu.memory_space<semaphore_mem>>) src(%dma_wait3A_208 : memref<64x4096xf32, #tpu.memory_space<any>>) dst(%dma_wait3A_205 : memref<64x4096xf32, #tpu.memory_space<vmem>>)
    %add3A_209 = arith.constant 1 : i32
    %add3A_210 = arith.addi %arg0, %add3A_209 : i32
    %lt3A_211 = arith.constant 15 : i32
    %lt3A_212 = arith.cmpi slt, %add3A_210, %lt3A_211 : i32
    %convert_element_type3A_213 = arith.extui %lt3A_212 : i1 to i32
    %cond3A_214 = arith.constant 0 : i32
    %cond3A_215 = arith.cmpi ne, %convert_element_type3A_213, %cond3A_214 : i32
    scf.if %cond3A_215 {
      %add3A_309 = arith.constant 7 : i32
      %add3A_310 = arith.addi %add3A_196, %add3A_309 : i32
      %mul3A_311 = arith.constant 8192 : i32
      %mul3A_312 = arith.muli %add3A_310, %mul3A_311 : i32
      %dma_start3A_313 = arith.constant 0 : i32
      %dma_start3A_314 = arith.constant 0 : i32
      %dma_start3A_315 = tpu.memref_slice %arg7[%dma_start3A_313, %dma_start3A_314] : memref<128x4096xf32, #tpu.memory_space<vmem>> -> memref<64x4096xf32, #tpu.memory_space<vmem>>
      %dma_start3A_316 = arith.constant 0 : i32
      %dma_start3A_317 = tpu.memref_slice %arg1[%dma_start3A_316, %mul3A_312] : memref<64x1000000xf32, #tpu.memory_space<any>> -> memref<64x4096xf32, #tpu.memory_space<any>>
      tpu.enqueue_dma source(%dma_start3A_317 : memref<64x4096xf32, #tpu.memory_space<any>>) target(%dma_start3A_315 : memref<64x4096xf32, #tpu.memory_space<vmem>>) target_semaphore(%arg18 : memref<!tpu.dma_semaphore, #tpu.memory_space<semaphore_mem>>)
      %mul3A_318 = arith.constant 8192 : i32
      %mul3A_319 = arith.muli %add3A_310, %mul3A_318 : i32
      %add3A_320 = arith.constant 4096 : i32
      %add3A_321 = arith.addi %mul3A_319, %add3A_320 : i32
      %dma_start3A_322 = arith.constant 64 : i32
      %dma_start3A_323 = arith.constant 0 : i32
      %dma_start3A_324 = tpu.memref_slice %arg7[%dma_start3A_322, %dma_start3A_323] : memref<128x4096xf32, #tpu.memory_space<vmem>> -> memref<64x4096xf32, #tpu.memory_space<vmem>>
      %dma_start3A_325 = arith.constant 0 : i32
      %dma_start3A_326 = tpu.memref_slice %arg1[%dma_start3A_325, %add3A_321] : memref<64x1000000xf32, #tpu.memory_space<any>> -> memref<64x4096xf32, #tpu.memory_space<any>>
      tpu.enqueue_dma source(%dma_start3A_326 : memref<64x4096xf32, #tpu.memory_space<any>>) target(%dma_start3A_324 : memref<64x4096xf32, #tpu.memory_space<vmem>>) target_semaphore(%arg18 : memref<!tpu.dma_semaphore, #tpu.memory_space<semaphore_mem>>)
    } else {
    }
    %dma_wait3A_216 = arith.constant 0 : i32
    %dma_wait3A_217 = arith.constant 0 : i32
    %dma_wait3A_218 = tpu.memref_slice %arg2[%dma_wait3A_216, %dma_wait3A_217] : memref<500000x128xf32, #tpu.memory_space<any>> -> memref<4096x128xf32, #tpu.memory_space<any>>
    tpu.wait_dma2 semaphore(%arg23 : memref<!tpu.dma_semaphore, #tpu.memory_space<semaphore_mem>>) src(%arg12 : memref<4096x128xf32, #tpu.memory_space<vmem>>) dst(%dma_wait3A_218 : memref<4096x128xf32, #tpu.memory_space<any>>)
    %get3A_219 = arith.constant 0 : index
    %get3A_220 = arith.constant 0 : index
    %get3A_221 = vector.load %arg8[%get3A_219, %get3A_220] : memref<128x4096xf32, #tpu.memory_space<vmem>>, vector<128x4096xf32>
    %transpose3A_222 = tpu.transpose %get3A_221, [1, 0] : vector<128x4096xf32> -> vector<4096x128xf32>
    %swap3A_223 = arith.constant 0 : index
    %swap3A_224 = arith.constant 0 : index
    %swap3A_225 = vector.load %arg12[%swap3A_223, %swap3A_224] : memref<4096x128xf32, #tpu.memory_space<vmem>>, vector<4096x128xf32>
    tpu.vector_store %arg12[%swap3A_223, %swap3A_224], %transpose3A_222 {strides = array<i32>} : memref<4096x128xf32, #tpu.memory_space<vmem>>, vector<4096x128xf32>,
    %mul3A_226 = arith.constant 4096 : i32
    %mul3A_227 = arith.muli %add3A_196, %mul3A_226 : i32
    %dma_start3A_228 = arith.constant 0 : i32
    %dma_start3A_229 = tpu.memref_slice %arg2[%mul3A_227, %dma_start3A_228] : memref<500000x128xf32, #tpu.memory_space<any>> -> memref<4096x128xf32, #tpu.memory_space<any>>
    tpu.enqueue_dma source(%arg12 : memref<4096x128xf32, #tpu.memory_space<vmem>>) target(%dma_start3A_229 : memref<4096x128xf32, #tpu.memory_space<any>>) target_semaphore(%arg23 : memref<!tpu.dma_semaphore, #tpu.memory_space<semaphore_mem>>)
    %mul3A_230 = arith.constant 8 : i32
    %mul3A_231 = arith.muli %mul3A_230, %arg0 : i32
    %add3A_232 = arith.constant 6 : i32
    %add3A_233 = arith.addi %mul3A_231, %add3A_232 : i32
    %dma_wait3A_234 = arith.constant 0 : i32
    %dma_wait3A_235 = arith.constant 0 : i32
    %dma_wait3A_236 = tpu.memref_slice %arg9[%dma_wait3A_234, %dma_wait3A_235] : memref<128x4096xf32, #tpu.memory_space<vmem>> -> memref<64x4096xf32, #tpu.memory_space<vmem>>
    %dma_wait3A_237 = arith.constant 0 : i32
    %dma_wait3A_238 = arith.constant 0 : i32
    %dma_wait3A_239 = tpu.memref_slice %arg1[%dma_wait3A_237, %dma_wait3A_238] : memref<64x1000000xf32, #tpu.memory_space<any>> -> memref<64x4096xf32, #tpu.memory_space<any>>
    tpu.wait_dma2 semaphore(%arg20 : memref<!tpu.dma_semaphore, #tpu.memory_space<semaphore_mem>>) src(%dma_wait3A_239 : memref<64x4096xf32, #tpu.memory_space<any>>) dst(%dma_wait3A_236 : memref<64x4096xf32, #tpu.memory_space<vmem>>)
    %dma_wait3A_240 = arith.constant 64 : i32
    %dma_wait3A_241 = arith.constant 0 : i32
    %dma_wait3A_242 = tpu.memref_slice %arg9[%dma_wait3A_240, %dma_wait3A_241] : memref<128x4096xf32, #tpu.memory_space<vmem>> -> memref<64x4096xf32, #tpu.memory_space<vmem>>
    %dma_wait3A_243 = arith.constant 0 : i32
    %dma_wait3A_244 = arith.constant 0 : i32
    %dma_wait3A_245 = tpu.memref_slice %arg1[%dma_wait3A_243, %dma_wait3A_244] : memref<64x1000000xf32, #tpu.memory_space<any>> -> memref<64x4096xf32, #tpu.memory_space<any>>
    tpu.wait_dma2 semaphore(%arg20 : memref<!tpu.dma_semaphore, #tpu.memory_space<semaphore_mem>>) src(%dma_wait3A_245 : memref<64x4096xf32, #tpu.memory_space<any>>) dst(%dma_wait3A_242 : memref<64x4096xf32, #tpu.memory_space<vmem>>)
    %add3A_246 = arith.constant 1 : i32
    %add3A_247 = arith.addi %arg0, %add3A_246 : i32
    %lt3A_248 = arith.constant 15 : i32
    %lt3A_249 = arith.cmpi slt, %add3A_247, %lt3A_248 : i32
    %convert_element_type3A_250 = arith.extui %lt3A_249 : i1 to i32
    %cond3A_251 = arith.constant 0 : i32
    %cond3A_252 = arith.cmpi ne, %convert_element_type3A_250, %cond3A_251 : i32
    scf.if %cond3A_252 {
      %add3A_309 = arith.constant 7 : i32
      %add3A_310 = arith.addi %add3A_233, %add3A_309 : i32
      %mul3A_311 = arith.constant 8192 : i32
      %mul3A_312 = arith.muli %add3A_310, %mul3A_311 : i32
      %dma_start3A_313 = arith.constant 0 : i32
      %dma_start3A_314 = arith.constant 0 : i32
      %dma_start3A_315 = tpu.memref_slice %arg8[%dma_start3A_313, %dma_start3A_314] : memref<128x4096xf32, #tpu.memory_space<vmem>> -> memref<64x4096xf32, #tpu.memory_space<vmem>>
      %dma_start3A_316 = arith.constant 0 : i32
      %dma_start3A_317 = tpu.memref_slice %arg1[%dma_start3A_316, %mul3A_312] : memref<64x1000000xf32, #tpu.memory_space<any>> -> memref<64x4096xf32, #tpu.memory_space<any>>
      tpu.enqueue_dma source(%dma_start3A_317 : memref<64x4096xf32, #tpu.memory_space<any>>) target(%dma_start3A_315 : memref<64x4096xf32, #tpu.memory_space<vmem>>) target_semaphore(%arg19 : memref<!tpu.dma_semaphore, #tpu.memory_space<semaphore_mem>>)
      %mul3A_318 = arith.constant 8192 : i32
      %mul3A_319 = arith.muli %add3A_310, %mul3A_318 : i32
      %add3A_320 = arith.constant 4096 : i32
      %add3A_321 = arith.addi %mul3A_319, %add3A_320 : i32
      %dma_start3A_322 = arith.constant 64 : i32
      %dma_start3A_323 = arith.constant 0 : i32
      %dma_start3A_324 = tpu.memref_slice %arg8[%dma_start3A_322, %dma_start3A_323] : memref<128x4096xf32, #tpu.memory_space<vmem>> -> memref<64x4096xf32, #tpu.memory_space<vmem>>
      %dma_start3A_325 = arith.constant 0 : i32
      %dma_start3A_326 = tpu.memref_slice %arg1[%dma_start3A_325, %add3A_321] : memref<64x1000000xf32, #tpu.memory_space<any>> -> memref<64x4096xf32, #tpu.memory_space<any>>
      tpu.enqueue_dma source(%dma_start3A_326 : memref<64x4096xf32, #tpu.memory_space<any>>) target(%dma_start3A_324 : memref<64x4096xf32, #tpu.memory_space<vmem>>) target_semaphore(%arg19 : memref<!tpu.dma_semaphore, #tpu.memory_space<semaphore_mem>>)
    } else {
    }
    %dma_wait3A_253 = arith.constant 0 : i32
    %dma_wait3A_254 = arith.constant 0 : i32
    %dma_wait3A_255 = tpu.memref_slice %arg2[%dma_wait3A_253, %dma_wait3A_254] : memref<500000x128xf32, #tpu.memory_space<any>> -> memref<4096x128xf32, #tpu.memory_space<any>>
    tpu.wait_dma2 semaphore(%arg22 : memref<!tpu.dma_semaphore, #tpu.memory_space<semaphore_mem>>) src(%arg11 : memref<4096x128xf32, #tpu.memory_space<vmem>>) dst(%dma_wait3A_255 : memref<4096x128xf32, #tpu.memory_space<any>>)
    %get3A_256 = arith.constant 0 : index
    %get3A_257 = arith.constant 0 : index
    %get3A_258 = vector.load %arg9[%get3A_256, %get3A_257] : memref<128x4096xf32, #tpu.memory_space<vmem>>, vector<128x4096xf32>
    %transpose3A_259 = tpu.transpose %get3A_258, [1, 0] : vector<128x4096xf32> -> vector<4096x128xf32>
    %swap3A_260 = arith.constant 0 : index
    %swap3A_261 = arith.constant 0 : index
    %swap3A_262 = vector.load %arg11[%swap3A_260, %swap3A_261] : memref<4096x128xf32, #tpu.memory_space<vmem>>, vector<4096x128xf32>
    tpu.vector_store %arg11[%swap3A_260, %swap3A_261], %transpose3A_259 {strides = array<i32>} : memref<4096x128xf32, #tpu.memory_space<vmem>>, vector<4096x128xf32>,
    %mul3A_263 = arith.constant 4096 : i32
    %mul3A_264 = arith.muli %add3A_233, %mul3A_263 : i32
    %dma_start3A_265 = arith.constant 0 : i32
    %dma_start3A_266 = tpu.memref_slice %arg2[%mul3A_264, %dma_start3A_265] : memref<500000x128xf32, #tpu.memory_space<any>> -> memref<4096x128xf32, #tpu.memory_space<any>>
    tpu.enqueue_dma source(%arg11 : memref<4096x128xf32, #tpu.memory_space<vmem>>) target(%dma_start3A_266 : memref<4096x128xf32, #tpu.memory_space<any>>) target_semaphore(%arg22 : memref<!tpu.dma_semaphore, #tpu.memory_space<semaphore_mem>>)
    %mul3A_267 = arith.constant 8 : i32
    %mul3A_268 = arith.muli %mul3A_267, %arg0 : i32
    %add3A_269 = arith.constant 7 : i32
    %add3A_270 = arith.addi %mul3A_268, %add3A_269 : i32
    %dma_wait3A_271 = arith.constant 0 : i32
    %dma_wait3A_272 = arith.constant 0 : i32
    %dma_wait3A_273 = tpu.memref_slice %arg10[%dma_wait3A_271, %dma_wait3A_272] : memref<128x4096xf32, #tpu.memory_space<vmem>> -> memref<64x4096xf32, #tpu.memory_space<vmem>>
    %dma_wait3A_274 = arith.constant 0 : i32
    %dma_wait3A_275 = arith.constant 0 : i32
    %dma_wait3A_276 = tpu.memref_slice %arg1[%dma_wait3A_274, %dma_wait3A_275] : memref<64x1000000xf32, #tpu.memory_space<any>> -> memref<64x4096xf32, #tpu.memory_space<any>>
    tpu.wait_dma2 semaphore(%arg21 : memref<!tpu.dma_semaphore, #tpu.memory_space<semaphore_mem>>) src(%dma_wait3A_276 : memref<64x4096xf32, #tpu.memory_space<any>>) dst(%dma_wait3A_273 : memref<64x4096xf32, #tpu.memory_space<vmem>>)
    %dma_wait3A_277 = arith.constant 64 : i32
    %dma_wait3A_278 = arith.constant 0 : i32
    %dma_wait3A_279 = tpu.memref_slice %arg10[%dma_wait3A_277, %dma_wait3A_278] : memref<128x4096xf32, #tpu.memory_space<vmem>> -> memref<64x4096xf32, #tpu.memory_space<vmem>>
    %dma_wait3A_280 = arith.constant 0 : i32
    %dma_wait3A_281 = arith.constant 0 : i32
    %dma_wait3A_282 = tpu.memref_slice %arg1[%dma_wait3A_280, %dma_wait3A_281] : memref<64x1000000xf32, #tpu.memory_space<any>> -> memref<64x4096xf32, #tpu.memory_space<any>>
    tpu.wait_dma2 semaphore(%arg21 : memref<!tpu.dma_semaphore, #tpu.memory_space<semaphore_mem>>) src(%dma_wait3A_282 : memref<64x4096xf32, #tpu.memory_space<any>>) dst(%dma_wait3A_279 : memref<64x4096xf32, #tpu.memory_space<vmem>>)
    %add3A_283 = arith.constant 1 : i32
    %add3A_284 = arith.addi %arg0, %add3A_283 : i32
    %lt3A_285 = arith.constant 15 : i32
    %lt3A_286 = arith.cmpi slt, %add3A_284, %lt3A_285 : i32
    %convert_element_type3A_287 = arith.extui %lt3A_286 : i1 to i32
    %cond3A_288 = arith.constant 0 : i32
    %cond3A_289 = arith.cmpi ne, %convert_element_type3A_287, %cond3A_288 : i32
    scf.if %cond3A_289 {
      %add3A_309 = arith.constant 7 : i32
      %add3A_310 = arith.addi %add3A_270, %add3A_309 : i32
      %mul3A_311 = arith.constant 8192 : i32
      %mul3A_312 = arith.muli %add3A_310, %mul3A_311 : i32
      %dma_start3A_313 = arith.constant 0 : i32
      %dma_start3A_314 = arith.constant 0 : i32
      %dma_start3A_315 = tpu.memref_slice %arg9[%dma_start3A_313, %dma_start3A_314] : memref<128x4096xf32, #tpu.memory_space<vmem>> -> memref<64x4096xf32, #tpu.memory_space<vmem>>
      %dma_start3A_316 = arith.constant 0 : i32
      %dma_start3A_317 = tpu.memref_slice %arg1[%dma_start3A_316, %mul3A_312] : memref<64x1000000xf32, #tpu.memory_space<any>> -> memref<64x4096xf32, #tpu.memory_space<any>>
      tpu.enqueue_dma source(%dma_start3A_317 : memref<64x4096xf32, #tpu.memory_space<any>>) target(%dma_start3A_315 : memref<64x4096xf32, #tpu.memory_space<vmem>>) target_semaphore(%arg20 : memref<!tpu.dma_semaphore, #tpu.memory_space<semaphore_mem>>)
      %mul3A_318 = arith.constant 8192 : i32
      %mul3A_319 = arith.muli %add3A_310, %mul3A_318 : i32
      %add3A_320 = arith.constant 4096 : i32
      %add3A_321 = arith.addi %mul3A_319, %add3A_320 : i32
      %dma_start3A_322 = arith.constant 64 : i32
      %dma_start3A_323 = arith.constant 0 : i32
      %dma_start3A_324 = tpu.memref_slice %arg9[%dma_start3A_322, %dma_start3A_323] : memref<128x4096xf32, #tpu.memory_space<vmem>> -> memref<64x4096xf32, #tpu.memory_space<vmem>>
      %dma_start3A_325 = arith.constant 0 : i32
      %dma_start3A_326 = tpu.memref_slice %arg1[%dma_start3A_325, %add3A_321] : memref<64x1000000xf32, #tpu.memory_space<any>> -> memref<64x4096xf32, #tpu.memory_space<any>>
      tpu.enqueue_dma source(%dma_start3A_326 : memref<64x4096xf32, #tpu.memory_space<any>>) target(%dma_start3A_324 : memref<64x4096xf32, #tpu.memory_space<vmem>>) target_semaphore(%arg20 : memref<!tpu.dma_semaphore, #tpu.memory_space<semaphore_mem>>)
    } else {
    }
    %dma_wait3A_290 = arith.constant 0 : i32
    %dma_wait3A_291 = arith.constant 0 : i32
    %dma_wait3A_292 = tpu.memref_slice %arg2[%dma_wait3A_290, %dma_wait3A_291] : memref<500000x128xf32, #tpu.memory_space<any>> -> memref<4096x128xf32, #tpu.memory_space<any>>
    tpu.wait_dma2 semaphore(%arg23 : memref<!tpu.dma_semaphore, #tpu.memory_space<semaphore_mem>>) src(%arg12 : memref<4096x128xf32, #tpu.memory_space<vmem>>) dst(%dma_wait3A_292 : memref<4096x128xf32, #tpu.memory_space<any>>)
    %get3A_293 = arith.constant 0 : index
    %get3A_294 = arith.constant 0 : index
    %get3A_295 = vector.load %arg10[%get3A_293, %get3A_294] : memref<128x4096xf32, #tpu.memory_space<vmem>>, vector<128x4096xf32>
    %transpose3A_296 = tpu.transpose %get3A_295, [1, 0] : vector<128x4096xf32> -> vector<4096x128xf32>
    %swap3A_297 = arith.constant 0 : index
    %swap3A_298 = arith.constant 0 : index
    %swap3A_299 = vector.load %arg12[%swap3A_297, %swap3A_298] : memref<4096x128xf32, #tpu.memory_space<vmem>>, vector<4096x128xf32>
    tpu.vector_store %arg12[%swap3A_297, %swap3A_298], %transpose3A_296 {strides = array<i32>} : memref<4096x128xf32, #tpu.memory_space<vmem>>, vector<4096x128xf32>,
    %mul3A_300 = arith.constant 4096 : i32
    %mul3A_301 = arith.muli %add3A_270, %mul3A_300 : i32
    %dma_start3A_302 = arith.constant 0 : i32
    %dma_start3A_303 = tpu.memref_slice %arg2[%mul3A_301, %dma_start3A_302] : memref<500000x128xf32, #tpu.memory_space<any>> -> memref<4096x128xf32, #tpu.memory_space<any>>
    tpu.enqueue_dma source(%arg12 : memref<4096x128xf32, #tpu.memory_space<vmem>>) target(%dma_start3A_303 : memref<4096x128xf32, #tpu.memory_space<any>>) target_semaphore(%arg23 : memref<!tpu.dma_semaphore, #tpu.memory_space<semaphore_mem>>)
    %eq3A_304 = arith.constant 14 : i32
    %eq3A_305 = arith.cmpi eq, %arg0, %eq3A_304 : i32
    %convert_element_type3A_306 = arith.extui %eq3A_305 : i1 to i32
    %cond3A_307 = arith.constant 0 : i32
    %cond3A_308 = arith.cmpi ne, %convert_element_type3A_306, %cond3A_307 : i32
    scf.if %cond3A_308 {
      %dma_start3A_309 = arith.constant 0 : i32
      %dma_start3A_310 = arith.constant 0 : i32
      %dma_start3A_311 = tpu.memref_slice %arg3[%dma_start3A_309, %dma_start3A_310] : memref<128x4096xf32, #tpu.memory_space<vmem>> -> memref<64x4096xf32, #tpu.memory_space<vmem>>
      %dma_start3A_312 = arith.constant 0 : i32
      %dma_start3A_313 = arith.constant 983040 : i32
      %dma_start3A_314 = tpu.memref_slice %arg1[%dma_start3A_312, %dma_start3A_313] : memref<64x1000000xf32, #tpu.memory_space<any>> -> memref<64x4096xf32, #tpu.memory_space<any>>
      tpu.enqueue_dma source(%dma_start3A_314 : memref<64x4096xf32, #tpu.memory_space<any>>) target(%dma_start3A_311 : memref<64x4096xf32, #tpu.memory_space<vmem>>) target_semaphore(%arg14 : memref<!tpu.dma_semaphore, #tpu.memory_space<semaphore_mem>>)
      %dma_start3A_315 = arith.constant 64 : i32
      %dma_start3A_316 = arith.constant 0 : i32
      %dma_start3A_317 = tpu.memref_slice %arg3[%dma_start3A_315, %dma_start3A_316] : memref<128x4096xf32, #tpu.memory_space<vmem>> -> memref<64x4096xf32, #tpu.memory_space<vmem>>
      %dma_start3A_318 = arith.constant 0 : i32
      %dma_start3A_319 = arith.constant 987136 : i32
      %dma_start3A_320 = tpu.memref_slice %arg1[%dma_start3A_318, %dma_start3A_319] : memref<64x1000000xf32, #tpu.memory_space<any>> -> memref<64x4096xf32, #tpu.memory_space<any>>
      tpu.enqueue_dma source(%dma_start3A_320 : memref<64x4096xf32, #tpu.memory_space<any>>) target(%dma_start3A_317 : memref<64x4096xf32, #tpu.memory_space<vmem>>) target_semaphore(%arg14 : memref<!tpu.dma_semaphore, #tpu.memory_space<semaphore_mem>>)
      %dma_start3A_321 = arith.constant 0 : i32
      %dma_start3A_322 = arith.constant 0 : i32
      %dma_start3A_323 = tpu.memref_slice %arg4[%dma_start3A_321, %dma_start3A_322] : memref<128x4096xf32, #tpu.memory_space<vmem>> -> memref<64x4096xf32, #tpu.memory_space<vmem>>
      %dma_start3A_324 = arith.constant 0 : i32
      %dma_start3A_325 = arith.constant 991232 : i32
      %dma_start3A_326 = tpu.memref_slice %arg1[%dma_start3A_324, %dma_start3A_325] : memref<64x1000000xf32, #tpu.memory_space<any>> -> memref<64x4096xf32, #tpu.memory_space<any>>
      tpu.enqueue_dma source(%dma_start3A_326 : memref<64x4096xf32, #tpu.memory_space<any>>) target(%dma_start3A_323 : memref<64x4096xf32, #tpu.memory_space<vmem>>) target_semaphore(%arg15 : memref<!tpu.dma_semaphore, #tpu.memory_space<semaphore_mem>>)
      %dma_start3A_327 = arith.constant 64 : i32
      %dma_start3A_328 = arith.constant 0 : i32
      %dma_start3A_329 = tpu.memref_slice %arg4[%dma_start3A_327, %dma_start3A_328] : memref<128x4096xf32, #tpu.memory_space<vmem>> -> memref<64x4096xf32, #tpu.memory_space<vmem>>
      %dma_start3A_330 = arith.constant 0 : i32
      %dma_start3A_331 = arith.constant 995328 : i32
      %dma_start3A_332 = tpu.memref_slice %arg1[%dma_start3A_330, %dma_start3A_331] : memref<64x1000000xf32, #tpu.memory_space<any>> -> memref<64x4096xf32, #tpu.memory_space<any>>
      tpu.enqueue_dma source(%dma_start3A_332 : memref<64x4096xf32, #tpu.memory_space<any>>) target(%dma_start3A_329 : memref<64x4096xf32, #tpu.memory_space<vmem>>) target_semaphore(%arg15 : memref<!tpu.dma_semaphore, #tpu.memory_space<semaphore_mem>>)
      %dma_wait3A_333 = arith.constant 0 : i32
      %dma_wait3A_334 = arith.constant 0 : i32
      %dma_wait3A_335 = tpu.memref_slice %arg3[%dma_wait3A_333, %dma_wait3A_334] : memref<128x4096xf32, #tpu.memory_space<vmem>> -> memref<64x4096xf32, #tpu.memory_space<vmem>>
      %dma_wait3A_336 = arith.constant 0 : i32
      %dma_wait3A_337 = arith.constant 0 : i32
      %dma_wait3A_338 = tpu.memref_slice %arg1[%dma_wait3A_336, %dma_wait3A_337] : memref<64x1000000xf32, #tpu.memory_space<any>> -> memref<64x4096xf32, #tpu.memory_space<any>>
      tpu.wait_dma2 semaphore(%arg14 : memref<!tpu.dma_semaphore, #tpu.memory_space<semaphore_mem>>) src(%dma_wait3A_338 : memref<64x4096xf32, #tpu.memory_space<any>>) dst(%dma_wait3A_335 : memref<64x4096xf32, #tpu.memory_space<vmem>>)
      %dma_wait3A_339 = arith.constant 64 : i32
      %dma_wait3A_340 = arith.constant 0 : i32
      %dma_wait3A_341 = tpu.memref_slice %arg3[%dma_wait3A_339, %dma_wait3A_340] : memref<128x4096xf32, #tpu.memory_space<vmem>> -> memref<64x4096xf32, #tpu.memory_space<vmem>>
      %dma_wait3A_342 = arith.constant 0 : i32
      %dma_wait3A_343 = arith.constant 0 : i32
      %dma_wait3A_344 = tpu.memref_slice %arg1[%dma_wait3A_342, %dma_wait3A_343] : memref<64x1000000xf32, #tpu.memory_space<any>> -> memref<64x4096xf32, #tpu.memory_space<any>>
      tpu.wait_dma2 semaphore(%arg14 : memref<!tpu.dma_semaphore, #tpu.memory_space<semaphore_mem>>) src(%dma_wait3A_344 : memref<64x4096xf32, #tpu.memory_space<any>>) dst(%dma_wait3A_341 : memref<64x4096xf32, #tpu.memory_space<vmem>>)
      %dma_wait3A_345 = arith.constant 0 : i32
      %dma_wait3A_346 = arith.constant 0 : i32
      %dma_wait3A_347 = tpu.memref_slice %arg2[%dma_wait3A_345, %dma_wait3A_346] : memref<500000x128xf32, #tpu.memory_space<any>> -> memref<4096x128xf32, #tpu.memory_space<any>>
      tpu.wait_dma2 semaphore(%arg22 : memref<!tpu.dma_semaphore, #tpu.memory_space<semaphore_mem>>) src(%arg11 : memref<4096x128xf32, #tpu.memory_space<vmem>>) dst(%dma_wait3A_347 : memref<4096x128xf32, #tpu.memory_space<any>>)
      %get3A_348 = arith.constant 0 : index
      %get3A_349 = arith.constant 0 : index
      %get3A_350 = vector.load %arg3[%get3A_348, %get3A_349] : memref<128x4096xf32, #tpu.memory_space<vmem>>, vector<128x4096xf32>
      %transpose3A_351 = tpu.transpose %get3A_350, [1, 0] : vector<128x4096xf32> -> vector<4096x128xf32>
      %swap3A_352 = arith.constant 0 : index
      %swap3A_353 = arith.constant 0 : index
      %swap3A_354 = vector.load %arg11[%swap3A_352, %swap3A_353] : memref<4096x128xf32, #tpu.memory_space<vmem>>, vector<4096x128xf32>
      tpu.vector_store %arg11[%swap3A_352, %swap3A_353], %transpose3A_351 {strides = array<i32>} : memref<4096x128xf32, #tpu.memory_space<vmem>>, vector<4096x128xf32>,
      %dma_start3A_355 = arith.constant 491520 : i32
      %dma_start3A_356 = arith.constant 0 : i32
      %dma_start3A_357 = tpu.memref_slice %arg2[%dma_start3A_355, %dma_start3A_356] : memref<500000x128xf32, #tpu.memory_space<any>> -> memref<4096x128xf32, #tpu.memory_space<any>>
      tpu.enqueue_dma source(%arg11 : memref<4096x128xf32, #tpu.memory_space<vmem>>) target(%dma_start3A_357 : memref<4096x128xf32, #tpu.memory_space<any>>) target_semaphore(%arg22 : memref<!tpu.dma_semaphore, #tpu.memory_space<semaphore_mem>>)
      %dma_wait3A_358 = arith.constant 0 : i32
      %dma_wait3A_359 = arith.constant 0 : i32
      %dma_wait3A_360 = tpu.memref_slice %arg4[%dma_wait3A_358, %dma_wait3A_359] : memref<128x4096xf32, #tpu.memory_space<vmem>> -> memref<64x4096xf32, #tpu.memory_space<vmem>>
      %dma_wait3A_361 = arith.constant 0 : i32
      %dma_wait3A_362 = arith.constant 0 : i32
      %dma_wait3A_363 = tpu.memref_slice %arg1[%dma_wait3A_361, %dma_wait3A_362] : memref<64x1000000xf32, #tpu.memory_space<any>> -> memref<64x4096xf32, #tpu.memory_space<any>>
      tpu.wait_dma2 semaphore(%arg15 : memref<!tpu.dma_semaphore, #tpu.memory_space<semaphore_mem>>) src(%dma_wait3A_363 : memref<64x4096xf32, #tpu.memory_space<any>>) dst(%dma_wait3A_360 : memref<64x4096xf32, #tpu.memory_space<vmem>>)
      %dma_wait3A_364 = arith.constant 64 : i32
      %dma_wait3A_365 = arith.constant 0 : i32
      %dma_wait3A_366 = tpu.memref_slice %arg4[%dma_wait3A_364, %dma_wait3A_365] : memref<128x4096xf32, #tpu.memory_space<vmem>> -> memref<64x4096xf32, #tpu.memory_space<vmem>>
      %dma_wait3A_367 = arith.constant 0 : i32
      %dma_wait3A_368 = arith.constant 0 : i32
      %dma_wait3A_369 = tpu.memref_slice %arg1[%dma_wait3A_367, %dma_wait3A_368] : memref<64x1000000xf32, #tpu.memory_space<any>> -> memref<64x4096xf32, #tpu.memory_space<any>>
      tpu.wait_dma2 semaphore(%arg15 : memref<!tpu.dma_semaphore, #tpu.memory_space<semaphore_mem>>) src(%dma_wait3A_369 : memref<64x4096xf32, #tpu.memory_space<any>>) dst(%dma_wait3A_366 : memref<64x4096xf32, #tpu.memory_space<vmem>>)
      %dma_wait3A_370 = arith.constant 0 : i32
      %dma_wait3A_371 = arith.constant 0 : i32
      %dma_wait3A_372 = tpu.memref_slice %arg2[%dma_wait3A_370, %dma_wait3A_371] : memref<500000x128xf32, #tpu.memory_space<any>> -> memref<4096x128xf32, #tpu.memory_space<any>>
      tpu.wait_dma2 semaphore(%arg23 : memref<!tpu.dma_semaphore, #tpu.memory_space<semaphore_mem>>) src(%arg12 : memref<4096x128xf32, #tpu.memory_space<vmem>>) dst(%dma_wait3A_372 : memref<4096x128xf32, #tpu.memory_space<any>>)
      %get3A_373 = arith.constant 0 : index
      %get3A_374 = arith.constant 0 : index
      %get3A_375 = vector.load %arg4[%get3A_373, %get3A_374] : memref<128x4096xf32, #tpu.memory_space<vmem>>, vector<128x4096xf32>
      %transpose3A_376 = tpu.transpose %get3A_375, [1, 0] : vector<128x4096xf32> -> vector<4096x128xf32>
      %swap3A_377 = arith.constant 0 : index
      %swap3A_378 = arith.constant 0 : index
      %swap3A_379 = vector.load %arg12[%swap3A_377, %swap3A_378] : memref<4096x128xf32, #tpu.memory_space<vmem>>, vector<4096x128xf32>
      tpu.vector_store %arg12[%swap3A_377, %swap3A_378], %transpose3A_376 {strides = array<i32>} : memref<4096x128xf32, #tpu.memory_space<vmem>>, vector<4096x128xf32>,
      %dma_start3A_380 = arith.constant 495616 : i32
      %dma_start3A_381 = arith.constant 0 : i32
      %dma_start3A_382 = tpu.memref_slice %arg2[%dma_start3A_380, %dma_start3A_381] : memref<500000x128xf32, #tpu.memory_space<any>> -> memref<4096x128xf32, #tpu.memory_space<any>>
      tpu.enqueue_dma source(%arg12 : memref<4096x128xf32, #tpu.memory_space<vmem>>) target(%dma_start3A_382 : memref<4096x128xf32, #tpu.memory_space<any>>) target_semaphore(%arg23 : memref<!tpu.dma_semaphore, #tpu.memory_space<semaphore_mem>>)
      %dma_wait3A_383 = arith.constant 0 : i32
      %dma_wait3A_384 = arith.constant 0 : i32
      %dma_wait3A_385 = tpu.memref_slice %arg2[%dma_wait3A_383, %dma_wait3A_384] : memref<500000x128xf32, #tpu.memory_space<any>> -> memref<4096x128xf32, #tpu.memory_space<any>>
      tpu.wait_dma2 semaphore(%arg22 : memref<!tpu.dma_semaphore, #tpu.memory_space<semaphore_mem>>) src(%arg11 : memref<4096x128xf32, #tpu.memory_space<vmem>>) dst(%dma_wait3A_385 : memref<4096x128xf32, #tpu.memory_space<any>>)
      %dma_start3A_386 = arith.constant 0 : i32
      %dma_start3A_387 = arith.constant 0 : i32
      %dma_start3A_388 = tpu.memref_slice %arg13[%dma_start3A_386, %dma_start3A_387] : memref<64x576xf32, #tpu.memory_space<vmem>> -> memref<64x512xf32, #tpu.memory_space<vmem>>
      %dma_start3A_389 = arith.constant 0 : i32
      %dma_start3A_390 = arith.constant 999424 : i32
      %dma_start3A_391 = tpu.memref_slice %arg1[%dma_start3A_389, %dma_start3A_390] : memref<64x1000000xf32, #tpu.memory_space<any>> -> memref<64x512xf32, #tpu.memory_space<any>>
      tpu.enqueue_dma source(%dma_start3A_391 : memref<64x512xf32, #tpu.memory_space<any>>) target(%dma_start3A_388 : memref<64x512xf32, #tpu.memory_space<vmem>>) target_semaphore(%arg24 : memref<!tpu.dma_semaphore, #tpu.memory_space<semaphore_mem>>)
      %dma_start3A_392 = arith.constant 0 : i32
      %dma_start3A_393 = arith.constant 512 : i32
      %dma_start3A_394 = tpu.memref_slice %arg13[%dma_start3A_392, %dma_start3A_393] : memref<64x576xf32, #tpu.memory_space<vmem>> -> memref<64x64xf32, #tpu.memory_space<vmem>>
      %dma_start3A_395 = arith.constant 0 : i32
      %dma_start3A_396 = arith.constant 999936 : i32
      %dma_start3A_397 = tpu.memref_slice %arg1[%dma_start3A_395, %dma_start3A_396] : memref<64x1000000xf32, #tpu.memory_space<any>> -> memref<64x64xf32, #tpu.memory_space<any>>
      tpu.enqueue_dma source(%dma_start3A_397 : memref<64x64xf32, #tpu.memory_space<any>>) target(%dma_start3A_394 : memref<64x64xf32, #tpu.memory_space<vmem>>) target_semaphore(%arg24 : memref<!tpu.dma_semaphore, #tpu.memory_space<semaphore_mem>>)
      %dma_wait3A_398 = arith.constant 0 : i32
      %dma_wait3A_399 = arith.constant 0 : i32
      %dma_wait3A_400 = tpu.memref_slice %arg13[%dma_wait3A_398, %dma_wait3A_399] : memref<64x576xf32, #tpu.memory_space<vmem>> -> memref<64x512xf32, #tpu.memory_space<vmem>>
      %dma_wait3A_401 = arith.constant 0 : i32
      %dma_wait3A_402 = arith.constant 999424 : i32
      %dma_wait3A_403 = tpu.memref_slice %arg1[%dma_wait3A_401, %dma_wait3A_402] : memref<64x1000000xf32, #tpu.memory_space<any>> -> memref<64x512xf32, #tpu.memory_space<any>>
      tpu.wait_dma2 semaphore(%arg24 : memref<!tpu.dma_semaphore, #tpu.memory_space<semaphore_mem>>) src(%dma_wait3A_403 : memref<64x512xf32, #tpu.memory_space<any>>) dst(%dma_wait3A_400 : memref<64x512xf32, #tpu.memory_space<vmem>>)
      %dma_wait3A_404 = arith.constant 0 : i32
      %dma_wait3A_405 = arith.constant 512 : i32
      %dma_wait3A_406 = tpu.memref_slice %arg13[%dma_wait3A_404, %dma_wait3A_405] : memref<64x576xf32, #tpu.memory_space<vmem>> -> memref<64x64xf32, #tpu.memory_space<vmem>>
      %dma_wait3A_407 = arith.constant 0 : i32
      %dma_wait3A_408 = arith.constant 999936 : i32
      %dma_wait3A_409 = tpu.memref_slice %arg1[%dma_wait3A_407, %dma_wait3A_408] : memref<64x1000000xf32, #tpu.memory_space<any>> -> memref<64x64xf32, #tpu.memory_space<any>>
      tpu.wait_dma2 semaphore(%arg24 : memref<!tpu.dma_semaphore, #tpu.memory_space<semaphore_mem>>) src(%dma_wait3A_409 : memref<64x64xf32, #tpu.memory_space<any>>) dst(%dma_wait3A_406 : memref<64x64xf32, #tpu.memory_space<vmem>>)
      %get3A_410 = arith.constant 0 : index
      %get3A_411 = arith.constant 0 : index
      %get3A_412 = vector.load %arg13[%get3A_410, %get3A_411] : memref<64x576xf32, #tpu.memory_space<vmem>>, vector<64x288xf32>
      %transpose3A_413 = tpu.transpose %get3A_412, [1, 0] : vector<64x288xf32> -> vector<288x64xf32>
      %swap3A_414 = arith.constant 0 : index
      %swap3A_415 = arith.constant 0 : index
      %swap3A_416 = vector.load %arg11[%swap3A_414, %swap3A_415] : memref<4096x128xf32, #tpu.memory_space<vmem>>, vector<288x64xf32>
      tpu.vector_store %arg11[%swap3A_414, %swap3A_415], %transpose3A_413 {strides = array<i32>} : memref<4096x128xf32, #tpu.memory_space<vmem>>, vector<288x64xf32>,
      %get3A_417 = arith.constant 0 : index
      %get3A_418 = arith.constant 288 : index
      %get3A_419 = vector.load %arg13[%get3A_417, %get3A_418] : memref<64x576xf32, #tpu.memory_space<vmem>>, vector<64x288xf32>
      %transpose3A_420 = tpu.transpose %get3A_419, [1, 0] : vector<64x288xf32> -> vector<288x64xf32>
      %swap3A_421 = arith.constant 0 : index
      %swap3A_422 = arith.constant 64 : index
      %swap3A_423 = vector.load %arg11[%swap3A_421, %swap3A_422] : memref<4096x128xf32, #tpu.memory_space<vmem>>, vector<288x64xf32>
      tpu.vector_store %arg11[%swap3A_421, %swap3A_422], %transpose3A_420 {strides = array<i32>} : memref<4096x128xf32, #tpu.memory_space<vmem>>, vector<288x64xf32>,
      %dma_start3A_424 = arith.constant 499712 : i32
      %dma_start3A_425 = arith.constant 0 : i32
      %dma_start3A_426 = tpu.memref_slice %arg2[%dma_start3A_424, %dma_start3A_425] : memref<500000x128xf32, #tpu.memory_space<any>> -> memref<288x128xf32, #tpu.memory_space<any>>
      %dma_start3A_427 = arith.constant 0 : i32
      %dma_start3A_428 = arith.constant 0 : i32
      %dma_start3A_429 = tpu.memref_slice %arg11[%dma_start3A_427, %dma_start3A_428] : memref<4096x128xf32, #tpu.memory_space<vmem>> -> memref<288x128xf32, #tpu.memory_space<vmem>>
      tpu.enqueue_dma source(%dma_start3A_429 : memref<288x128xf32, #tpu.memory_space<vmem>>) target(%dma_start3A_426 : memref<288x128xf32, #tpu.memory_space<any>>) target_semaphore(%arg24 : memref<!tpu.dma_semaphore, #tpu.memory_space<semaphore_mem>>)
      %dma_wait3A_430 = arith.constant 499712 : i32
      %dma_wait3A_431 = arith.constant 0 : i32
      %dma_wait3A_432 = tpu.memref_slice %arg2[%dma_wait3A_430, %dma_wait3A_431] : memref<500000x128xf32, #tpu.memory_space<any>> -> memref<288x128xf32, #tpu.memory_space<any>>
      %dma_wait3A_433 = arith.constant 0 : i32
      %dma_wait3A_434 = arith.constant 0 : i32
      %dma_wait3A_435 = tpu.memref_slice %arg11[%dma_wait3A_433, %dma_wait3A_434] : memref<4096x128xf32, #tpu.memory_space<vmem>> -> memref<288x128xf32, #tpu.memory_space<vmem>>
      tpu.wait_dma2 semaphore(%arg24 : memref<!tpu.dma_semaphore, #tpu.memory_space<semaphore_mem>>) src(%dma_wait3A_435 : memref<288x128xf32, #tpu.memory_space<vmem>>) dst(%dma_wait3A_432 : memref<288x128xf32, #tpu.memory_space<any>>)
      %dma_wait3A_436 = arith.constant 0 : i32
      %dma_wait3A_437 = arith.constant 0 : i32
      %dma_wait3A_438 = tpu.memref_slice %arg2[%dma_wait3A_436, %dma_wait3A_437] : memref<500000x128xf32, #tpu.memory_space<any>> -> memref<4096x128xf32, #tpu.memory_space<any>>
      tpu.wait_dma2 semaphore(%arg23 : memref<!tpu.dma_semaphore, #tpu.memory_space<semaphore_mem>>) src(%arg12 : memref<4096x128xf32, #tpu.memory_space<vmem>>) dst(%dma_wait3A_438 : memref<4096x128xf32, #tpu.memory_space<any>>)
    } else {
    }
    return
  }
}

module attributes {stable_mosaic.version = 14 : i64} {
  func.func @body(%arg0: i32, %arg1: memref<512x64xf32, #tpu.memory_space<vmem>>, %arg2: memref<64x1000xf32, #tpu.memory_space<vmem>>, %arg3: memref<1000x1xf32, #tpu.memory_space<vmem>>, %arg4: memref<1000x512xf32, #tpu.memory_space<vmem>>) attributes {dimension_semantics = [#tpu.dimension_semantics<arbitrary>], iteration_bounds = array<i64: 8>, scalar_prefetch = 0 : i64, scratch_operands = 0 : i64, tpu.core_type = #tpu.core_type<tc>, window_params = [{transform_indices = @transform_0, window_bounds = array<i64: 512, 64>}, {pipeline_mode = #tpu.pipeline_mode<synchronous>, transform_indices = @transform_1, window_bounds = array<i64: 64, 1000>}, {pipeline_mode = #tpu.pipeline_mode<synchronous>, transform_indices = @transform_2, window_bounds = array<i64: 1000, 1>}, {transform_indices = @transform_3, window_bounds = array<i64: 1000, 512>}]} {
    %get3A = arith.constant 0 : index
    %get3A_0 = arith.constant 0 : index
    %get3A_1 = vector.load %arg2[%get3A, %get3A_0] : memref<64x1000xf32, #tpu.memory_space<vmem>>, vector<64x1000xf32>
    %get3A_2 = arith.constant 0 : index
    %get3A_3 = arith.constant 0 : index
    %get3A_4 = vector.load %arg1[%get3A_2, %get3A_3] : memref<512x64xf32, #tpu.memory_space<vmem>>, vector<512x64xf32>
    %dot_general3A = arith.constant dense<0.000000e+00> : vector<1000x512xf32>
    %dot_general3A_5 = tpu.matmul %get3A_1, %get3A_4, %dot_general3A {dimension_numbers = #tpu.dot_dimension_numbers<[0], [1], [1], [0], [0, 1, 1, 0], [], []>, transpose_lhs_hint = false} : vector<64x1000xf32>, vector<512x64xf32>, vector<1000x512xf32> -> vector<1000x512xf32>
    %get3A_6 = arith.constant 0 : index
    %get3A_7 = arith.constant 0 : index
    %get3A_8 = vector.load %arg3[%get3A_6, %get3A_7] : memref<1000x1xf32, #tpu.memory_space<vmem>>, vector<1000x1xf32>
    %add3A = vector.broadcast %get3A_8 : vector<1000x1xf32> to vector<1000x512xf32>
    %add3A_9 = arith.addf %dot_general3A_5, %add3A : vector<1000x512xf32>
    %reduce_max3A = arith.constant dense<0xFF800000> : vector<512xf32>
    %reduce_max3A_10 = vector.multi_reduction <maximumf>, %add3A_9, %reduce_max3A [0] : vector<1000x512xf32> to vector<512xf32>
    %broadcast_in_dim3A = vector.shape_cast %reduce_max3A_10 : vector<512xf32> to vector<1x512xf32>
    %sub3A = vector.broadcast %broadcast_in_dim3A : vector<1x512xf32> to vector<1000x512xf32>
    %sub3A_11 = arith.subf %add3A_9, %sub3A : vector<1000x512xf32>
    %exp3A = math.exp %sub3A_11 : vector<1000x512xf32>
    %reduce_sum3A = arith.constant dense<0.000000e+00> : vector<512xf32>
    %reduce_sum3A_12 = vector.multi_reduction <add>, %exp3A, %reduce_sum3A [0] : vector<1000x512xf32> to vector<512xf32>
    %broadcast_in_dim3A_13 = vector.shape_cast %reduce_sum3A_12 : vector<512xf32> to vector<1x512xf32>
    %div3A = vector.broadcast %broadcast_in_dim3A_13 : vector<1x512xf32> to vector<1000x512xf32>
    %div3A_14 = arith.divf %exp3A, %div3A : vector<1000x512xf32>
    %swap3A = arith.constant 0 : index
    %swap3A_15 = arith.constant 0 : index
    %swap3A_16 = vector.load %arg4[%swap3A, %swap3A_15] : memref<1000x512xf32, #tpu.memory_space<vmem>>, vector<1000x512xf32>
    tpu.vector_store %arg4[%swap3A, %swap3A_15], %div3A_14 {strides = array<i32>} : memref<1000x512xf32, #tpu.memory_space<vmem>>, vector<1000x512xf32>,
    return
  }
  func.func @transform_0(%arg0: i32) -> (i32, i32) {
    %c0_i32 = arith.constant 0 : i32
    %c0_i32_0 = arith.constant 0 : i32
    return %arg0, %c0_i32 : i32, i32
  }
  func.func @transform_1(%arg0: i32) -> (i32, i32) {
    %c0_i32 = arith.constant 0 : i32
    %c0_i32_0 = arith.constant 0 : i32
    %c0_i32_1 = arith.constant 0 : i32
    return %c0_i32, %c0_i32_0 : i32, i32
  }
  func.func @transform_2(%arg0: i32) -> (i32, i32) {
    %c0_i32 = arith.constant 0 : i32
    %c0_i32_0 = arith.constant 0 : i32
    %c0_i32_1 = arith.constant 0 : i32
    return %c0_i32, %c0_i32_0 : i32, i32
  }
  func.func @transform_3(%arg0: i32) -> (i32, i32) {
    %c0_i32 = arith.constant 0 : i32
    %c0_i32_0 = arith.constant 0 : i32
    return %c0_i32, %arg0 : i32, i32
  }
}

</mosaic_0001>

<sc_bundles>
// kernel: kernel.6.cloned.1.call-start
scs
__scs_entry_jumppad:
0x0: {  	(pc) =	sbr.rel $0x88, $3  }
0x1: {  	(tag) =	ssettag $0x0;
	lr =	simm.s32 $0x1  }
0x2: {  	[smem:$0x3F9D] =	sst lr;
	_ =	strace $0xD0000000  }
0x3: {  	_ = 	snop  }
0x4: {  	_ = 	snop  }
0x5: {  	_ = 	snop  }
0x6: {  	_ = 	snop  }
0x7: {  	_ = 	snop  }
__scs_overlays_trampoline_lowered:
0x8: {  	[smem:$0x3FAC] =	sst s0  }
0x9: {  	[smem:$0x3FAD] =	sst s1  }
0xa: {  	[smem:$0x3FAE] =	sst s2  }
0xb: {  	[smem:$0x3FAF] =	sst s3  }
0xc: {  	[smem:$0x3FB0] =	sst s4  }
0xd: {  	[smem:$0x3FB1] =	sst s5  }
0xe: {  	[smem:$0x3FB2] =	sst s6  }
0xf: {  	[smem:$0x3FB3] =	sst s7  }
0x10: {  	[smem:$0x3FB4] =	sst s8  }
0x11: {  	[smem:$0x3FB5] =	sst s9;
	s0 =	simm.s32 @!p0 $0x0  }
0x12: {  	s1 =	sld [smem:$0x3F9B];
	s0 =	simm.s32 @p0 $0x1  }
0x13: {  	[smem:$0x3FB6] =	sst s0;
	s0 =	simm.s32 @!p1 $0x0  }
0x14: {  	s2 =	sld [smem:$0x3F9A];
	s0 =	simm.s32 @p1 $0x1  }
0x15: {  	[smem:$0x3FB7] =	sst s0;
	s0 =	simm.s32 @!p2 $0x0  }
0x16: {  	s3 =	sld [smem:$0x3FDB];
	s0 =	simm.s32 @p2 $0x1  }
0x17: {  	s4 =	simm.s32 $0x1BF5;
	[smem:$0x3FB9] =	sst s0  }
0x18: {  	s0 =	sld [smem:$0x3F9C];
	_ =	swait.ge [sflag:s4], $0x0  }
0x19: {  	s7 =	sld [smem:$0x3F9D]  }
0x1a: {  	s8 =	sadd.s32 $0xFFFFE003, lr  }
0x1b: {  	s9 =	sadd.s32 $0xFFFFFEF7, lr;
	s5 =	simm.s32 $0xFFFFFFFF;
	p2 =	slt.u32 s8, $0xFFFFF086  }
0x1c: {  	p1 =	slt.u32 s9, $0xF7A;
	s5 =	simm.s32 @!p2 $0x0  }
0x1d: {  	s5 =	simm.s32 @p1 $0x1;
	p0 =	seq.s32 s7, s2  }
0x1e: {  	s7 =	smul.u32 @!p0 $0xF7A, s2;
	p2 =	seq.s32 @!p0 s5, $0x0  }
0x1f: {  	s9 =	smul.u32 $0xF7A, s1;
	s8 =	simm.s32 @!p0 $0x1BF5;
	p2 =	por !p2, p0  }
0x20: {  	[sflag:s8] =	ssyncset.s32 @!p0 $0xFFFFF086;
	s6 =	sadd.s32 @!p0 s3, s7;
	s7 =	simm.s32 @!p0 $0x108  }
0x21: {  	s3 =	sadd.s32 s3, s9;
	s6 =	sadd.s32 @!p0 $0x88, s6;
	s7 =	simm.s32 @p2 $0x1082  }
0x22: {  	[simem:s7], [sflag:s8] =	dma.local @!p0 [hbm:s6], $0xF7A  }
0x23: {  	s9 =	sor.u32 $0xD0000000, s2;
	s6 =	simm.s32 $0x108;
	_ =	swait.ge @!p0 [sflag:s8], $0x0  }
0x24: {  	s3 =	sadd.s32 $0x88, s3;
	s6 =	simm.s32 @!p1 $0x1082;
	[sflag:s4] =	ssyncset.s32 $0xFFFFF086  }
0x25: {  	[simem:s6], [sflag:s4] =	dma.local [hbm:s3], $0xF7A  }
0x26: {  	[smem:$0x3F9D] =	sst s1;
	(tag) =	ssettag s2;
	_ =	strace s9  }
0x27: {  	s1 =	sld [smem:$0x3FAD]  }
0x28: {  	s2 =	sld [smem:$0x3FAE]  }
0x29: {  	s4 =	sld [smem:$0x3FB0]  }
0x2a: {  	p0 =	seq.s32 s5, $0x0;
	s5 =	sld [smem:$0x3FB1]  }
0x2b: {  	s6 =	sld [smem:$0x3FB2]  }
0x2c: {  	s7 =	sld [smem:$0x3FB3]  }
0x2d: {  	s3 =	simm.s32 $0x108;
	s8 =	sld [smem:$0x3FB4]  }
0x2e: {  	s3 =	simm.s32 @!p0 $0x1082;
	s9 =	sld [smem:$0x3FB5]  }
0x2f: {  	lr =	sadd.s32 s0, s3;
	s0 =	sld [smem:$0x3FAC]  }
0x30: {  	s3 =	sld [smem:$0x3FAF]  }
0x31: {  	[smem:$0x3FB8] =	sst s10  }
0x32: {  	s10 =	sld [smem:$0x3FB6];
	_ =	sdelay $0x3  }
0x33: {  	p0 =	seq.s32 s10, $0x1;
	s10 =	sld [smem:$0x3FB8];
	_ =	sdelay $0x3  }
0x34: {  	[smem:$0x3FB8] =	sst s10  }
0x35: {  	s10 =	sld [smem:$0x3FB7];
	_ =	sdelay $0x3  }
0x36: {  	p1 =	seq.s32 s10, $0x1;
	s10 =	sld [smem:$0x3FB8];
	_ =	sdelay $0x3  }
0x37: {  	[smem:$0x3FB8] =	sst s10  }
0x38: {  	s10 =	sld [smem:$0x3FB9]  }
0x39: {  	_ = 	snop;
	(pc) =	sbr.ind lr, $3  }
0x3a: {  	_ = 	snop  }
0x3b: {  	_ = 	snop  }
0x3c: {  	p2 =	seq.s32 s10, $0x1;
	s10 =	sld [smem:$0x3FB8]  }
0x3d: {  	_ =	shalt  }
0x3e: {  	_ =	shalt  }
0x3f: {  	_ =	shalt  }
0x40: {  	_ =	shalt  }
0x41: {  	_ =	shalt  }
0x42: {  	_ =	shalt  }
0x43: {  	_ =	shalt  }
0x44: {  	_ =	shalt  }
0x45: {  	_ =	shalt  }
0x46: {  	_ =	shalt  }
0x47: {  	_ =	shalt  }
0x48: {  	_ =	shalt  }
0x49: {  	_ =	shalt  }
0x4a: {  	_ =	shalt  }
0x4b: {  	_ =	shalt  }
0x4c: {  	_ =	shalt  }
0x4d: {  	_ =	shalt  }
0x4e: {  	_ =	shalt  }
0x4f: {  	_ =	shalt  }
0x50: {  	_ =	shalt  }
0x51: {  	_ =	shalt  }
0x52: {  	_ =	shalt  }
0x53: {  	_ =	shalt  }
0x54: {  	_ =	shalt  }
0x55: {  	_ =	shalt  }
0x56: {  	_ =	shalt  }
0x57: {  	_ =	shalt  }
0x58: {  	_ =	shalt  }
0x59: {  	_ =	shalt  }
0x5a: {  	_ =	shalt  }
0x5b: {  	_ =	shalt  }
0x5c: {  	_ =	shalt  }
0x5d: {  	_ =	shalt  }
0x5e: {  	_ =	shalt  }
0x5f: {  	_ =	shalt  }
0x60: {  	_ =	shalt  }
0x61: {  	_ =	shalt  }
0x62: {  	_ =	shalt  }
0x63: {  	_ =	shalt  }
0x64: {  	_ =	shalt  }
0x65: {  	_ =	shalt  }
0x66: {  	_ =	shalt  }
0x67: {  	_ =	shalt  }
0x68: {  	_ =	shalt  }
0x69: {  	_ =	shalt  }
0x6a: {  	_ =	shalt  }
0x6b: {  	_ =	shalt  }
0x6c: {  	_ =	shalt  }
0x6d: {  	_ =	shalt  }
0x6e: {  	_ =	shalt  }
0x6f: {  	_ =	shalt  }
0x70: {  	_ =	shalt  }
0x71: {  	_ =	shalt  }
0x72: {  	_ =	shalt  }
0x73: {  	_ =	shalt  }
0x74: {  	_ =	shalt  }
0x75: {  	_ =	shalt  }
0x76: {  	_ =	shalt  }
0x77: {  	_ =	shalt  }
0x78: {  	_ =	shalt  }
0x79: {  	_ =	shalt  }
0x7a: {  	_ =	shalt  }
0x7b: {  	_ =	shalt  }
0x7c: {  	_ =	shalt  }
0x7d: {  	_ =	shalt  }
0x7e: {  	_ =	shalt  }
0x7f: {  	_ =	shalt  }
0x80: {  	_ =	shalt  }
0x81: {  	_ =	shalt  }
0x82: {  	_ =	shalt  }
0x83: {  	_ =	shalt  }
0x84: {  	_ =	shalt  }
0x85: {  	_ =	shalt  }
0x86: {  	_ =	shalt  }
0x87: {  	_ =	shalt  }
.Lfunc_end0:
.L_simem_size_0:
called_computation_lowered:
.L_overlay_start_0:
0x88: {  	s2 =	sld [smem:$0x3FD9]  }
0x89: {  	s3 =	sld [smem:$0x3FFE];
	_ =	sdelay $0x1  }
0x8a: {  	s1 =	srdreg.scid  }
0x8b: {  	s0 =	sand.u32 $0x1, s1  }
0x8c: {  	s17 =	sshll.u32 s0, $0xA;
	s2 =	sadd.s32 s3, s2  }
0x8d: {  	s2 =	sadd.s32 s2, s17  }
0x8e: {  	[smem:$0x3FC4] =	sst s2  }
0x8f: {  	_ = 	snop  }
0x90: {  	s2 =	sld [smem:$0x3FD0];
	(tm) =	ssettm $0x1  }
0x91: {  	s18 =	sld [smem:$0x3FFB];
	_ =	sdelay $0x3  }
0x92: {  	_ =	strace s18  }
0x93: {  	s3 =	sld [smem:$0x3FFC];
	_ =	sdelay $0x3  }
0x94: {  	_ =	strace s3  }
0x95: {  	s3 =	sld [smem:$0x3FFD];
	_ =	sdelay $0x3  }
0x96: {  	_ =	strace s3  }
0x97: {  	_ =	strace $0x8FFFFFFF  }
0x98: {  	s19 =	sld [smem:$0x3FDB];
	_ =	sdelay $0x1  }
0x99: {  	s4 =	simm.s32 $_scs_section_size  }
0x9a: {  	s5 =	simm.s32 $_size__tile_overlayer_lowered;
	s6 =	simm.s32 $_tile_overlayer_lowered  }
0x9b: {  	s22 =	simm.s32 $0x1BFF;
	s21 =	sshll.u32 s6, $0x1;
	s3 =	sadd.s32 s4, s19  }
0x9c: {  	s7 =	simm.s32 $0x0;
	s20 =	sshll.u32 s5, $0x1;
	s5 =	sadd.s32 s21, s3  }
0x9d: {  	[timem:s7], [sflag:s22] =	dma.local [hbm:s5], s20  }
0x9e: {  	_ =	swait.ge [sflag:s22], s20  }
0x9f: {  	s4 =	ssub.s32 $0x0, s20;
	[sflag:s22] =	ssyncset.done $0x0  }
0xa0: {  	[sflag:s22] =	ssyncadd.s32 s4;
	_ =	sdelay $0x1  }
0xa1: {  	s23 =	simm.s32 $0x1B8B  }
0xa2: {  	_ =	swait.ge [sflag:s23], $0x1  }
0xa3: {  	[sflag:s23] =	ssyncset.done $0x0  }
0xa4: {  	s25 =	simm.s32 $0x1B8E;
	s24 =	sld [smem:$0x3FFE];
	[sflag:s23] =	ssyncadd.s32 $0xFFFFFFFF  }
0xa5: {  	s26 =	simm.s32 $execute0_lowered;
	[smem:$0x3FD2] =	sst s25  }
0xa6: {  	s5 =	sshll.u32 s26, $0x1;
	_ =	strace $0x80000046;
	[dreg:$0x1] =	wrdreg $0xFFFFFFFF  }
0xa7: {  	s28 =	simm.s32 $_size_execute0_lowered;
	s3 =	sadd.s32 s3, s5;
	[dreg:$0x0] =	wrdreg $0x0  }
0xa8: {  	s5 =	sshll.u32 s28, $0x1;
	[dreg:$0x2] =	wrdreg s3  }
0xa9: {  	[dreg:$0x3] =	wrdreg s5  }
0xaa: {  	[dreg:$0x4] =	wrdreg $0xC0  }
0xab: {  	_ =	task [dreg:s7], $0x5FFFF  }
0xac: {  	[dreg:$0x1] =	wrdreg $0xFFFFFFFF  }
0xad: {  	[dreg:$0x0] =	wrdreg $0x60  }
0xae: {  	[dreg:$0x2] =	wrdreg s2  }
0xaf: {  	[dreg:$0x3] =	wrdreg s24  }
0xb0: {  	[dreg:$0x4] =	wrdreg $0x9  }
0xb1: {  	_ =	task.clear_ibuf [dreg:s7], $0x5FFFF;
	_ =	strace $0x90000046  }
0xb2: {  	s29 =	simm.s32 $0x9;
	_ =	strace $0x80000048  }
0xb3: {  	_ =	swait.ge [sflag:s29], $0x1  }
0xb4: {  	[sflag:s29] =	ssyncadd.s32 $0xFFFFFFFF  }
0xb5: {  	_ =	strace $0x90000048  }
0xb6: {  	_ =	sfence  }
0xb7: {  	s30 =	sld [smem:$0x0];
	_ =	sdelay $0x2  }
0xb8: {  	s31 =	sshll.u32 s1, $0xD;
	s1 =	sshrl.u32 s1, $0x2  }
0xb9: {  	s3 =	sand.u32 $0x4000, s31;
	s1 =	sadd.s32 s1, s30  }
0xba: {  	s0 =	sor.u32 s3, s0;
	s1 =	sshll.u32 s1, $0x11  }
0xbb: {  	s0 =	sor.u32 s1, s0  }
0xbc: {  	s0 =	sadd.s32 $0x8F2B, s0  }
0xbd: {  	[sflag:s0] =	ssyncadd.remote.s32 $0x1  }
0xbe: {  	_ =	sfence.sel $0xFFFF  }
0xbf: {  	[dreg:$0x0] =	wrdreg $0xFFFFFFFF;
	(pc) =	sbr.abs _section_cstart, $3  }
0xc0: {  	[dreg:$0x1] =	wrdreg $0xFFFFFFFF  }
0xc1: {  	_ =	task.clear_ibuf [dreg:s7], $0x2FFFF;
	_ =	strace $0x9FFFFFFF  }
0xc2: {  	(tm) =	ssettm $0x7FFFFFFF  }
0xc3: {  	_ =	shalt  }
tec
execute0_lowered:
.L_overlay_start_1:
0x0: {  	(tag) =	ssettag $0x1  }
0x1: {  	s0 =	rddreg [dreg:$0x0]  }
0x2: {  	s1 =	rddreg [dreg:$0x1];
	s2 =	simm.s32 $0x0;
	s3 =	srdreg.scid  }
0x3: {  	s4 =	stileid.u32;
	s7 =	simm.s32 $0x9;
	s8 =	simm.s32 $0x64  }
0x4: {  	s15 =	simm.s32 $0xB300;
	s16 =	simm.s32 $0x1A0;
	s17 =	simm.s32 $0xCC00  }
0x5: {  	s18 =	simm.s32 $0x208;
	s19 =	simm.s32 $0xE500;
	s20 =	simm.s32 $0x270  }
0x6: {  	s21 =	simm.s32 $0xFE00;
	s22 =	simm.s32 $0x1;
	s23 =	simm.s32 $0x11700  }
0x7: {  	s24 =	simm.s32 $0x2;
	s25 =	simm.s32 $0x3;
	s28 =	simm.s32 $0x5  }
0x8: {  	s29 =	simm.s32 $0x6;
	s30 =	simm.s32 $0x7;
	s31 =	simm.s32 $0x8  }
0x9: {  	[smem:$0x7FF] =	sst s2;
	s3 =	sand.u32 $0x1, s3;
	s4 =	sshll.u32 s4, $0x1  }
0xa: {  	_ =	strace $0x80000047;
	s4 =	sor.u32 s3, s4;
	s6 =	ssub.s32 $0x2, s3  }
0xb: {  	s5 =	sshll.u32 s4, $0xA;
	s4 =	smul.u32 $0xD00, s4;
	s26 =	sshrl.u32 s6, $0x1  }
0xc: {  	s3 =	sadd.s32 $0x800, s1;
	s1 =	sadd.s32 s5, s1;
	s6 =	ssub.s32 s6, s26  }
0xd: {  	s26 =	simm.s32 $0x4;
	s4 =	sadd.s32 s0, s4;
	s5 =	sadd.s32 $0x7A1A00, s1  }
0xe: {  	s6 =	smax.u32 s6, $0x1;
	s0 =	simm.s32 $0x13000;
	s1 =	simm.s32 $0x0  }
.LBB2_1:
0xf: {  	[tilespmem:s2], [sflag:$0x9] =	stream.linear.gather [hbm4b:s4+s2], $0x6800, $0x38;
	[tilespmem:$0x15000] =	vst v63  }
0x10: {  	_ =	swait.ge [sflag:s7], $0x6800  }
0x11: {  	[sflag:s7] =	ssyncset.done $0x0  }
0x12: {  	s9 =	simm.s32 $0x6800;
	[sflag:s7] =	ssyncadd.s32 $0xFFFF9800  }
0x13: {  	[tilespmem:s9], [sflag:$0x1] =	stream.indirect.gather [hbm4b:s3+s8], $0x40, s2, s8, $0xb8;
	[tilespmem:$0x15000] =	vst v63  }
0x14: {  	s11 =	simm.s32 $0x68;
	s10 =	simm.s32 $0x8100  }
0x15: {  	[tilespmem:s10], [sflag:$0x2] =	stream.indirect.gather [hbm4b:s3+s8], $0x40, s11, s8, $0xb8;
	[tilespmem:$0x15000] =	vst v63  }
0x16: {  	s12 =	simm.s32 $0xD0;
	s13 =	simm.s32 $0x9A00  }
0x17: {  	[tilespmem:s13], [sflag:$0x3] =	stream.indirect.gather [hbm4b:s3+s8], $0x40, s12, s8, $0xb8;
	[tilespmem:$0x15000] =	vst v63  }
0x18: {  	s14 =	simm.s32 $0x138  }
0x19: {  	[tilespmem:s15], [sflag:$0x4] =	stream.indirect.gather [hbm4b:s3+s8], $0x40, s14, s8, $0xb8;
	[tilespmem:$0x15000] =	vst v63  }
0x1a: {  	_ = 	snop  }
0x1b: {  	[tilespmem:s17], [sflag:$0x5] =	stream.indirect.gather [hbm4b:s3+s8], $0x40, s16, s8, $0xb8;
	[tilespmem:$0x15000] =	vst v63  }
0x1c: {  	_ = 	snop  }
0x1d: {  	[tilespmem:s19], [sflag:$0x6] =	stream.indirect.gather [hbm4b:s3+s8], $0x40, s18, s8, $0xb8;
	[tilespmem:$0x15000] =	vst v63  }
0x1e: {  	s9 =	simm.s32 $0x0  }
0x1f: {  	[tilespmem:s21], [sflag:$0x7] =	stream.indirect.gather [hbm4b:s3+s8], $0x40, s20, s8, $0xb8;
	[tilespmem:$0x15000] =	vst v63  }
.LBB2_2:
0x20: {  	s10 =	smul.u32 $0xD00, s9  }
0x21: {  	_ =	swait.ge [sflag:s22], $0x1900  }
0x22: {  	[sflag:s22] =	ssyncset.done $0x0;
	s10 =	sshra.s32 s10, $0x2  }
0x23: {  	s12 =	simm.s32 $0x6880;
	[sflag:s22] =	ssyncadd.s32 $0xFFFFE700;
	s11 =	sadd.s32 $0x2D8, s10  }
0x24: {  	[tilespmem:s23], [sflag:$0x8] =	stream.indirect.gather [hbm4b:s3+s8], $0x40, s11, s8, $0xb8;
	[tilespmem:$0x15000] =	vst v63  }
0x25: {  	v0 =	vld [tilespmem:s12+$0x40]  }
0x26: {  	v1 =	vld [tilespmem:s12+$0x50]  }
0x27: {  	v2 =	vld [tilespmem:s12+$0x0]  }
0x28: {  	v3 =	vld [tilespmem:s12+$0x10]  }
0x29: {  	v4 =	vld [tilespmem:s12+$0xFFFFFFC0]  }
0x2a: {  	v5 =	vld [tilespmem:s12+$0xFFFFFFD0]  }
0x2b: {  	v6 =	vld [tilespmem:s12+$0xFFFFFF80]  }
0x2c: {  	v7 =	vld [tilespmem:s12+$0xFFFFFF90]  }
0x2d: {  	v9 =	vld [tilespmem:s12+$0xFFFFFFA0]  }
0x2e: {  	v12 =	vld [tilespmem:s12+$0xFFFFFFB0]  }
0x2f: {  	v11 =	vld [tilespmem:s12+$0xFFFFFFE0]  }
0x30: {  	v13 =	vld [tilespmem:s12+$0xFFFFFFF0]  }
0x31: {  	v15 =	vimm.f32 $0.0e+00;
	v8 =	vld [tilespmem:s12+$0x20]  }
0x32: {  	v10 =	vld [tilespmem:s12+$0x30];
	v6 =	vadd.f32 v6, v15;
	v7 =	vadd.f32 v7, v15  }
0x33: {  	v14 =	vadd.f32 v9, v15;
	v15 =	vadd.f32 v12, v15;
	v9 =	vld [tilespmem:s12+$0x60]  }
0x34: {  	s11 =	simm.s32 $0x0;
	v12 =	vld [tilespmem:s12+$0x70];
	s12 =	simm.s32 $0x6980;
	v16 =	vadd.f32 v4, v6;
	v17 =	vadd.f32 v5, v7  }
.LBB2_3:
0x35: {  	v4 =	vld [tilespmem:s12+$0x40];
	v5 =	vadd.f32 v11, v14;
	v6 =	vadd.f32 v13, v15  }
0x36: {  	v7 =	vld [tilespmem:s12+$0x50];
	v11 =	vadd.f32 v2, v16;
	v13 =	vadd.f32 v3, v17  }
0x37: {  	v2 =	vld [tilespmem:s12+$0x0];
	v5 =	vadd.f32 v8, v5;
	v6 =	vadd.f32 v10, v6  }
0x38: {  	v3 =	vld [tilespmem:s12+$0x10];
	v10 =	vadd.f32 v0, v11;
	v14 =	vadd.f32 v1, v13  }
0x39: {  	v16 =	vld [tilespmem:s12+$0xFFFFFFC0];
	v5 =	vadd.f32 v9, v5;
	v6 =	vadd.f32 v12, v6  }
0x3a: {  	v12 =	vld [tilespmem:s12+$0xFFFFFFD0];
	v0 =	vmov v4  }
0x3b: {  	v4 =	vld [tilespmem:s12+$0xFFFFFF80];
	v1 =	vmov v7  }
0x3c: {  	v7 =	vld [tilespmem:s12+$0xFFFFFF90]  }
0x3d: {  	v9 =	vld [tilespmem:s12+$0xFFFFFFA0]  }
0x3e: {  	s11 =	sadd.s32 $0x4, s11;
	v15 =	vld [tilespmem:s12+$0xFFFFFFB0]  }
0x3f: {  	p0 =	slt.u32 s11, $0x60;
	v11 =	vld [tilespmem:s12+$0xFFFFFFE0]  }
.Ltmp0:
0x40: {  	v13 =	vld [tilespmem:s12+$0xFFFFFFF0];
	(pc) =	sbr.rel @p0 .LBB2_3-.Ltmp0, $4  }
0x41: {  	v8 =	vld [tilespmem:s12+$0x20]  }
0x42: {  	v4 =	vadd.f32 v4, v10;
	v7 =	vadd.f32 v7, v14;
	v10 =	vld [tilespmem:s12+$0x30]  }
0x43: {  	v14 =	vadd.f32 v9, v5;
	v15 =	vadd.f32 v15, v6;
	v9 =	vld [tilespmem:s12+$0x60]  }
0x44: {  	v16 =	vadd.f32 v16, v4;
	v17 =	vadd.f32 v12, v7;
	v12 =	vld [tilespmem:s12+$0x70];
	s12 =	sadd.s32 $0x100, s12  }
0x45: {  	_ =	swait.ge [sflag:s24], $0x1900;
	p0 =	seq.s32 s9, $0x1F  }
0x46: {  	s14 =	simm.s32 $0x8180;
	[sflag:s24] =	ssyncset.done $0x0;
	s11 =	sadd.s32 @!p0 $0x340, s10  }
0x47: {  	s12 =	simm.s32 @!p0 $0x64;
	s13 =	simm.s32 @!p0 $0x6800;
	[sflag:s24] =	ssyncadd.s32 $0xFFFFE700  }
0x48: {  	[tilespmem:s13], [sflag:$0x1] =	stream.indirect.gather @!p0 [hbm4b:s3+s12], $0x40, s11, s12, $0xb8;
	[tilespmem:$0x15000] =	vst v63  }
0x49: {  	v4 =	vld [tilespmem:s14+$0x40]  }
0x4a: {  	v5 =	vld [tilespmem:s14+$0x50]  }
0x4b: {  	v6 =	vld [tilespmem:s14+$0x0]  }
0x4c: {  	v7 =	vld [tilespmem:s14+$0x10]  }
0x4d: {  	v18 =	vld [tilespmem:s14+$0xFFFFFFC0]  }
0x4e: {  	v19 =	vld [tilespmem:s14+$0xFFFFFFD0]  }
0x4f: {  	v20 =	vld [tilespmem:s14+$0xFFFFFF80]  }
0x50: {  	v21 =	vld [tilespmem:s14+$0xFFFFFF90]  }
0x51: {  	v11 =	vadd.f32 v11, v14;
	v13 =	vadd.f32 v13, v15;
	v14 =	vld [tilespmem:s14+$0xFFFFFFA0]  }
0x52: {  	v15 =	vadd.f32 v2, v16;
	v3 =	vadd.f32 v3, v17;
	v63 =	vld [tilespmem:s14+$0xFFFFFFB0]  }
0x53: {  	v11 =	vadd.f32 v8, v11;
	v10 =	vadd.f32 v10, v13;
	v2 =	vld [tilespmem:s14+$0xFFFFFFE0]  }
0x54: {  	v13 =	vadd.f32 v0, v15;
	v1 =	vadd.f32 v1, v3;
	v8 =	vld [tilespmem:s14+$0xFFFFFFF0]  }
0x55: {  	v9 =	vadd.f32 v9, v11;
	v10 =	vadd.f32 v12, v10;
	v0 =	vld [tilespmem:s14+$0x20]  }
0x56: {  	v3 =	vld [tilespmem:s14+$0x30];
	v12 =	vadd.f32 v20, v13;
	v15 =	vadd.f32 v21, v1  }
0x57: {  	v11 =	vadd.f32 v14, v9;
	v10 =	vadd.f32 v63, v10;
	v1 =	vld [tilespmem:s14+$0x60]  }
0x58: {  	s11 =	simm.s32 $0x0;
	s12 =	simm.s32 $0x8280;
	v9 =	vld [tilespmem:s14+$0x70];
	v13 =	vadd.f32 v18, v12;
	v12 =	vadd.f32 v19, v15  }
.LBB2_5:
0x59: {  	v14 =	vld [tilespmem:s12+$0x40];
	v2 =	vadd.f32 v2, v11;
	v8 =	vadd.f32 v8, v10  }
0x5a: {  	v10 =	vld [tilespmem:s12+$0x50];
	v11 =	vadd.f32 v6, v13;
	v12 =	vadd.f32 v7, v12  }
0x5b: {  	v6 =	vld [tilespmem:s12+$0x0];
	v0 =	vadd.f32 v0, v2;
	v2 =	vadd.f32 v3, v8  }
0x5c: {  	v7 =	vld [tilespmem:s12+$0x10];
	v3 =	vadd.f32 v4, v11;
	v11 =	vadd.f32 v5, v12  }
0x5d: {  	v12 =	vld [tilespmem:s12+$0xFFFFFFC0];
	v1 =	vadd.f32 v1, v0;
	v9 =	vadd.f32 v9, v2  }
0x5e: {  	v15 =	vld [tilespmem:s12+$0xFFFFFFD0];
	v4 =	vmov v14  }
0x5f: {  	v13 =	vld [tilespmem:s12+$0xFFFFFF80];
	v5 =	vmov v10  }
0x60: {  	v10 =	vld [tilespmem:s12+$0xFFFFFF90]  }
0x61: {  	v14 =	vld [tilespmem:s12+$0xFFFFFFA0]  }
0x62: {  	s11 =	sadd.s32 $0x4, s11;
	v16 =	vld [tilespmem:s12+$0xFFFFFFB0]  }
0x63: {  	p1 =	slt.u32 s11, $0x60;
	v2 =	vld [tilespmem:s12+$0xFFFFFFE0]  }
.Ltmp1:
0x64: {  	v8 =	vld [tilespmem:s12+$0xFFFFFFF0];
	(pc) =	sbr.rel @p1 .LBB2_5-.Ltmp1, $4  }
0x65: {  	v0 =	vld [tilespmem:s12+$0x20]  }
0x66: {  	v13 =	vadd.f32 v13, v3;
	v17 =	vadd.f32 v10, v11;
	v3 =	vld [tilespmem:s12+$0x30]  }
0x67: {  	v11 =	vadd.f32 v14, v1;
	v10 =	vadd.f32 v16, v9;
	v1 =	vld [tilespmem:s12+$0x60]  }
0x68: {  	v13 =	vadd.f32 v12, v13;
	v12 =	vadd.f32 v15, v17;
	v9 =	vld [tilespmem:s12+$0x70];
	s12 =	sadd.s32 $0x100, s12  }
0x69: {  	_ = 	snop  }
0x6a: {  	v2 =	vadd.f32 v2, v11;
	v6 =	vadd.f32 v6, v13  }
0x6b: {  	v8 =	vadd.f32 v8, v10;
	v7 =	vadd.f32 v7, v12  }
0x6c: {  	s11 =	sshll.u32 s9, $0x8;
	v0 =	vadd.f32 v0, v2;
	v2 =	vadd.f32 v4, v6  }
0x6d: {  	s11 =	sand.u32 $0x3FFFFF00, s11;
	v3 =	vadd.f32 v3, v8;
	v4 =	vadd.f32 v5, v7  }
0x6e: {  	v0 =	vadd.f32 v1, v0;
	[tilespmem:s11+$0x13000] =	vst v2  }
0x6f: {  	v1 =	vadd.f32 v9, v3;
	[tilespmem:s11+$0x13010] =	vst v4  }
0x70: {  	[tilespmem:s11+$0x13020] =	vst v0  }
0x71: {  	[tilespmem:s11+$0x13030] =	vst v1  }
0x72: {  	_ =	swait.ge [sflag:s25], $0x1900  }
0x73: {  	s12 =	sadd.s32 @!p0 $0x3A8, s10;
	[sflag:s25] =	ssyncset.done $0x0  }
0x74: {  	s13 =	simm.s32 @!p0 $0x64;
	s14 =	simm.s32 @!p0 $0x8100;
	[sflag:s25] =	ssyncadd.s32 $0xFFFFE700  }
0x75: {  	[tilespmem:s14], [sflag:$0x2] =	stream.indirect.gather @!p0 [hbm4b:s3+s13], $0x40, s12, s13, $0xb8;
	[tilespmem:$0x15000] =	vst v63  }
0x76: {  	s14 =	simm.s32 $0x9A80  }
0x77: {  	v0 =	vld [tilespmem:s14+$0x40]  }
0x78: {  	v1 =	vld [tilespmem:s14+$0x50]  }
0x79: {  	v2 =	vld [tilespmem:s14+$0x0]  }
0x7a: {  	v3 =	vld [tilespmem:s14+$0x10]  }
0x7b: {  	v4 =	vld [tilespmem:s14+$0xFFFFFFC0]  }
0x7c: {  	v5 =	vld [tilespmem:s14+$0xFFFFFFD0]  }
0x7d: {  	v6 =	vld [tilespmem:s14+$0xFFFFFF80]  }
0x7e: {  	v7 =	vld [tilespmem:s14+$0xFFFFFF90]  }
0x7f: {  	v9 =	vld [tilespmem:s14+$0xFFFFFFA0]  }
0x80: {  	v12 =	vld [tilespmem:s14+$0xFFFFFFB0]  }
0x81: {  	v11 =	vld [tilespmem:s14+$0xFFFFFFE0]  }
0x82: {  	v13 =	vld [tilespmem:s14+$0xFFFFFFF0]  }
0x83: {  	v15 =	vimm.f32 $0.0e+00;
	v8 =	vld [tilespmem:s14+$0x20]  }
0x84: {  	v10 =	vld [tilespmem:s14+$0x30];
	v6 =	vadd.f32 v6, v15;
	v7 =	vadd.f32 v7, v15  }
0x85: {  	v14 =	vadd.f32 v9, v15;
	v15 =	vadd.f32 v12, v15;
	v9 =	vld [tilespmem:s14+$0x60]  }
0x86: {  	s12 =	simm.s32 $0x0;
	s13 =	simm.s32 $0x9B80;
	v12 =	vld [tilespmem:s14+$0x70];
	v16 =	vadd.f32 v4, v6;
	v17 =	vadd.f32 v5, v7  }
.LBB2_7:
0x87: {  	v4 =	vld [tilespmem:s13+$0x40];
	v5 =	vadd.f32 v11, v14;
	v6 =	vadd.f32 v13, v15  }
0x88: {  	v7 =	vld [tilespmem:s13+$0x50];
	v11 =	vadd.f32 v2, v16;
	v13 =	vadd.f32 v3, v17  }
0x89: {  	v2 =	vld [tilespmem:s13+$0x0];
	v5 =	vadd.f32 v8, v5;
	v6 =	vadd.f32 v10, v6  }
0x8a: {  	v3 =	vld [tilespmem:s13+$0x10];
	v10 =	vadd.f32 v0, v11;
	v14 =	vadd.f32 v1, v13  }
0x8b: {  	v16 =	vld [tilespmem:s13+$0xFFFFFFC0];
	v5 =	vadd.f32 v9, v5;
	v6 =	vadd.f32 v12, v6  }
0x8c: {  	v12 =	vld [tilespmem:s13+$0xFFFFFFD0];
	v0 =	vmov v4  }
0x8d: {  	v4 =	vld [tilespmem:s13+$0xFFFFFF80];
	v1 =	vmov v7  }
0x8e: {  	v7 =	vld [tilespmem:s13+$0xFFFFFF90]  }
0x8f: {  	v9 =	vld [tilespmem:s13+$0xFFFFFFA0]  }
0x90: {  	s12 =	sadd.s32 $0x4, s12;
	v15 =	vld [tilespmem:s13+$0xFFFFFFB0]  }
0x91: {  	p1 =	slt.u32 s12, $0x60;
	v11 =	vld [tilespmem:s13+$0xFFFFFFE0]  }
.Ltmp2:
0x92: {  	v13 =	vld [tilespmem:s13+$0xFFFFFFF0];
	(pc) =	sbr.rel @p1 .LBB2_7-.Ltmp2, $4  }
0x93: {  	v8 =	vld [tilespmem:s13+$0x20]  }
0x94: {  	v4 =	vadd.f32 v4, v10;
	v7 =	vadd.f32 v7, v14;
	v10 =	vld [tilespmem:s13+$0x30]  }
0x95: {  	v14 =	vadd.f32 v9, v5;
	v15 =	vadd.f32 v15, v6;
	v9 =	vld [tilespmem:s13+$0x60]  }
0x96: {  	v16 =	vadd.f32 v16, v4;
	v17 =	vadd.f32 v12, v7;
	v12 =	vld [tilespmem:s13+$0x70];
	s13 =	sadd.s32 $0x100, s13  }
0x97: {  	_ =	swait.ge [sflag:s26], $0x1900  }
0x98: {  	s12 =	sadd.s32 @!p0 $0x410, s10;
	[sflag:s26] =	ssyncset.done $0x0  }
0x99: {  	s13 =	simm.s32 @!p0 $0x64;
	s14 =	simm.s32 @!p0 $0x9A00;
	[sflag:s26] =	ssyncadd.s32 $0xFFFFE700  }
0x9a: {  	[tilespmem:s14], [sflag:$0x3] =	stream.indirect.gather @!p0 [hbm4b:s3+s13], $0x40, s12, s13, $0xb8;
	[tilespmem:$0x15000] =	vst v63  }
0x9b: {  	s14 =	simm.s32 $0xB380  }
0x9c: {  	v4 =	vld [tilespmem:s14+$0x40]  }
0x9d: {  	v5 =	vld [tilespmem:s14+$0x50]  }
0x9e: {  	v6 =	vld [tilespmem:s14+$0x0]  }
0x9f: {  	v7 =	vld [tilespmem:s14+$0x10]  }
0xa0: {  	v18 =	vld [tilespmem:s14+$0xFFFFFFC0]  }
0xa1: {  	v19 =	vld [tilespmem:s14+$0xFFFFFFD0]  }
0xa2: {  	v20 =	vld [tilespmem:s14+$0xFFFFFF80]  }
0xa3: {  	v21 =	vld [tilespmem:s14+$0xFFFFFF90]  }
0xa4: {  	v11 =	vadd.f32 v11, v14;
	v13 =	vadd.f32 v13, v15;
	v14 =	vld [tilespmem:s14+$0xFFFFFFA0]  }
0xa5: {  	v15 =	vadd.f32 v2, v16;
	v3 =	vadd.f32 v3, v17;
	v63 =	vld [tilespmem:s14+$0xFFFFFFB0]  }
0xa6: {  	v8 =	vadd.f32 v8, v11;
	v10 =	vadd.f32 v10, v13;
	v2 =	vld [tilespmem:s14+$0xFFFFFFE0]  }
0xa7: {  	v11 =	vadd.f32 v0, v15;
	v1 =	vadd.f32 v1, v3;
	v3 =	vld [tilespmem:s14+$0xFFFFFFF0]  }
0xa8: {  	v9 =	vadd.f32 v9, v8;
	v10 =	vadd.f32 v12, v10;
	v0 =	vld [tilespmem:s14+$0x20]  }
0xa9: {  	v8 =	vld [tilespmem:s14+$0x30];
	v12 =	vadd.f32 v20, v11;
	v15 =	vadd.f32 v21, v1  }
0xaa: {  	v11 =	vadd.f32 v14, v9;
	v10 =	vadd.f32 v63, v10;
	v1 =	vld [tilespmem:s14+$0x60]  }
0xab: {  	s12 =	simm.s32 $0x0;
	s13 =	simm.s32 $0xB480;
	v9 =	vld [tilespmem:s14+$0x70];
	v13 =	vadd.f32 v18, v12;
	v12 =	vadd.f32 v19, v15  }
.LBB2_9:
0xac: {  	v14 =	vld [tilespmem:s13+$0x40];
	v2 =	vadd.f32 v2, v11;
	v3 =	vadd.f32 v3, v10  }
0xad: {  	v10 =	vld [tilespmem:s13+$0x50];
	v11 =	vadd.f32 v6, v13;
	v12 =	vadd.f32 v7, v12  }
0xae: {  	v6 =	vld [tilespmem:s13+$0x0];
	v0 =	vadd.f32 v0, v2;
	v2 =	vadd.f32 v8, v3  }
0xaf: {  	v7 =	vld [tilespmem:s13+$0x10];
	v8 =	vadd.f32 v4, v11;
	v11 =	vadd.f32 v5, v12  }
0xb0: {  	v12 =	vld [tilespmem:s13+$0xFFFFFFC0];
	v1 =	vadd.f32 v1, v0;
	v9 =	vadd.f32 v9, v2  }
0xb1: {  	v15 =	vld [tilespmem:s13+$0xFFFFFFD0];
	v4 =	vmov v14  }
0xb2: {  	v13 =	vld [tilespmem:s13+$0xFFFFFF80];
	v5 =	vmov v10  }
0xb3: {  	v10 =	vld [tilespmem:s13+$0xFFFFFF90]  }
0xb4: {  	v14 =	vld [tilespmem:s13+$0xFFFFFFA0]  }
0xb5: {  	s12 =	sadd.s32 $0x4, s12;
	v16 =	vld [tilespmem:s13+$0xFFFFFFB0]  }
0xb6: {  	p1 =	slt.u32 s12, $0x60;
	v2 =	vld [tilespmem:s13+$0xFFFFFFE0]  }
.Ltmp3:
0xb7: {  	v3 =	vld [tilespmem:s13+$0xFFFFFFF0];
	(pc) =	sbr.rel @p1 .LBB2_9-.Ltmp3, $4  }
0xb8: {  	v0 =	vld [tilespmem:s13+$0x20]  }
0xb9: {  	v13 =	vadd.f32 v13, v8;
	v17 =	vadd.f32 v10, v11;
	v8 =	vld [tilespmem:s13+$0x30]  }
0xba: {  	v11 =	vadd.f32 v14, v1;
	v10 =	vadd.f32 v16, v9;
	v1 =	vld [tilespmem:s13+$0x60]  }
0xbb: {  	v13 =	vadd.f32 v12, v13;
	v12 =	vadd.f32 v15, v17;
	v9 =	vld [tilespmem:s13+$0x70];
	s13 =	sadd.s32 $0x100, s13  }
0xbc: {  	_ = 	snop  }
0xbd: {  	v2 =	vadd.f32 v2, v11;
	v6 =	vadd.f32 v6, v13  }
0xbe: {  	v3 =	vadd.f32 v3, v10;
	v7 =	vadd.f32 v7, v12  }
0xbf: {  	v0 =	vadd.f32 v0, v2;
	v2 =	vadd.f32 v4, v6  }
0xc0: {  	v3 =	vadd.f32 v8, v3;
	v4 =	vadd.f32 v5, v7  }
0xc1: {  	v0 =	vadd.f32 v1, v0;
	[tilespmem:s11+$0x13040] =	vst v2  }
0xc2: {  	v1 =	vadd.f32 v9, v3;
	[tilespmem:s11+$0x13050] =	vst v4  }
0xc3: {  	[tilespmem:s11+$0x13060] =	vst v0  }
0xc4: {  	[tilespmem:s11+$0x13070] =	vst v1  }
0xc5: {  	_ =	swait.ge [sflag:s28], $0x1900  }
0xc6: {  	s12 =	sadd.s32 @!p0 $0x478, s10;
	[sflag:s28] =	ssyncset.done $0x0  }
0xc7: {  	s13 =	simm.s32 @!p0 $0x64;
	s14 =	simm.s32 @!p0 $0xB300;
	[sflag:s28] =	ssyncadd.s32 $0xFFFFE700  }
0xc8: {  	[tilespmem:s14], [sflag:$0x4] =	stream.indirect.gather @!p0 [hbm4b:s3+s13], $0x40, s12, s13, $0xb8;
	[tilespmem:$0x15000] =	vst v63  }
0xc9: {  	s14 =	simm.s32 $0xCC80  }
0xca: {  	v0 =	vld [tilespmem:s14+$0x40]  }
0xcb: {  	v1 =	vld [tilespmem:s14+$0x50]  }
0xcc: {  	v2 =	vld [tilespmem:s14+$0x0]  }
0xcd: {  	v3 =	vld [tilespmem:s14+$0x10]  }
0xce: {  	v4 =	vld [tilespmem:s14+$0xFFFFFFC0]  }
0xcf: {  	v5 =	vld [tilespmem:s14+$0xFFFFFFD0]  }
0xd0: {  	v6 =	vld [tilespmem:s14+$0xFFFFFF80]  }
0xd1: {  	v7 =	vld [tilespmem:s14+$0xFFFFFF90]  }
0xd2: {  	v9 =	vld [tilespmem:s14+$0xFFFFFFA0]  }
0xd3: {  	v12 =	vld [tilespmem:s14+$0xFFFFFFB0]  }
0xd4: {  	v11 =	vld [tilespmem:s14+$0xFFFFFFE0]  }
0xd5: {  	v13 =	vld [tilespmem:s14+$0xFFFFFFF0]  }
0xd6: {  	v15 =	vimm.f32 $0.0e+00;
	v8 =	vld [tilespmem:s14+$0x20]  }
0xd7: {  	v10 =	vld [tilespmem:s14+$0x30];
	v6 =	vadd.f32 v6, v15;
	v7 =	vadd.f32 v7, v15  }
0xd8: {  	v14 =	vadd.f32 v9, v15;
	v15 =	vadd.f32 v12, v15;
	v9 =	vld [tilespmem:s14+$0x60]  }
0xd9: {  	s12 =	simm.s32 $0x0;
	s13 =	simm.s32 $0xCD80;
	v12 =	vld [tilespmem:s14+$0x70];
	v16 =	vadd.f32 v4, v6;
	v17 =	vadd.f32 v5, v7  }
.LBB2_11:
0xda: {  	v4 =	vld [tilespmem:s13+$0x40];
	v5 =	vadd.f32 v11, v14;
	v6 =	vadd.f32 v13, v15  }
0xdb: {  	v7 =	vld [tilespmem:s13+$0x50];
	v11 =	vadd.f32 v2, v16;
	v13 =	vadd.f32 v3, v17  }
0xdc: {  	v2 =	vld [tilespmem:s13+$0x0];
	v5 =	vadd.f32 v8, v5;
	v6 =	vadd.f32 v10, v6  }
0xdd: {  	v3 =	vld [tilespmem:s13+$0x10];
	v10 =	vadd.f32 v0, v11;
	v14 =	vadd.f32 v1, v13  }
0xde: {  	v16 =	vld [tilespmem:s13+$0xFFFFFFC0];
	v5 =	vadd.f32 v9, v5;
	v6 =	vadd.f32 v12, v6  }
0xdf: {  	v12 =	vld [tilespmem:s13+$0xFFFFFFD0];
	v0 =	vmov v4  }
0xe0: {  	v4 =	vld [tilespmem:s13+$0xFFFFFF80];
	v1 =	vmov v7  }
0xe1: {  	v7 =	vld [tilespmem:s13+$0xFFFFFF90]  }
0xe2: {  	v9 =	vld [tilespmem:s13+$0xFFFFFFA0]  }
0xe3: {  	s12 =	sadd.s32 $0x4, s12;
	v15 =	vld [tilespmem:s13+$0xFFFFFFB0]  }
0xe4: {  	p1 =	slt.u32 s12, $0x60;
	v11 =	vld [tilespmem:s13+$0xFFFFFFE0]  }
.Ltmp4:
0xe5: {  	v13 =	vld [tilespmem:s13+$0xFFFFFFF0];
	(pc) =	sbr.rel @p1 .LBB2_11-.Ltmp4, $4  }
0xe6: {  	v8 =	vld [tilespmem:s13+$0x20]  }
0xe7: {  	v4 =	vadd.f32 v4, v10;
	v7 =	vadd.f32 v7, v14;
	v10 =	vld [tilespmem:s13+$0x30]  }
0xe8: {  	v14 =	vadd.f32 v9, v5;
	v15 =	vadd.f32 v15, v6;
	v9 =	vld [tilespmem:s13+$0x60]  }
0xe9: {  	v16 =	vadd.f32 v16, v4;
	v17 =	vadd.f32 v12, v7;
	v12 =	vld [tilespmem:s13+$0x70];
	s13 =	sadd.s32 $0x100, s13  }
0xea: {  	_ =	swait.ge [sflag:s29], $0x1900  }
0xeb: {  	s12 =	sadd.s32 @!p0 $0x4E0, s10;
	[sflag:s29] =	ssyncset.done $0x0  }
0xec: {  	s13 =	simm.s32 @!p0 $0x64;
	s14 =	simm.s32 @!p0 $0xCC00;
	[sflag:s29] =	ssyncadd.s32 $0xFFFFE700  }
0xed: {  	[tilespmem:s14], [sflag:$0x5] =	stream.indirect.gather @!p0 [hbm4b:s3+s13], $0x40, s12, s13, $0xb8;
	[tilespmem:$0x15000] =	vst v63  }
0xee: {  	s14 =	simm.s32 $0xE580  }
0xef: {  	v4 =	vld [tilespmem:s14+$0x40]  }
0xf0: {  	v5 =	vld [tilespmem:s14+$0x50]  }
0xf1: {  	v6 =	vld [tilespmem:s14+$0x0]  }
0xf2: {  	v7 =	vld [tilespmem:s14+$0x10]  }
0xf3: {  	v18 =	vld [tilespmem:s14+$0xFFFFFFC0]  }
0xf4: {  	v19 =	vld [tilespmem:s14+$0xFFFFFFD0]  }
0xf5: {  	v20 =	vld [tilespmem:s14+$0xFFFFFF80]  }
0xf6: {  	v21 =	vld [tilespmem:s14+$0xFFFFFF90]  }
0xf7: {  	v11 =	vadd.f32 v11, v14;
	v13 =	vadd.f32 v13, v15;
	v14 =	vld [tilespmem:s14+$0xFFFFFFA0]  }
0xf8: {  	v15 =	vadd.f32 v2, v16;
	v3 =	vadd.f32 v3, v17;
	v63 =	vld [tilespmem:s14+$0xFFFFFFB0]  }
0xf9: {  	v8 =	vadd.f32 v8, v11;
	v10 =	vadd.f32 v10, v13;
	v2 =	vld [tilespmem:s14+$0xFFFFFFE0]  }
0xfa: {  	v11 =	vadd.f32 v0, v15;
	v1 =	vadd.f32 v1, v3;
	v3 =	vld [tilespmem:s14+$0xFFFFFFF0]  }
0xfb: {  	v9 =	vadd.f32 v9, v8;
	v10 =	vadd.f32 v12, v10;
	v0 =	vld [tilespmem:s14+$0x20]  }
0xfc: {  	v8 =	vld [tilespmem:s14+$0x30];
	v12 =	vadd.f32 v20, v11;
	v15 =	vadd.f32 v21, v1  }
0xfd: {  	v11 =	vadd.f32 v14, v9;
	v10 =	vadd.f32 v63, v10;
	v1 =	vld [tilespmem:s14+$0x60]  }
0xfe: {  	s12 =	simm.s32 $0x0;
	s13 =	simm.s32 $0xE680;
	v9 =	vld [tilespmem:s14+$0x70];
	v13 =	vadd.f32 v18, v12;
	v12 =	vadd.f32 v19, v15  }
.LBB2_13:
0xff: {  	v14 =	vld [tilespmem:s13+$0x40];
	v2 =	vadd.f32 v2, v11;
	v3 =	vadd.f32 v3, v10  }
0x100: {  	v10 =	vld [tilespmem:s13+$0x50];
	v11 =	vadd.f32 v6, v13;
	v12 =	vadd.f32 v7, v12  }
0x101: {  	v6 =	vld [tilespmem:s13+$0x0];
	v0 =	vadd.f32 v0, v2;
	v2 =	vadd.f32 v8, v3  }
0x102: {  	v7 =	vld [tilespmem:s13+$0x10];
	v8 =	vadd.f32 v4, v11;
	v11 =	vadd.f32 v5, v12  }
0x103: {  	v12 =	vld [tilespmem:s13+$0xFFFFFFC0];
	v1 =	vadd.f32 v1, v0;
	v9 =	vadd.f32 v9, v2  }
0x104: {  	v15 =	vld [tilespmem:s13+$0xFFFFFFD0];
	v4 =	vmov v14  }
0x105: {  	v13 =	vld [tilespmem:s13+$0xFFFFFF80];
	v5 =	vmov v10  }
0x106: {  	v10 =	vld [tilespmem:s13+$0xFFFFFF90]  }
0x107: {  	v14 =	vld [tilespmem:s13+$0xFFFFFFA0]  }
0x108: {  	s12 =	sadd.s32 $0x4, s12;
	v16 =	vld [tilespmem:s13+$0xFFFFFFB0]  }
0x109: {  	p1 =	slt.u32 s12, $0x60;
	v2 =	vld [tilespmem:s13+$0xFFFFFFE0]  }
.Ltmp5:
0x10a: {  	v3 =	vld [tilespmem:s13+$0xFFFFFFF0];
	(pc) =	sbr.rel @p1 .LBB2_13-.Ltmp5, $4  }
0x10b: {  	v0 =	vld [tilespmem:s13+$0x20]  }
0x10c: {  	v13 =	vadd.f32 v13, v8;
	v17 =	vadd.f32 v10, v11;
	v8 =	vld [tilespmem:s13+$0x30]  }
0x10d: {  	v11 =	vadd.f32 v14, v1;
	v10 =	vadd.f32 v16, v9;
	v1 =	vld [tilespmem:s13+$0x60]  }
0x10e: {  	v13 =	vadd.f32 v12, v13;
	v12 =	vadd.f32 v15, v17;
	v9 =	vld [tilespmem:s13+$0x70];
	s13 =	sadd.s32 $0x100, s13  }
0x10f: {  	_ = 	snop  }
0x110: {  	v2 =	vadd.f32 v2, v11;
	v6 =	vadd.f32 v6, v13  }
0x111: {  	v3 =	vadd.f32 v3, v10;
	v7 =	vadd.f32 v7, v12  }
0x112: {  	v0 =	vadd.f32 v0, v2;
	v2 =	vadd.f32 v4, v6  }
0x113: {  	v3 =	vadd.f32 v8, v3;
	v4 =	vadd.f32 v5, v7  }
0x114: {  	v0 =	vadd.f32 v1, v0;
	[tilespmem:s11+$0x13080] =	vst v2  }
0x115: {  	v1 =	vadd.f32 v9, v3;
	[tilespmem:s11+$0x13090] =	vst v4  }
0x116: {  	[tilespmem:s11+$0x130A0] =	vst v0  }
0x117: {  	[tilespmem:s11+$0x130B0] =	vst v1  }
0x118: {  	_ =	swait.ge [sflag:s30], $0x1900  }
0x119: {  	s12 =	sadd.s32 @!p0 $0x548, s10;
	[sflag:s30] =	ssyncset.done $0x0  }
0x11a: {  	s13 =	simm.s32 @!p0 $0x64;
	s14 =	simm.s32 @!p0 $0xE500;
	[sflag:s30] =	ssyncadd.s32 $0xFFFFE700  }
0x11b: {  	[tilespmem:s14], [sflag:$0x6] =	stream.indirect.gather @!p0 [hbm4b:s3+s13], $0x40, s12, s13, $0xb8;
	[tilespmem:$0x15000] =	vst v63  }
0x11c: {  	s14 =	simm.s32 $0xFE80  }
0x11d: {  	v0 =	vld [tilespmem:s14+$0x40]  }
0x11e: {  	v1 =	vld [tilespmem:s14+$0x50]  }
0x11f: {  	v2 =	vld [tilespmem:s14+$0x0]  }
0x120: {  	v3 =	vld [tilespmem:s14+$0x10]  }
0x121: {  	v4 =	vld [tilespmem:s14+$0xFFFFFFC0]  }
0x122: {  	v5 =	vld [tilespmem:s14+$0xFFFFFFD0]  }
0x123: {  	v6 =	vld [tilespmem:s14+$0xFFFFFF80]  }
0x124: {  	v7 =	vld [tilespmem:s14+$0xFFFFFF90]  }
0x125: {  	v9 =	vld [tilespmem:s14+$0xFFFFFFA0]  }
0x126: {  	v12 =	vld [tilespmem:s14+$0xFFFFFFB0]  }
0x127: {  	v11 =	vld [tilespmem:s14+$0xFFFFFFE0]  }
0x128: {  	v13 =	vld [tilespmem:s14+$0xFFFFFFF0]  }
0x129: {  	v15 =	vimm.f32 $0.0e+00;
	v8 =	vld [tilespmem:s14+$0x20]  }
0x12a: {  	v10 =	vld [tilespmem:s14+$0x30];
	v6 =	vadd.f32 v6, v15;
	v7 =	vadd.f32 v7, v15  }
0x12b: {  	v14 =	vadd.f32 v9, v15;
	v15 =	vadd.f32 v12, v15;
	v9 =	vld [tilespmem:s14+$0x60]  }
0x12c: {  	s12 =	simm.s32 $0x0;
	s13 =	simm.s32 $0xFF80;
	v12 =	vld [tilespmem:s14+$0x70];
	v16 =	vadd.f32 v4, v6;
	v17 =	vadd.f32 v5, v7  }
.LBB2_15:
0x12d: {  	v4 =	vld [tilespmem:s13+$0x40];
	v5 =	vadd.f32 v11, v14;
	v6 =	vadd.f32 v13, v15  }
0x12e: {  	v7 =	vld [tilespmem:s13+$0x50];
	v11 =	vadd.f32 v2, v16;
	v13 =	vadd.f32 v3, v17  }
0x12f: {  	v2 =	vld [tilespmem:s13+$0x0];
	v5 =	vadd.f32 v8, v5;
	v6 =	vadd.f32 v10, v6  }
0x130: {  	v3 =	vld [tilespmem:s13+$0x10];
	v10 =	vadd.f32 v0, v11;
	v14 =	vadd.f32 v1, v13  }
0x131: {  	v16 =	vld [tilespmem:s13+$0xFFFFFFC0];
	v5 =	vadd.f32 v9, v5;
	v6 =	vadd.f32 v12, v6  }
0x132: {  	v12 =	vld [tilespmem:s13+$0xFFFFFFD0];
	v0 =	vmov v4  }
0x133: {  	v4 =	vld [tilespmem:s13+$0xFFFFFF80];
	v1 =	vmov v7  }
0x134: {  	v7 =	vld [tilespmem:s13+$0xFFFFFF90]  }
0x135: {  	v9 =	vld [tilespmem:s13+$0xFFFFFFA0]  }
0x136: {  	s12 =	sadd.s32 $0x4, s12;
	v15 =	vld [tilespmem:s13+$0xFFFFFFB0]  }
0x137: {  	p1 =	slt.u32 s12, $0x60;
	v11 =	vld [tilespmem:s13+$0xFFFFFFE0]  }
.Ltmp6:
0x138: {  	v13 =	vld [tilespmem:s13+$0xFFFFFFF0];
	(pc) =	sbr.rel @p1 .LBB2_15-.Ltmp6, $4  }
0x139: {  	v8 =	vld [tilespmem:s13+$0x20]  }
0x13a: {  	v4 =	vadd.f32 v4, v10;
	v7 =	vadd.f32 v7, v14;
	v10 =	vld [tilespmem:s13+$0x30]  }
0x13b: {  	v14 =	vadd.f32 v9, v5;
	v15 =	vadd.f32 v15, v6;
	v9 =	vld [tilespmem:s13+$0x60]  }
0x13c: {  	v16 =	vadd.f32 v16, v4;
	v17 =	vadd.f32 v12, v7;
	v12 =	vld [tilespmem:s13+$0x70];
	s13 =	sadd.s32 $0x100, s13  }
0x13d: {  	_ =	swait.ge [sflag:s31], $0x1900  }
0x13e: {  	s10 =	sadd.s32 @!p0 $0x5B0, s10;
	s12 =	simm.s32 @!p0 $0x64;
	[sflag:s31] =	ssyncset.done $0x0  }
0x13f: {  	s13 =	simm.s32 @!p0 $0xFE00;
	s14 =	simm.s32 $0x11780;
	[sflag:s31] =	ssyncadd.s32 $0xFFFFE700  }
0x140: {  	[tilespmem:s13], [sflag:$0x7] =	stream.indirect.gather @!p0 [hbm4b:s3+s12], $0x40, s10, s12, $0xb8;
	[tilespmem:$0x15000] =	vst v63  }
0x141: {  	v4 =	vld [tilespmem:s14+$0x40]  }
0x142: {  	v5 =	vld [tilespmem:s14+$0x50]  }
0x143: {  	v6 =	vld [tilespmem:s14+$0x0]  }
0x144: {  	v7 =	vld [tilespmem:s14+$0x10]  }
0x145: {  	v18 =	vld [tilespmem:s14+$0xFFFFFFC0]  }
0x146: {  	v19 =	vld [tilespmem:s14+$0xFFFFFFD0]  }
0x147: {  	v20 =	vld [tilespmem:s14+$0xFFFFFF80]  }
0x148: {  	v21 =	vld [tilespmem:s14+$0xFFFFFF90]  }
0x149: {  	v11 =	vadd.f32 v11, v14;
	v13 =	vadd.f32 v13, v15;
	v14 =	vld [tilespmem:s14+$0xFFFFFFA0]  }
0x14a: {  	v15 =	vadd.f32 v2, v16;
	v3 =	vadd.f32 v3, v17;
	v63 =	vld [tilespmem:s14+$0xFFFFFFB0]  }
0x14b: {  	v8 =	vadd.f32 v8, v11;
	v10 =	vadd.f32 v10, v13;
	v2 =	vld [tilespmem:s14+$0xFFFFFFE0]  }
0x14c: {  	v11 =	vadd.f32 v0, v15;
	v1 =	vadd.f32 v1, v3;
	v3 =	vld [tilespmem:s14+$0xFFFFFFF0]  }
0x14d: {  	v9 =	vadd.f32 v9, v8;
	v10 =	vadd.f32 v12, v10;
	v0 =	vld [tilespmem:s14+$0x20]  }
0x14e: {  	v8 =	vld [tilespmem:s14+$0x30];
	v12 =	vadd.f32 v20, v11;
	v15 =	vadd.f32 v21, v1  }
0x14f: {  	v11 =	vadd.f32 v14, v9;
	v10 =	vadd.f32 v63, v10;
	v1 =	vld [tilespmem:s14+$0x60]  }
0x150: {  	s10 =	simm.s32 $0x0;
	s12 =	simm.s32 $0x11880;
	v9 =	vld [tilespmem:s14+$0x70];
	v13 =	vadd.f32 v18, v12;
	v12 =	vadd.f32 v19, v15  }
.LBB2_17:
0x151: {  	v14 =	vld [tilespmem:s12+$0x40];
	v2 =	vadd.f32 v2, v11;
	v3 =	vadd.f32 v3, v10  }
0x152: {  	v10 =	vld [tilespmem:s12+$0x50];
	v11 =	vadd.f32 v6, v13;
	v12 =	vadd.f32 v7, v12  }
0x153: {  	v6 =	vld [tilespmem:s12+$0x0];
	v0 =	vadd.f32 v0, v2;
	v2 =	vadd.f32 v8, v3  }
0x154: {  	v7 =	vld [tilespmem:s12+$0x10];
	v8 =	vadd.f32 v4, v11;
	v11 =	vadd.f32 v5, v12  }
0x155: {  	v12 =	vld [tilespmem:s12+$0xFFFFFFC0];
	v1 =	vadd.f32 v1, v0;
	v9 =	vadd.f32 v9, v2  }
0x156: {  	v15 =	vld [tilespmem:s12+$0xFFFFFFD0];
	v4 =	vmov v14  }
0x157: {  	v13 =	vld [tilespmem:s12+$0xFFFFFF80];
	v5 =	vmov v10  }
0x158: {  	v10 =	vld [tilespmem:s12+$0xFFFFFF90]  }
0x159: {  	v14 =	vld [tilespmem:s12+$0xFFFFFFA0]  }
0x15a: {  	s10 =	sadd.s32 $0x4, s10;
	v16 =	vld [tilespmem:s12+$0xFFFFFFB0]  }
0x15b: {  	p0 =	slt.u32 s10, $0x60;
	v2 =	vld [tilespmem:s12+$0xFFFFFFE0]  }
.Ltmp7:
0x15c: {  	v3 =	vld [tilespmem:s12+$0xFFFFFFF0];
	(pc) =	sbr.rel @p0 .LBB2_17-.Ltmp7, $4  }
0x15d: {  	v0 =	vld [tilespmem:s12+$0x20]  }
0x15e: {  	v13 =	vadd.f32 v13, v8;
	v17 =	vadd.f32 v10, v11;
	v8 =	vld [tilespmem:s12+$0x30]  }
0x15f: {  	v11 =	vadd.f32 v14, v1;
	v10 =	vadd.f32 v16, v9;
	v1 =	vld [tilespmem:s12+$0x60]  }
0x160: {  	v13 =	vadd.f32 v12, v13;
	v12 =	vadd.f32 v15, v17;
	v9 =	vld [tilespmem:s12+$0x70];
	s12 =	sadd.s32 $0x100, s12  }
0x161: {  	_ = 	snop  }
0x162: {  	v2 =	vadd.f32 v2, v11;
	v6 =	vadd.f32 v6, v13  }
0x163: {  	v3 =	vadd.f32 v3, v10;
	s9 =	sadd.s32 $0x1, s9;
	v7 =	vadd.f32 v7, v12  }
0x164: {  	p0 =	sne.s32 s9, $0x20;
	v0 =	vadd.f32 v0, v2;
	v61 =	vadd.f32 v4, v6  }
.Ltmp8:
0x165: {  	v3 =	vadd.f32 v8, v3;
	v62 =	vadd.f32 v5, v7;
	(pc) =	sbr.rel @p0 .LBB2_2-.Ltmp8, $4  }
0x166: {  	v0 =	vadd.f32 v1, v0;
	[tilespmem:s11+$0x130C0] =	vst v61  }
0x167: {  	v63 =	vadd.f32 v9, v3;
	[tilespmem:s11+$0x130D0] =	vst v62  }
0x168: {  	[tilespmem:s11+$0x130E0] =	vst v0  }
0x169: {  	[tilespmem:s11+$0x130F0] =	vst v63  }
0x16a: {  	s1 =	sadd.s32 $0x1, s1  }
0x16b: {  	p0 =	sne.s32 s1, s6  }
.Ltmp9:
0x16c: {  	_ = 	snop;
	(pc) =	sbr.rel @p0 .LBB2_1-.Ltmp9, $4  }
0x16d: {  	[hbm4b:s5+s2] =	stream.linear.scatter [tilespmem:s0], [sflag:$0x9], $0x2000, $0x38;
	[tilespmem:$0x15000] =	vst v63  }
0x16e: {  	_ =	swait.ge [sflag:s7], $0x2000  }
0x16f: {  	[sflag:s7] =	ssyncset.done $0x0  }
0x170: {  	[sflag:s7] =	ssyncadd.s32 $0xFFFFE000  }
0x171: {  	_ =	sfence.sel $0x180000  }
0x172: {  	[bflag:$0x0] =	sbarrier.arrive $0xFFFF  }
0x173: {  	_ =	strace $0x90000047  }
0x174: {  	s0 =	stileid.u32;
	[bflag:$0x2] =	sbarrier.arrive $0xFFFF  }
0x175: {  	p0 =	sne.s32 s0, $0x0;
	s0 =	rddreg [dreg:$0x2]  }
0x176: {  	s0 =	sadd.s32 @!p0 $0x100000, s0  }
0x177: {  	[sflag:s0] =	ssyncadd.tile.s32 @!p0 $0x1;
	_ =	shalt  }
.Lfunc_end2:
_tile_overlayer_lowered:
.L_overlay_start_2:
0x178: {  	(tag) =	ssettag $0x2  }
0x179: {  	s0 =	rddreg [dreg:$0x0];
	s2 =	stileid.u32  }
0x17a: {  	s1 =	rddreg [dreg:$0x1];
	p0 =	sne.s32 s2, $0x0  }
0x17b: {  	s3 =	rddreg [dreg:$0x2];
	[bflag:$0x3] =	sbarrier.arrive $0xFFFF;
	s2 =	simm.s32 @!p0 $0x1C09  }
0x17c: {  	[timem:s3], [sflag:s2] =	dma.local @!p0 [hbm:s0], s1  }
0x17d: {  	s0 =	simm.s32 @!p0 $0x9  }
0x17e: {  	_ =	swait.ge @!p0 [sflag:s0], s1  }
0x17f: {  	s1 =	ssub.s32 @!p0 $0x0, s1;
	[sflag:s0] =	ssyncset.done @!p0 $0x0  }
0x180: {  	[sflag:s0] =	ssyncadd.s32 @!p0 s1  }
0x181: {  	[bflag:$0x3] =	sbarrier.arrive $0xFFFF  }
0x182: {  	_ =	shalt  }

</sc_bundles>
